<compile_context>
chip_gen: v7x
topology: tpu7x:2x2x1
jax: 0.10.2.dev20260603
libtpu: 0.0.44.dev20260713+nightly
codegen_flags: <defaults>
</compile_context>

<pallas_src>
import jax
import jax.numpy as jnp
from jax import lax
from jax.experimental import pallas as pl
from jax.experimental.pallas import tpu as pltpu
from jax.experimental.pallas import tpu_sc as plsc

N = 10000
E = 160000
D_IN = 512
D_H = 256
D_OUT = 128

_BLK = 1000

_NW = 32
_PER_W = 5120
_P = _NW * _PER_W
_K = 128
_NEXT = N + 16

_EB = 1024
_NB = _P // _EB
_WIN = 256



def _mm_kernel(x_ref, w_ref, o_ref):
    o_ref[...] = jnp.dot(x_ref[...], w_ref[...],
                         preferred_element_type=jnp.float32)


def _matmul(x, w):
    m, k = x.shape
    n = w.shape[1]
    return pl.pallas_call(
        _mm_kernel,
        grid=(m // _BLK,),
        in_specs=[
            pl.BlockSpec((_BLK, k), lambda i: (i, 0)),
            pl.BlockSpec((k, n), lambda i: (0, 0)),
        ],
        out_specs=pl.BlockSpec((_BLK, n), lambda i: (i, 0)),
        out_shape=jax.ShapeDtypeStruct((m, n), jnp.float32),
        compiler_params=pltpu.CompilerParams(
            dimension_semantics=("parallel",)),
    )(x, w)



def _sc_gather_body(tab_hbm, idx_hbm, out_hbm, idx_v, buf0, buf1,
                    g0, g1, s0, s1):
    c = lax.axis_index("c")
    s = lax.axis_index("s")
    wid = s * 2 + c
    base = wid * _PER_W
    pltpu.sync_copy(idx_hbm.at[pl.ds(base, _PER_W)], idx_v)
    nch = _PER_W // _K

    def gather_slice(i, buf, gsem):
        return pltpu.make_async_copy(
            tab_hbm.at[idx_v.at[pl.ds(i * _K, _K)]], buf, gsem)

    def store_slice(i, buf, ssem):
        return pltpu.make_async_copy(
            buf, out_hbm.at[pl.ds(base + i * _K, _K)], ssem)

    gather_slice(0, buf0, g0).start()
    gather_slice(1, buf1, g1).start()

    @pl.loop(0, nch // 2)
    def _(ii):
        for par, (buf, gsem, ssem) in enumerate(
                ((buf0, g0, s0), (buf1, g1, s1))):
            i = ii * 2 + par
            gather_slice(i, buf, gsem).wait()
            st = store_slice(i, buf, ssem)
            st.start()

            @pl.when(i + 2 < nch)
            def _():
                st.wait()
                gather_slice(i + 2, buf, gsem).start()

    store_slice(nch - 2, buf0, s0).wait()
    store_slice(nch - 1, buf1, s1).wait()


def _sc_gather(table, idx):
    d = table.shape[1]
    mesh = plsc.VectorSubcoreMesh(core_axis_name="c", subcore_axis_name="s")
    fn = pl.kernel(
        _sc_gather_body,
        out_type=jax.ShapeDtypeStruct((_P, d), table.dtype),
        mesh=mesh,
        scratch_types=[
            pltpu.VMEM((_PER_W,), jnp.int32),
            pltpu.VMEM((_K, d), table.dtype),
            pltpu.VMEM((_K, d), table.dtype),
            pltpu.SemaphoreType.DMA,
            pltpu.SemaphoreType.DMA,
            pltpu.SemaphoreType.DMA,
            pltpu.SemaphoreType.DMA,
        ],
    )
    return fn(table, idx)



_KE = 512


def _sc_pair_body(a_hbm, b_hbm, idx_hbm, ao_hbm, bo_hbm,
                  idx_v, a0, a1, b0, b1, ga0, ga1, gb0, gb1,
                  sa0, sa1, sb0, sb1):
    c = lax.axis_index("c")
    s = lax.axis_index("s")
    wid = s * 2 + c
    base = wid * _PER_W
    pltpu.sync_copy(idx_hbm.at[pl.ds(base, _PER_W)], idx_v)
    nch = _PER_W // _KE

    def gathers(i, abuf, bbuf, gsa, gsb):
        sl = idx_v.at[pl.ds(i * _KE, _KE)]
        return (pltpu.make_async_copy(a_hbm.at[sl], abuf, gsa),
                pltpu.make_async_copy(b_hbm.at[sl], bbuf, gsb))

    def stores(i, abuf, bbuf, ssa, ssb):
        return (pltpu.make_async_copy(abuf, ao_hbm.at[pl.ds(base + i * _KE, _KE)], ssa),
                pltpu.make_async_copy(bbuf, bo_hbm.at[pl.ds(base + i * _KE, _KE)], ssb))

    for g in gathers(0, a0, b0, ga0, gb0):
        g.start()
    for g in gathers(1, a1, b1, ga1, gb1):
        g.start()

    @pl.loop(0, nch // 2)
    def _(ii):
        for par, (abuf, bbuf, gsa, gsb, ssa, ssb) in enumerate(
                ((a0, b0, ga0, gb0, sa0, sb0), (a1, b1, ga1, gb1, sa1, sb1))):
            i = ii * 2 + par
            for g in gathers(i, abuf, bbuf, gsa, gsb):
                g.wait()
            sts = stores(i, abuf, bbuf, ssa, ssb)
            for st in sts:
                st.start()

            @pl.when(i + 2 < nch)
            def _():
                for st in sts:
                    st.wait()
                for g in gathers(i + 2, abuf, bbuf, gsa, gsb):
                    g.start()

    for st in stores(nch - 2, a0, b0, sa0, sb0):
        st.wait()
    for st in stores(nch - 1, a1, b1, sa1, sb1):
        st.wait()


def _sc_pair_gather(a, b, idx):
    mesh = plsc.VectorSubcoreMesh(core_axis_name="c", subcore_axis_name="s")
    fn = pl.kernel(
        _sc_pair_body,
        out_type=(jax.ShapeDtypeStruct((_P,), a.dtype),
                  jax.ShapeDtypeStruct((_P,), b.dtype)),
        mesh=mesh,
        scratch_types=(
            [pltpu.VMEM((_PER_W,), jnp.int32)]
            + [pltpu.VMEM((_KE,), a.dtype) for _ in range(2)]
            + [pltpu.VMEM((_KE,), b.dtype) for _ in range(2)]
            + [pltpu.SemaphoreType.DMA for _ in range(8)]
        ),
    )
    return fn(a, b, idx)



def _sc_ea_body(p_hbm, q_hbm, row_hbm, col_hbm, out_hbm,
                p_v, q_v, r_v, c_v, ea_v):
    c = lax.axis_index("c")
    s = lax.axis_index("s")
    wid = s * 2 + c
    base = wid * _PER_W
    pltpu.sync_copy(p_hbm, p_v)
    pltpu.sync_copy(q_hbm, q_v)
    pltpu.sync_copy(row_hbm.at[pl.ds(base, _PER_W)], r_v)
    pltpu.sync_copy(col_hbm.at[pl.ds(base, _PER_W)], c_v)

    @pl.loop(0, _PER_W // 16)
    def _(i):
        ir = r_v[pl.ds(i * 16, 16)]
        ic = c_v[pl.ds(i * 16, 16)]
        pv = plsc.load_gather(p_v, [ir])
        qv = plsc.load_gather(q_v, [ic])
        ea_v[pl.ds(i * 16, 16)] = jnp.maximum(pv + qv, 0.0)

    pltpu.sync_copy(ea_v, out_hbm.at[pl.ds(base, _PER_W)])


def _sc_ea(p_ext, q_ext, row_s, col_s):
    mesh = plsc.VectorSubcoreMesh(core_axis_name="c", subcore_axis_name="s")
    fn = pl.kernel(
        _sc_ea_body,
        out_type=jax.ShapeDtypeStruct((_P,), jnp.float32),
        mesh=mesh,
        scratch_types=[
            pltpu.VMEM((_NEXT,), jnp.float32),
            pltpu.VMEM((_NEXT,), jnp.float32),
            pltpu.VMEM((_PER_W,), jnp.int32),
            pltpu.VMEM((_PER_W,), jnp.int32),
            pltpu.VMEM((_PER_W,), jnp.float32),
        ],
        compiler_params=pltpu.CompilerParams(needs_layout_passes=False),
    )
    return fn(p_ext, q_ext, row_s, col_s)



def _make_seg_kernel(edge_split):
    def _seg_kernel(c0_ref, m_ref, col_ref, val_ref, out_ref):
        h = pl.program_id(0)
        j = pl.program_id(1)

        @pl.when(j == 0)
        def _():
            out_ref[...] = jnp.zeros_like(out_ref)

        jj = j + h * pl.num_programs(1) if edge_split else j
        c0 = c0_ref[jj]
        loc = col_ref[0, 0, :] - c0 * 128
        vals = val_ref[0, 0, :]
        iota = lax.broadcasted_iota(jnp.int32, (_WIN, _EB), 0)
        onehot = (iota == loc[None, :]).astype(jnp.bfloat16)
        mv = m_ref[...] * vals[:, None]
        hi = mv.astype(jnp.bfloat16)
        lo = (mv - hi.astype(jnp.float32)).astype(jnp.bfloat16)
        prod = (jnp.dot(onehot, hi, preferred_element_type=jnp.float32)
                + jnp.dot(onehot, lo, preferred_element_type=jnp.float32))
        cur = out_ref[0, pl.ds(c0 * 128, _WIN), :]
        out_ref[0, pl.ds(c0 * 128, _WIN), :] = cur + prod

    return _seg_kernel


def _segment(c0, m, col3, val3, d):
    edge_split = True
    dh = d if edge_split else d // 2
    nj = _NB // 2 if edge_split else _NB
    if edge_split:
        m_map = lambda h, j, s: (h * nj + j, 0)
        e_map = lambda h, j, s: (h * nj + j, 0, 0)
    else:
        m_map = lambda h, j, s: (j, h)
        e_map = lambda h, j, s: (j, 0, 0)
    grid_spec = pltpu.PrefetchScalarGridSpec(
        num_scalar_prefetch=1,
        grid=(2, nj),
        in_specs=[
            pl.BlockSpec((_EB, dh), m_map),
            pl.BlockSpec((1, 1, _EB), e_map),
            pl.BlockSpec((1, 1, _EB), e_map),
        ],
        out_specs=pl.BlockSpec((1, N + 240, dh), lambda h, j, s: (h, 0, 0)),
    )
    accs = pl.pallas_call(
        _make_seg_kernel(edge_split),
        grid_spec=grid_spec,
        out_shape=jax.ShapeDtypeStruct((2, N + 240, dh), jnp.float32),
        compiler_params=pltpu.CompilerParams(
            dimension_semantics=("parallel", "arbitrary")),
    )(c0, m, col3, val3)
    if edge_split:
        return accs[0] + accs[1]
    return jnp.transpose(accs, (1, 0, 2)).reshape(N + 240, d)



def kernel(node_attr, edge_attr, edge_index, W1, b1, W2, b2, Wm, bm):
    row = edge_index[0]
    col = edge_index[1]
    ew = edge_attr.reshape(-1)

    npad = _P - E
    colp = jnp.concatenate([col, jnp.full((npad,), N - 1, jnp.int32)])
    rowp = jnp.concatenate(
        [row, N + (jnp.arange(npad, dtype=jnp.int32) % 16)])
    ewp = jnp.concatenate([ew, jnp.zeros((npad,), jnp.float32)])

    packed = (colp.astype(jnp.uint32) << 18) | jnp.arange(_P, dtype=jnp.uint32)
    packed_s = lax.sort(packed)
    col_s = (packed_s >> 18).astype(jnp.int32)
    id_s = (packed_s & 0x3FFFF).astype(jnp.int32)
    row_s, ew_s = _sc_pair_gather(rowp, ewp, id_s)

    c0 = col_s[::_EB] // 128
    col3 = col_s.reshape(_NB, 1, _EB)
    pad16 = ((0, 16), (0, 0))

    deg1 = jnp.ones((N,), jnp.float32).at[col_s].add(
        ew_s, indices_are_sorted=True)
    dinv1 = lax.rsqrt(deg1)
    xw1 = _matmul(node_attr, W1)
    z1 = xw1 * dinv1[:, None]
    m1 = _sc_gather(jnp.pad(z1, pad16), row_s)
    acc1 = _segment(c0, m1, col3, ew_s.reshape(_NB, 1, _EB), D_H)
    h = jax.nn.relu(dinv1[:, None] * (acc1[:N] + z1) + b1)

    wm_a = Wm[:D_H, :]
    wm_b = Wm[D_H:, :]
    wext = jnp.concatenate([W2, wm_a, wm_b], axis=1)
    wext = jnp.pad(wext, ((0, 0), (0, 126)))
    big = _matmul(h, wext)
    hw2 = big[:, :D_OUT]
    p = big[:, D_OUT]
    q = big[:, D_OUT + 1]

    p_ext = jnp.concatenate([p + bm[0], jnp.full((16,), -1e30, jnp.float32)])
    q_ext = jnp.concatenate([q, jnp.zeros((16,), jnp.float32)])
    ea_s = _sc_ea(p_ext, q_ext, row_s, col_s)

    deg2 = jnp.ones((N,), jnp.float32).at[col_s].add(
        ea_s, indices_are_sorted=True)
    dinv2 = lax.rsqrt(deg2)
    z2 = hw2 * dinv2[:, None]
    m2 = _sc_gather(jnp.pad(z2, pad16), row_s)
    acc2 = _segment(c0, m2, col3, ea_s.reshape(_NB, 1, _EB), D_OUT)
    out = dinv2[:, None] * (acc2[:N] + z2) + b2
    return out

# --- scband reference (transcript-rebuilt; emitter-appended) ---
"""Pipeline reference for scband-optim-net-7026566496512 (READ-ONLY COPY).

The authoritative reference and input builder live on the scoring server;
editing this copy changes nothing except your own understanding.
"""

import jax, jax.numpy as jnp
import numpy as np

N = 10000
E = 160000
D_IN = 512
D_H = 256
D_OUT = 128


def gcn_conv(x, edge_index, edge_weight, W, b, num_nodes):
    # PyG GCNConv with edge_weight, improved=False: add self-loops (weight 1),
    # symmetric normalization, then aggregate normalized messages at dst (col).
    row = edge_index[0]
    col = edge_index[1]
    loop = jnp.arange(num_nodes, dtype=row.dtype)
    row_f = jnp.concatenate([row, loop])
    col_f = jnp.concatenate([col, loop])
    ew_f = jnp.concatenate([edge_weight, jnp.ones((num_nodes,), dtype=edge_weight.dtype)])
    deg = jnp.zeros((num_nodes,), dtype=edge_weight.dtype).at[col_f].add(ew_f)
    dinv = jnp.where(deg > 0, 1.0 / jnp.sqrt(deg), 0.0)
    norm = dinv[row_f] * ew_f * dinv[col_f]
    xw = x @ W
    msgs = jnp.take(xw, row_f, axis=0) * norm[:, None]
    out = jnp.zeros((num_nodes, W.shape[1]), dtype=x.dtype).at[col_f].add(msgs)
    return out + b


def setup_inputs(seed: int = 0):
    key = jax.random.key(seed)
    ks = jax.random.split(key, 10)
    node_attr = jax.random.normal(ks[0], (N, D_IN), dtype=jnp.float32)
    edge_attr = jax.random.uniform(ks[1], (E,), dtype=jnp.float32)
    edge_index = jax.random.randint(ks[2], (2, E), 0, N, dtype=jnp.int32)
    W1 = jax.random.normal(ks[3], (D_IN, D_H), dtype=jnp.float32) / np.sqrt(D_IN)
    b1 = jnp.zeros((D_H,), dtype=jnp.float32)
    W2 = jax.random.normal(ks[4], (D_H, D_OUT), dtype=jnp.float32) / np.sqrt(D_H)
    b2 = jnp.zeros((D_OUT,), dtype=jnp.float32)
    Wm = jax.random.normal(ks[5], (2 * D_H, 1), dtype=jnp.float32) / np.sqrt(2 * D_H)
    bm = jnp.zeros((1,), dtype=jnp.float32)
    return {"node_attr": node_attr, "edge_attr": edge_attr, "edge_index": edge_index,
            "W1": W1, "b1": b1, "W2": W2, "b2": b2, "Wm": Wm, "bm": bm}


def reference(node_attr, edge_attr, edge_index, W1, b1, W2, b2, Wm, bm):
    out = gcn_conv(node_attr, edge_index, edge_attr.reshape(-1), W1, b1, N)
    out = jax.nn.relu(out)
    # similarity1: per-edge MLP on concatenated endpoint embeddings (vectorized)
    src = jnp.take(out, edge_index[0], axis=0)
    dst = jnp.take(out, edge_index[1], axis=0)
    ea = jax.nn.relu(jnp.concatenate([src, dst], axis=1) @ Wm + bm)  # [E,1]
    out = gcn_conv(out, edge_index, ea.reshape(-1), W2, b2, N)
    return out

if __name__ == "__main__":
    import jax
    _d = setup_inputs()
    print(jax.jit(kernel)(*tuple(_d.values())))

</pallas_src>

<mosaic_0001>
#map = affine_map<(d0, d1) -> (0)>
module attributes {stable_mosaic.version = 14 : i64} {
  func.func @_sc_pair_body(%arg0: i32, %arg1: i32, %arg2: memref<163840xi32, #tpu.memory_space<hbm>>, %arg3: memref<163840xf32, #tpu.memory_space<hbm>>, %arg4: memref<163840xi32, #tpu.memory_space<hbm>>, %arg5: memref<163840xi32, #tpu.memory_space<hbm>>, %arg6: memref<163840xf32, #tpu.memory_space<hbm>>, %arg7: memref<5120xi32, #tpu.memory_space<vmem>>, %arg8: memref<512xi32, #tpu.memory_space<vmem>>, %arg9: memref<512xi32, #tpu.memory_space<vmem>>, %arg10: memref<512xf32, #tpu.memory_space<vmem>>, %arg11: memref<512xf32, #tpu.memory_space<vmem>>, %arg12: memref<!tpu.dma_semaphore, #tpu.memory_space<semaphore_mem>>, %arg13: memref<!tpu.dma_semaphore, #tpu.memory_space<semaphore_mem>>, %arg14: memref<!tpu.dma_semaphore, #tpu.memory_space<semaphore_mem>>, %arg15: memref<!tpu.dma_semaphore, #tpu.memory_space<semaphore_mem>>, %arg16: memref<!tpu.dma_semaphore, #tpu.memory_space<semaphore_mem>>, %arg17: memref<!tpu.dma_semaphore, #tpu.memory_space<semaphore_mem>>, %arg18: memref<!tpu.dma_semaphore, #tpu.memory_space<semaphore_mem>>, %arg19: memref<!tpu.dma_semaphore, #tpu.memory_space<semaphore_mem>>) attributes {dimension_semantics = [#tpu.dimension_semantics<core_parallel>, #tpu.dimension_semantics<subcore_parallel>], iteration_bounds = array<i64: 2, 16>, scalar_prefetch = 0 : i64, scratch_operands = 13 : i64, tpu.core_type = #tpu.core_type<sc_vector_subcore>, window_params = [{transform_indices = #map}, {transform_indices = #map}, {transform_indices = #map}, {transform_indices = #map}, {transform_indices = #map}]} {
    %mul3A = arith.constant 2 : i32
    %mul3A_0 = arith.muli %arg1, %mul3A : i32
    %add3A = arith.addi %mul3A_0, %arg0 : i32
    %mul3A_1 = arith.constant 5120 : i32
    %mul3A_2 = arith.muli %add3A, %mul3A_1 : i32
    "tpu.region"() ({
      %run_scoped3A = tpu.sem_alloc : memref<!tpu.dma_semaphore, #tpu.memory_space<semaphore_mem>>
      %dma_start3A_37 = tpu.memref_slice %arg4[%mul3A_2] : memref<163840xi32, #tpu.memory_space<hbm>> -> memref<5120xi32, #tpu.memory_space<hbm>>
      %dma_start3A_38 = tpu.memref_slice %arg4[%mul3A_2] : memref<163840xi32, #tpu.memory_space<hbm>> -> memref<5120xi32, #tpu.memory_space<hbm>>
      tpu.enqueue_dma source(%dma_start3A_38 : memref<5120xi32, #tpu.memory_space<hbm>>) target(%arg7 : memref<5120xi32, #tpu.memory_space<vmem>>) target_semaphore(%run_scoped3A : memref<!tpu.dma_semaphore, #tpu.memory_space<semaphore_mem>>)
      %dma_wait3A_39 = tpu.memref_slice %arg4[%mul3A_2] : memref<163840xi32, #tpu.memory_space<hbm>> -> memref<5120xi32, #tpu.memory_space<hbm>>
      %dma_wait3A_40 = tpu.memref_slice %arg4[%mul3A_2] : memref<163840xi32, #tpu.memory_space<hbm>> -> memref<5120xi32, #tpu.memory_space<hbm>>
      tpu.wait_dma2 semaphore(%run_scoped3A : memref<!tpu.dma_semaphore, #tpu.memory_space<semaphore_mem>>) src(%dma_wait3A_40 : memref<5120xi32, #tpu.memory_space<hbm>>) dst(%arg7 : memref<5120xi32, #tpu.memory_space<vmem>>)
      tpu.yield
    }) : () -> ()
    %dma_start3A = arith.constant 0 : i32
    %dma_start3A_3 = tpu.memref_slice %arg7[%dma_start3A] : memref<5120xi32, #tpu.memory_space<vmem>> -> memref<512xi32, #tpu.memory_space<vmem>>
    %dma_start3A_4 = arith.constant 0 : i32
    %dma_start3A_5 = tpu.memref_slice %arg2[%dma_start3A_4] : memref<163840xi32, #tpu.memory_space<hbm>> -> memref<163840xi32, #tpu.memory_space<hbm>>
    tpu.enqueue_indirect_dma source(%dma_start3A_5 : memref<163840xi32, #tpu.memory_space<hbm>>) target(%arg8 : memref<512xi32, #tpu.memory_space<vmem>>) offsets(%dma_start3A_3 : memref<512xi32, #tpu.memory_space<vmem>>) semaphore(%arg12 : memref<!tpu.dma_semaphore, #tpu.memory_space<semaphore_mem>>)
    %dma_start3A_6 = arith.constant 0 : i32
    %dma_start3A_7 = tpu.memref_slice %arg7[%dma_start3A_6] : memref<5120xi32, #tpu.memory_space<vmem>> -> memref<512xi32, #tpu.memory_space<vmem>>
    %dma_start3A_8 = arith.constant 0 : i32
    %dma_start3A_9 = tpu.memref_slice %arg3[%dma_start3A_8] : memref<163840xf32, #tpu.memory_space<hbm>> -> memref<163840xf32, #tpu.memory_space<hbm>>
    tpu.enqueue_indirect_dma source(%dma_start3A_9 : memref<163840xf32, #tpu.memory_space<hbm>>) target(%arg10 : memref<512xf32, #tpu.memory_space<vmem>>) offsets(%dma_start3A_7 : memref<512xi32, #tpu.memory_space<vmem>>) semaphore(%arg14 : memref<!tpu.dma_semaphore, #tpu.memory_space<semaphore_mem>>)
    %dma_start3A_10 = arith.constant 512 : i32
    %dma_start3A_11 = tpu.memref_slice %arg7[%dma_start3A_10] : memref<5120xi32, #tpu.memory_space<vmem>> -> memref<512xi32, #tpu.memory_space<vmem>>
    %dma_start3A_12 = arith.constant 0 : i32
    %dma_start3A_13 = tpu.memref_slice %arg2[%dma_start3A_12] : memref<163840xi32, #tpu.memory_space<hbm>> -> memref<163840xi32, #tpu.memory_space<hbm>>
    tpu.enqueue_indirect_dma source(%dma_start3A_13 : memref<163840xi32, #tpu.memory_space<hbm>>) target(%arg9 : memref<512xi32, #tpu.memory_space<vmem>>) offsets(%dma_start3A_11 : memref<512xi32, #tpu.memory_space<vmem>>) semaphore(%arg13 : memref<!tpu.dma_semaphore, #tpu.memory_space<semaphore_mem>>)
    %dma_start3A_14 = arith.constant 512 : i32
    %dma_start3A_15 = tpu.memref_slice %arg7[%dma_start3A_14] : memref<5120xi32, #tpu.memory_space<vmem>> -> memref<512xi32, #tpu.memory_space<vmem>>
    %dma_start3A_16 = arith.constant 0 : i32
    %dma_start3A_17 = tpu.memref_slice %arg3[%dma_start3A_16] : memref<163840xf32, #tpu.memory_space<hbm>> -> memref<163840xf32, #tpu.memory_space<hbm>>
    tpu.enqueue_indirect_dma source(%dma_start3A_17 : memref<163840xf32, #tpu.memory_space<hbm>>) target(%arg11 : memref<512xf32, #tpu.memory_space<vmem>>) offsets(%dma_start3A_15 : memref<512xi32, #tpu.memory_space<vmem>>) semaphore(%arg15 : memref<!tpu.dma_semaphore, #tpu.memory_space<semaphore_mem>>)
    %scan3A = arith.constant 0 : i32
    %scan3A_18 = arith.constant 5 : i32
    %scan3A_19 = arith.addi %scan3A, %scan3A_18 : i32
    %scan3A_20 = arith.constant 1 : i32
    scf.for %scan3A_37 = %scan3A to %scan3A_19 step %scan3A_20  : i32 {
      %mul3A_38 = arith.constant 1 : i32
      %mul3A_39 = arith.muli %scan3A_37, %mul3A_38 : i32
      %add3A_40 = arith.constant 0 : i32
      %add3A_41 = arith.addi %add3A_40, %mul3A_39 : i32
      %mul3A_42 = arith.constant 2 : i32
      %mul3A_43 = arith.muli %add3A_41, %mul3A_42 : i32
      %add3A_44 = arith.constant 0 : i32
      %add3A_45 = arith.addi %mul3A_43, %add3A_44 : i32
      %mul3A_46 = arith.constant 512 : i32
      %mul3A_47 = arith.muli %add3A_45, %mul3A_46 : i32
      %dma_wait3A_48 = tpu.memref_slice %arg7[%mul3A_47] : memref<5120xi32, #tpu.memory_space<vmem>> -> memref<512xi32, #tpu.memory_space<vmem>>
      %dma_wait3A_49 = arith.constant 0 : i32
      %dma_wait3A_50 = tpu.memref_slice %arg2[%dma_wait3A_49] : memref<163840xi32, #tpu.memory_space<hbm>> -> memref<163840xi32, #tpu.memory_space<hbm>>
      tpu.wait_indirect_dma semaphore(%arg12 : memref<!tpu.dma_semaphore, #tpu.memory_space<semaphore_mem>>) src(%dma_wait3A_50 : memref<163840xi32, #tpu.memory_space<hbm>>) dst(%arg8 : memref<512xi32, #tpu.memory_space<vmem>>)
      %dma_wait3A_51 = tpu.memref_slice %arg7[%mul3A_47] : memref<5120xi32, #tpu.memory_space<vmem>> -> memref<512xi32, #tpu.memory_space<vmem>>
      %dma_wait3A_52 = arith.constant 0 : i32
      %dma_wait3A_53 = tpu.memref_slice %arg3[%dma_wait3A_52] : memref<163840xf32, #tpu.memory_space<hbm>> -> memref<163840xf32, #tpu.memory_space<hbm>>
      tpu.wait_indirect_dma semaphore(%arg14 : memref<!tpu.dma_semaphore, #tpu.memory_space<semaphore_mem>>) src(%dma_wait3A_53 : memref<163840xf32, #tpu.memory_space<hbm>>) dst(%arg10 : memref<512xf32, #tpu.memory_space<vmem>>)
      %mul3A_54 = arith.constant 512 : i32
      %mul3A_55 = arith.muli %add3A_45, %mul3A_54 : i32
      %add3A_56 = arith.addi %mul3A_2, %mul3A_55 : i32
      %mul3A_57 = arith.constant 512 : i32
      %mul3A_58 = arith.muli %add3A_45, %mul3A_57 : i32
      %add3A_59 = arith.addi %mul3A_2, %mul3A_58 : i32
      %dma_start3A_60 = tpu.memref_slice %arg5[%add3A_56] : memref<163840xi32, #tpu.memory_space<hbm>> -> memref<512xi32, #tpu.memory_space<hbm>>
      %dma_start3A_61 = tpu.memref_slice %arg5[%add3A_56] : memref<163840xi32, #tpu.memory_space<hbm>> -> memref<512xi32, #tpu.memory_space<hbm>>
      tpu.enqueue_dma source(%arg8 : memref<512xi32, #tpu.memory_space<vmem>>) target(%dma_start3A_61 : memref<512xi32, #tpu.memory_space<hbm>>) target_semaphore(%arg16 : memref<!tpu.dma_semaphore, #tpu.memory_space<semaphore_mem>>)
      %dma_start3A_62 = tpu.memref_slice %arg6[%add3A_59] : memref<163840xf32, #tpu.memory_space<hbm>> -> memref<512xf32, #tpu.memory_space<hbm>>
      %dma_start3A_63 = tpu.memref_slice %arg6[%add3A_59] : memref<163840xf32, #tpu.memory_space<hbm>> -> memref<512xf32, #tpu.memory_space<hbm>>
      tpu.enqueue_dma source(%arg10 : memref<512xf32, #tpu.memory_space<vmem>>) target(%dma_start3A_63 : memref<512xf32, #tpu.memory_space<hbm>>) target_semaphore(%arg18 : memref<!tpu.dma_semaphore, #tpu.memory_space<semaphore_mem>>)
      %add3A_64 = arith.constant 2 : i32
      %add3A_65 = arith.addi %add3A_45, %add3A_64 : i32
      %lt3A = arith.constant 10 : i32
      %lt3A_66 = arith.cmpi slt, %add3A_65, %lt3A : i32
      %convert_element_type3A = arith.extui %lt3A_66 : i1 to i32
      %cond3A = arith.constant 0 : i32
      %cond3A_67 = arith.cmpi ne, %convert_element_type3A, %cond3A : i32
      scf.if %cond3A_67 {
        %dma_wait3A_97 = tpu.memref_slice %arg5[%add3A_56] : memref<163840xi32, #tpu.memory_space<hbm>> -> memref<512xi32, #tpu.memory_space<hbm>>
        %dma_wait3A_98 = tpu.memref_slice %arg5[%add3A_56] : memref<163840xi32, #tpu.memory_space<hbm>> -> memref<512xi32, #tpu.memory_space<hbm>>
        tpu.wait_dma2 semaphore(%arg16 : memref<!tpu.dma_semaphore, #tpu.memory_space<semaphore_mem>>) src(%arg8 : memref<512xi32, #tpu.memory_space<vmem>>) dst(%dma_wait3A_98 : memref<512xi32, #tpu.memory_space<hbm>>)
        %dma_wait3A_99 = tpu.memref_slice %arg6[%add3A_59] : memref<163840xf32, #tpu.memory_space<hbm>> -> memref<512xf32, #tpu.memory_space<hbm>>
        %dma_wait3A_100 = tpu.memref_slice %arg6[%add3A_59] : memref<163840xf32, #tpu.memory_space<hbm>> -> memref<512xf32, #tpu.memory_space<hbm>>
        tpu.wait_dma2 semaphore(%arg18 : memref<!tpu.dma_semaphore, #tpu.memory_space<semaphore_mem>>) src(%arg10 : memref<512xf32, #tpu.memory_space<vmem>>) dst(%dma_wait3A_100 : memref<512xf32, #tpu.memory_space<hbm>>)
        %add3A_101 = arith.constant 2 : i32
        %add3A_102 = arith.addi %add3A_45, %add3A_101 : i32
        %mul3A_103 = arith.constant 512 : i32
        %mul3A_104 = arith.muli %add3A_102, %mul3A_103 : i32
        %dma_start3A_105 = tpu.memref_slice %arg7[%mul3A_104] : memref<5120xi32, #tpu.memory_space<vmem>> -> memref<512xi32, #tpu.memory_space<vmem>>
        %dma_start3A_106 = arith.constant 0 : i32
        %dma_start3A_107 = tpu.memref_slice %arg2[%dma_start3A_106] : memref<163840xi32, #tpu.memory_space<hbm>> -> memref<163840xi32, #tpu.memory_space<hbm>>
        tpu.enqueue_indirect_dma source(%dma_start3A_107 : memref<163840xi32, #tpu.memory_space<hbm>>) target(%arg8 : memref<512xi32, #tpu.memory_space<vmem>>) offsets(%dma_start3A_105 : memref<512xi32, #tpu.memory_space<vmem>>) semaphore(%arg12 : memref<!tpu.dma_semaphore, #tpu.memory_space<semaphore_mem>>)
        %dma_start3A_108 = tpu.memref_slice %arg7[%mul3A_104] : memref<5120xi32, #tpu.memory_space<vmem>> -> memref<512xi32, #tpu.memory_space<vmem>>
        %dma_start3A_109 = arith.constant 0 : i32
        %dma_start3A_110 = tpu.memref_slice %arg3[%dma_start3A_109] : memref<163840xf32, #tpu.memory_space<hbm>> -> memref<163840xf32, #tpu.memory_space<hbm>>
        tpu.enqueue_indirect_dma source(%dma_start3A_110 : memref<163840xf32, #tpu.memory_space<hbm>>) target(%arg10 : memref<512xf32, #tpu.memory_space<vmem>>) offsets(%dma_start3A_108 : memref<512xi32, #tpu.memory_space<vmem>>) semaphore(%arg14 : memref<!tpu.dma_semaphore, #tpu.memory_space<semaphore_mem>>)
      } else {
      }
      %mul3A_68 = arith.constant 2 : i32
      %mul3A_69 = arith.muli %add3A_41, %mul3A_68 : i32
      %add3A_70 = arith.constant 1 : i32
      %add3A_71 = arith.addi %mul3A_69, %add3A_70 : i32
      %mul3A_72 = arith.constant 512 : i32
      %mul3A_73 = arith.muli %add3A_71, %mul3A_72 : i32
      %dma_wait3A_74 = tpu.memref_slice %arg7[%mul3A_73] : memref<5120xi32, #tpu.memory_space<vmem>> -> memref<512xi32, #tpu.memory_space<vmem>>
      %dma_wait3A_75 = arith.constant 0 : i32
      %dma_wait3A_76 = tpu.memref_slice %arg2[%dma_wait3A_75] : memref<163840xi32, #tpu.memory_space<hbm>> -> memref<163840xi32, #tpu.memory_space<hbm>>
      tpu.wait_indirect_dma semaphore(%arg13 : memref<!tpu.dma_semaphore, #tpu.memory_space<semaphore_mem>>) src(%dma_wait3A_76 : memref<163840xi32, #tpu.memory_space<hbm>>) dst(%arg9 : memref<512xi32, #tpu.memory_space<vmem>>)
      %dma_wait3A_77 = tpu.memref_slice %arg7[%mul3A_73] : memref<5120xi32, #tpu.memory_space<vmem>> -> memref<512xi32, #tpu.memory_space<vmem>>
      %dma_wait3A_78 = arith.constant 0 : i32
      %dma_wait3A_79 = tpu.memref_slice %arg3[%dma_wait3A_78] : memref<163840xf32, #tpu.memory_space<hbm>> -> memref<163840xf32, #tpu.memory_space<hbm>>
      tpu.wait_indirect_dma semaphore(%arg15 : memref<!tpu.dma_semaphore, #tpu.memory_space<semaphore_mem>>) src(%dma_wait3A_79 : memref<163840xf32, #tpu.memory_space<hbm>>) dst(%arg11 : memref<512xf32, #tpu.memory_space<vmem>>)
      %mul3A_80 = arith.constant 512 : i32
      %mul3A_81 = arith.muli %add3A_71, %mul3A_80 : i32
      %add3A_82 = arith.addi %mul3A_2, %mul3A_81 : i32
      %mul3A_83 = arith.constant 512 : i32
      %mul3A_84 = arith.muli %add3A_71, %mul3A_83 : i32
      %add3A_85 = arith.addi %mul3A_2, %mul3A_84 : i32
      %dma_start3A_86 = tpu.memref_slice %arg5[%add3A_82] : memref<163840xi32, #tpu.memory_space<hbm>> -> memref<512xi32, #tpu.memory_space<hbm>>
      %dma_start3A_87 = tpu.memref_slice %arg5[%add3A_82] : memref<163840xi32, #tpu.memory_space<hbm>> -> memref<512xi32, #tpu.memory_space<hbm>>
      tpu.enqueue_dma source(%arg9 : memref<512xi32, #tpu.memory_space<vmem>>) target(%dma_start3A_87 : memref<512xi32, #tpu.memory_space<hbm>>) target_semaphore(%arg17 : memref<!tpu.dma_semaphore, #tpu.memory_space<semaphore_mem>>)
      %dma_start3A_88 = tpu.memref_slice %arg6[%add3A_85] : memref<163840xf32, #tpu.memory_space<hbm>> -> memref<512xf32, #tpu.memory_space<hbm>>
      %dma_start3A_89 = tpu.memref_slice %arg6[%add3A_85] : memref<163840xf32, #tpu.memory_space<hbm>> -> memref<512xf32, #tpu.memory_space<hbm>>
      tpu.enqueue_dma source(%arg11 : memref<512xf32, #tpu.memory_space<vmem>>) target(%dma_start3A_89 : memref<512xf32, #tpu.memory_space<hbm>>) target_semaphore(%arg19 : memref<!tpu.dma_semaphore, #tpu.memory_space<semaphore_mem>>)
      %add3A_90 = arith.constant 2 : i32
      %add3A_91 = arith.addi %add3A_71, %add3A_90 : i32
      %lt3A_92 = arith.constant 10 : i32
      %lt3A_93 = arith.cmpi slt, %add3A_91, %lt3A_92 : i32
      %convert_element_type3A_94 = arith.extui %lt3A_93 : i1 to i32
      %cond3A_95 = arith.constant 0 : i32
      %cond3A_96 = arith.cmpi ne, %convert_element_type3A_94, %cond3A_95 : i32
      scf.if %cond3A_96 {
        %dma_wait3A_97 = tpu.memref_slice %arg5[%add3A_82] : memref<163840xi32, #tpu.memory_space<hbm>> -> memref<512xi32, #tpu.memory_space<hbm>>
        %dma_wait3A_98 = tpu.memref_slice %arg5[%add3A_82] : memref<163840xi32, #tpu.memory_space<hbm>> -> memref<512xi32, #tpu.memory_space<hbm>>
        tpu.wait_dma2 semaphore(%arg17 : memref<!tpu.dma_semaphore, #tpu.memory_space<semaphore_mem>>) src(%arg9 : memref<512xi32, #tpu.memory_space<vmem>>) dst(%dma_wait3A_98 : memref<512xi32, #tpu.memory_space<hbm>>)
        %dma_wait3A_99 = tpu.memref_slice %arg6[%add3A_85] : memref<163840xf32, #tpu.memory_space<hbm>> -> memref<512xf32, #tpu.memory_space<hbm>>
        %dma_wait3A_100 = tpu.memref_slice %arg6[%add3A_85] : memref<163840xf32, #tpu.memory_space<hbm>> -> memref<512xf32, #tpu.memory_space<hbm>>
        tpu.wait_dma2 semaphore(%arg19 : memref<!tpu.dma_semaphore, #tpu.memory_space<semaphore_mem>>) src(%arg11 : memref<512xf32, #tpu.memory_space<vmem>>) dst(%dma_wait3A_100 : memref<512xf32, #tpu.memory_space<hbm>>)
        %add3A_101 = arith.constant 2 : i32
        %add3A_102 = arith.addi %add3A_71, %add3A_101 : i32
        %mul3A_103 = arith.constant 512 : i32
        %mul3A_104 = arith.muli %add3A_102, %mul3A_103 : i32
        %dma_start3A_105 = tpu.memref_slice %arg7[%mul3A_104] : memref<5120xi32, #tpu.memory_space<vmem>> -> memref<512xi32, #tpu.memory_space<vmem>>
        %dma_start3A_106 = arith.constant 0 : i32
        %dma_start3A_107 = tpu.memref_slice %arg2[%dma_start3A_106] : memref<163840xi32, #tpu.memory_space<hbm>> -> memref<163840xi32, #tpu.memory_space<hbm>>
        tpu.enqueue_indirect_dma source(%dma_start3A_107 : memref<163840xi32, #tpu.memory_space<hbm>>) target(%arg9 : memref<512xi32, #tpu.memory_space<vmem>>) offsets(%dma_start3A_105 : memref<512xi32, #tpu.memory_space<vmem>>) semaphore(%arg13 : memref<!tpu.dma_semaphore, #tpu.memory_space<semaphore_mem>>)
        %dma_start3A_108 = tpu.memref_slice %arg7[%mul3A_104] : memref<5120xi32, #tpu.memory_space<vmem>> -> memref<512xi32, #tpu.memory_space<vmem>>
        %dma_start3A_109 = arith.constant 0 : i32
        %dma_start3A_110 = tpu.memref_slice %arg3[%dma_start3A_109] : memref<163840xf32, #tpu.memory_space<hbm>> -> memref<163840xf32, #tpu.memory_space<hbm>>
        tpu.enqueue_indirect_dma source(%dma_start3A_110 : memref<163840xf32, #tpu.memory_space<hbm>>) target(%arg11 : memref<512xf32, #tpu.memory_space<vmem>>) offsets(%dma_start3A_108 : memref<512xi32, #tpu.memory_space<vmem>>) semaphore(%arg15 : memref<!tpu.dma_semaphore, #tpu.memory_space<semaphore_mem>>)
      } else {
      }
    }
    %scan3A_21 = arith.constant 5 : i32
    %add3A_22 = arith.constant 4096 : i32
    %add3A_23 = arith.addi %mul3A_2, %add3A_22 : i32
    %add3A_24 = arith.constant 4096 : i32
    %add3A_25 = arith.addi %mul3A_2, %add3A_24 : i32
    %dma_wait3A = tpu.memref_slice %arg5[%add3A_23] : memref<163840xi32, #tpu.memory_space<hbm>> -> memref<512xi32, #tpu.memory_space<hbm>>
    %dma_wait3A_26 = tpu.memref_slice %arg5[%add3A_23] : memref<163840xi32, #tpu.memory_space<hbm>> -> memref<512xi32, #tpu.memory_space<hbm>>
    tpu.wait_dma2 semaphore(%arg16 : memref<!tpu.dma_semaphore, #tpu.memory_space<semaphore_mem>>) src(%arg8 : memref<512xi32, #tpu.memory_space<vmem>>) dst(%dma_wait3A_26 : memref<512xi32, #tpu.memory_space<hbm>>)
    %dma_wait3A_27 = tpu.memref_slice %arg6[%add3A_25] : memref<163840xf32, #tpu.memory_space<hbm>> -> memref<512xf32, #tpu.memory_space<hbm>>
    %dma_wait3A_28 = tpu.memref_slice %arg6[%add3A_25] : memref<163840xf32, #tpu.memory_space<hbm>> -> memref<512xf32, #tpu.memory_space<hbm>>
    tpu.wait_dma2 semaphore(%arg18 : memref<!tpu.dma_semaphore, #tpu.memory_space<semaphore_mem>>) src(%arg10 : memref<512xf32, #tpu.memory_space<vmem>>) dst(%dma_wait3A_28 : memref<512xf32, #tpu.memory_space<hbm>>)
    %add3A_29 = arith.constant 4608 : i32
    %add3A_30 = arith.addi %mul3A_2, %add3A_29 : i32
    %add3A_31 = arith.constant 4608 : i32
    %add3A_32 = arith.addi %mul3A_2, %add3A_31 : i32
    %dma_wait3A_33 = tpu.memref_slice %arg5[%add3A_30] : memref<163840xi32, #tpu.memory_space<hbm>> -> memref<512xi32, #tpu.memory_space<hbm>>
    %dma_wait3A_34 = tpu.memref_slice %arg5[%add3A_30] : memref<163840xi32, #tpu.memory_space<hbm>> -> memref<512xi32, #tpu.memory_space<hbm>>
    tpu.wait_dma2 semaphore(%arg17 : memref<!tpu.dma_semaphore, #tpu.memory_space<semaphore_mem>>) src(%arg9 : memref<512xi32, #tpu.memory_space<vmem>>) dst(%dma_wait3A_34 : memref<512xi32, #tpu.memory_space<hbm>>)
    %dma_wait3A_35 = tpu.memref_slice %arg6[%add3A_32] : memref<163840xf32, #tpu.memory_space<hbm>> -> memref<512xf32, #tpu.memory_space<hbm>>
    %dma_wait3A_36 = tpu.memref_slice %arg6[%add3A_32] : memref<163840xf32, #tpu.memory_space<hbm>> -> memref<512xf32, #tpu.memory_space<hbm>>
    tpu.wait_dma2 semaphore(%arg19 : memref<!tpu.dma_semaphore, #tpu.memory_space<semaphore_mem>>) src(%arg11 : memref<512xf32, #tpu.memory_space<vmem>>) dst(%dma_wait3A_36 : memref<512xf32, #tpu.memory_space<hbm>>)
    return
  }
}

#map = affine_map<(d0, d1) -> (0, 0)>
#map1 = affine_map<(d0, d1) -> (0)>
module attributes {stable_mosaic.version = 14 : i64} {
  func.func @_sc_gather_body(%arg0: i32, %arg1: i32, %arg2: memref<10016x256xf32, #tpu.memory_space<hbm>>, %arg3: memref<163840xi32, #tpu.memory_space<hbm>>, %arg4: memref<163840x256xf32, #tpu.memory_space<hbm>>, %arg5: memref<5120xi32, #tpu.memory_space<vmem>>, %arg6: memref<128x256xf32, #tpu.memory_space<vmem>>, %arg7: memref<128x256xf32, #tpu.memory_space<vmem>>, %arg8: memref<!tpu.dma_semaphore, #tpu.memory_space<semaphore_mem>>, %arg9: memref<!tpu.dma_semaphore, #tpu.memory_space<semaphore_mem>>, %arg10: memref<!tpu.dma_semaphore, #tpu.memory_space<semaphore_mem>>, %arg11: memref<!tpu.dma_semaphore, #tpu.memory_space<semaphore_mem>>) attributes {dimension_semantics = [#tpu.dimension_semantics<core_parallel>, #tpu.dimension_semantics<subcore_parallel>], iteration_bounds = array<i64: 2, 16>, scalar_prefetch = 0 : i64, scratch_operands = 7 : i64, tpu.core_type = #tpu.core_type<sc_vector_subcore>, window_params = [{transform_indices = #map}, {transform_indices = #map1}, {transform_indices = #map}]} {
    %mul3A = arith.constant 2 : i32
    %mul3A_0 = arith.muli %arg1, %mul3A : i32
    %add3A = arith.addi %mul3A_0, %arg0 : i32
    %mul3A_1 = arith.constant 5120 : i32
    %mul3A_2 = arith.muli %add3A, %mul3A_1 : i32
    "tpu.region"() ({
      %run_scoped3A = tpu.sem_alloc : memref<!tpu.dma_semaphore, #tpu.memory_space<semaphore_mem>>
      %dma_start3A_27 = tpu.memref_slice %arg3[%mul3A_2] : memref<163840xi32, #tpu.memory_space<hbm>> -> memref<5120xi32, #tpu.memory_space<hbm>>
      %dma_start3A_28 = tpu.memref_slice %arg3[%mul3A_2] : memref<163840xi32, #tpu.memory_space<hbm>> -> memref<5120xi32, #tpu.memory_space<hbm>>
      tpu.enqueue_dma source(%dma_start3A_28 : memref<5120xi32, #tpu.memory_space<hbm>>) target(%arg5 : memref<5120xi32, #tpu.memory_space<vmem>>) target_semaphore(%run_scoped3A : memref<!tpu.dma_semaphore, #tpu.memory_space<semaphore_mem>>)
      %dma_wait3A_29 = tpu.memref_slice %arg3[%mul3A_2] : memref<163840xi32, #tpu.memory_space<hbm>> -> memref<5120xi32, #tpu.memory_space<hbm>>
      %dma_wait3A_30 = tpu.memref_slice %arg3[%mul3A_2] : memref<163840xi32, #tpu.memory_space<hbm>> -> memref<5120xi32, #tpu.memory_space<hbm>>
      tpu.wait_dma2 semaphore(%run_scoped3A : memref<!tpu.dma_semaphore, #tpu.memory_space<semaphore_mem>>) src(%dma_wait3A_30 : memref<5120xi32, #tpu.memory_space<hbm>>) dst(%arg5 : memref<5120xi32, #tpu.memory_space<vmem>>)
      tpu.yield
    }) : () -> ()
    %dma_start3A = arith.constant 0 : i32
    %dma_start3A_3 = tpu.memref_slice %arg5[%dma_start3A] : memref<5120xi32, #tpu.memory_space<vmem>> -> memref<128xi32, #tpu.memory_space<vmem>>
    %dma_start3A_4 = arith.constant 0 : i32
    %dma_start3A_5 = arith.constant 0 : i32
    %dma_start3A_6 = tpu.memref_slice %arg2[%dma_start3A_4, %dma_start3A_5] : memref<10016x256xf32, #tpu.memory_space<hbm>> -> memref<10016x256xf32, #tpu.memory_space<hbm>>
    tpu.enqueue_indirect_dma source(%dma_start3A_6 : memref<10016x256xf32, #tpu.memory_space<hbm>>) target(%arg6 : memref<128x256xf32, #tpu.memory_space<vmem>>) offsets(%dma_start3A_3 : memref<128xi32, #tpu.memory_space<vmem>>) semaphore(%arg8 : memref<!tpu.dma_semaphore, #tpu.memory_space<semaphore_mem>>)
    %dma_start3A_7 = arith.constant 128 : i32
    %dma_start3A_8 = tpu.memref_slice %arg5[%dma_start3A_7] : memref<5120xi32, #tpu.memory_space<vmem>> -> memref<128xi32, #tpu.memory_space<vmem>>
    %dma_start3A_9 = arith.constant 0 : i32
    %dma_start3A_10 = arith.constant 0 : i32
    %dma_start3A_11 = tpu.memref_slice %arg2[%dma_start3A_9, %dma_start3A_10] : memref<10016x256xf32, #tpu.memory_space<hbm>> -> memref<10016x256xf32, #tpu.memory_space<hbm>>
    tpu.enqueue_indirect_dma source(%dma_start3A_11 : memref<10016x256xf32, #tpu.memory_space<hbm>>) target(%arg7 : memref<128x256xf32, #tpu.memory_space<vmem>>) offsets(%dma_start3A_8 : memref<128xi32, #tpu.memory_space<vmem>>) semaphore(%arg9 : memref<!tpu.dma_semaphore, #tpu.memory_space<semaphore_mem>>)
    %scan3A = arith.constant 0 : i32
    %scan3A_12 = arith.constant 20 : i32
    %scan3A_13 = arith.addi %scan3A, %scan3A_12 : i32
    %scan3A_14 = arith.constant 1 : i32
    scf.for %scan3A_27 = %scan3A to %scan3A_13 step %scan3A_14  : i32 {
      %mul3A_28 = arith.constant 1 : i32
      %mul3A_29 = arith.muli %scan3A_27, %mul3A_28 : i32
      %add3A_30 = arith.constant 0 : i32
      %add3A_31 = arith.addi %add3A_30, %mul3A_29 : i32
      %mul3A_32 = arith.constant 2 : i32
      %mul3A_33 = arith.muli %add3A_31, %mul3A_32 : i32
      %add3A_34 = arith.constant 0 : i32
      %add3A_35 = arith.addi %mul3A_33, %add3A_34 : i32
      %mul3A_36 = arith.constant 128 : i32
      %mul3A_37 = arith.muli %add3A_35, %mul3A_36 : i32
      %dma_wait3A_38 = tpu.memref_slice %arg5[%mul3A_37] : memref<5120xi32, #tpu.memory_space<vmem>> -> memref<128xi32, #tpu.memory_space<vmem>>
      %dma_wait3A_39 = arith.constant 0 : i32
      %dma_wait3A_40 = arith.constant 0 : i32
      %dma_wait3A_41 = tpu.memref_slice %arg2[%dma_wait3A_39, %dma_wait3A_40] : memref<10016x256xf32, #tpu.memory_space<hbm>> -> memref<10016x256xf32, #tpu.memory_space<hbm>>
      tpu.wait_indirect_dma semaphore(%arg8 : memref<!tpu.dma_semaphore, #tpu.memory_space<semaphore_mem>>) src(%dma_wait3A_41 : memref<10016x256xf32, #tpu.memory_space<hbm>>) dst(%arg6 : memref<128x256xf32, #tpu.memory_space<vmem>>)
      %mul3A_42 = arith.constant 128 : i32
      %mul3A_43 = arith.muli %add3A_35, %mul3A_42 : i32
      %add3A_44 = arith.addi %mul3A_2, %mul3A_43 : i32
      %dma_start3A_45 = arith.constant 0 : i32
      %dma_start3A_46 = tpu.memref_slice %arg4[%add3A_44, %dma_start3A_45] : memref<163840x256xf32, #tpu.memory_space<hbm>> -> memref<128x256xf32, #tpu.memory_space<hbm>>
      %dma_start3A_47 = arith.constant 0 : i32
      %dma_start3A_48 = tpu.memref_slice %arg4[%add3A_44, %dma_start3A_47] : memref<163840x256xf32, #tpu.memory_space<hbm>> -> memref<128x256xf32, #tpu.memory_space<hbm>>
      tpu.enqueue_dma source(%arg6 : memref<128x256xf32, #tpu.memory_space<vmem>>) target(%dma_start3A_48 : memref<128x256xf32, #tpu.memory_space<hbm>>) target_semaphore(%arg10 : memref<!tpu.dma_semaphore, #tpu.memory_space<semaphore_mem>>)
      %add3A_49 = arith.constant 2 : i32
      %add3A_50 = arith.addi %add3A_35, %add3A_49 : i32
      %lt3A = arith.constant 40 : i32
      %lt3A_51 = arith.cmpi slt, %add3A_50, %lt3A : i32
      %convert_element_type3A = arith.extui %lt3A_51 : i1 to i32
      %cond3A = arith.constant 0 : i32
      %cond3A_52 = arith.cmpi ne, %convert_element_type3A, %cond3A : i32
      scf.if %cond3A_52 {
        %dma_wait3A_77 = arith.constant 0 : i32
        %dma_wait3A_78 = tpu.memref_slice %arg4[%add3A_44, %dma_wait3A_77] : memref<163840x256xf32, #tpu.memory_space<hbm>> -> memref<128x256xf32, #tpu.memory_space<hbm>>
        %dma_wait3A_79 = arith.constant 0 : i32
        %dma_wait3A_80 = tpu.memref_slice %arg4[%add3A_44, %dma_wait3A_79] : memref<163840x256xf32, #tpu.memory_space<hbm>> -> memref<128x256xf32, #tpu.memory_space<hbm>>
        tpu.wait_dma2 semaphore(%arg10 : memref<!tpu.dma_semaphore, #tpu.memory_space<semaphore_mem>>) src(%arg6 : memref<128x256xf32, #tpu.memory_space<vmem>>) dst(%dma_wait3A_80 : memref<128x256xf32, #tpu.memory_space<hbm>>)
        %add3A_81 = arith.constant 2 : i32
        %add3A_82 = arith.addi %add3A_35, %add3A_81 : i32
        %mul3A_83 = arith.constant 128 : i32
        %mul3A_84 = arith.muli %add3A_82, %mul3A_83 : i32
        %dma_start3A_85 = tpu.memref_slice %arg5[%mul3A_84] : memref<5120xi32, #tpu.memory_space<vmem>> -> memref<128xi32, #tpu.memory_space<vmem>>
        %dma_start3A_86 = arith.constant 0 : i32
        %dma_start3A_87 = arith.constant 0 : i32
        %dma_start3A_88 = tpu.memref_slice %arg2[%dma_start3A_86, %dma_start3A_87] : memref<10016x256xf32, #tpu.memory_space<hbm>> -> memref<10016x256xf32, #tpu.memory_space<hbm>>
        tpu.enqueue_indirect_dma source(%dma_start3A_88 : memref<10016x256xf32, #tpu.memory_space<hbm>>) target(%arg6 : memref<128x256xf32, #tpu.memory_space<vmem>>) offsets(%dma_start3A_85 : memref<128xi32, #tpu.memory_space<vmem>>) semaphore(%arg8 : memref<!tpu.dma_semaphore, #tpu.memory_space<semaphore_mem>>)
      } else {
      }
      %mul3A_53 = arith.constant 2 : i32
      %mul3A_54 = arith.muli %add3A_31, %mul3A_53 : i32
      %add3A_55 = arith.constant 1 : i32
      %add3A_56 = arith.addi %mul3A_54, %add3A_55 : i32
      %mul3A_57 = arith.constant 128 : i32
      %mul3A_58 = arith.muli %add3A_56, %mul3A_57 : i32
      %dma_wait3A_59 = tpu.memref_slice %arg5[%mul3A_58] : memref<5120xi32, #tpu.memory_space<vmem>> -> memref<128xi32, #tpu.memory_space<vmem>>
      %dma_wait3A_60 = arith.constant 0 : i32
      %dma_wait3A_61 = arith.constant 0 : i32
      %dma_wait3A_62 = tpu.memref_slice %arg2[%dma_wait3A_60, %dma_wait3A_61] : memref<10016x256xf32, #tpu.memory_space<hbm>> -> memref<10016x256xf32, #tpu.memory_space<hbm>>
      tpu.wait_indirect_dma semaphore(%arg9 : memref<!tpu.dma_semaphore, #tpu.memory_space<semaphore_mem>>) src(%dma_wait3A_62 : memref<10016x256xf32, #tpu.memory_space<hbm>>) dst(%arg7 : memref<128x256xf32, #tpu.memory_space<vmem>>)
      %mul3A_63 = arith.constant 128 : i32
      %mul3A_64 = arith.muli %add3A_56, %mul3A_63 : i32
      %add3A_65 = arith.addi %mul3A_2, %mul3A_64 : i32
      %dma_start3A_66 = arith.constant 0 : i32
      %dma_start3A_67 = tpu.memref_slice %arg4[%add3A_65, %dma_start3A_66] : memref<163840x256xf32, #tpu.memory_space<hbm>> -> memref<128x256xf32, #tpu.memory_space<hbm>>
      %dma_start3A_68 = arith.constant 0 : i32
      %dma_start3A_69 = tpu.memref_slice %arg4[%add3A_65, %dma_start3A_68] : memref<163840x256xf32, #tpu.memory_space<hbm>> -> memref<128x256xf32, #tpu.memory_space<hbm>>
      tpu.enqueue_dma source(%arg7 : memref<128x256xf32, #tpu.memory_space<vmem>>) target(%dma_start3A_69 : memref<128x256xf32, #tpu.memory_space<hbm>>) target_semaphore(%arg11 : memref<!tpu.dma_semaphore, #tpu.memory_space<semaphore_mem>>)
      %add3A_70 = arith.constant 2 : i32
      %add3A_71 = arith.addi %add3A_56, %add3A_70 : i32
      %lt3A_72 = arith.constant 40 : i32
      %lt3A_73 = arith.cmpi slt, %add3A_71, %lt3A_72 : i32
      %convert_element_type3A_74 = arith.extui %lt3A_73 : i1 to i32
      %cond3A_75 = arith.constant 0 : i32
      %cond3A_76 = arith.cmpi ne, %convert_element_type3A_74, %cond3A_75 : i32
      scf.if %cond3A_76 {
        %dma_wait3A_77 = arith.constant 0 : i32
        %dma_wait3A_78 = tpu.memref_slice %arg4[%add3A_65, %dma_wait3A_77] : memref<163840x256xf32, #tpu.memory_space<hbm>> -> memref<128x256xf32, #tpu.memory_space<hbm>>
        %dma_wait3A_79 = arith.constant 0 : i32
        %dma_wait3A_80 = tpu.memref_slice %arg4[%add3A_65, %dma_wait3A_79] : memref<163840x256xf32, #tpu.memory_space<hbm>> -> memref<128x256xf32, #tpu.memory_space<hbm>>
        tpu.wait_dma2 semaphore(%arg11 : memref<!tpu.dma_semaphore, #tpu.memory_space<semaphore_mem>>) src(%arg7 : memref<128x256xf32, #tpu.memory_space<vmem>>) dst(%dma_wait3A_80 : memref<128x256xf32, #tpu.memory_space<hbm>>)
        %add3A_81 = arith.constant 2 : i32
        %add3A_82 = arith.addi %add3A_56, %add3A_81 : i32
        %mul3A_83 = arith.constant 128 : i32
        %mul3A_84 = arith.muli %add3A_82, %mul3A_83 : i32
        %dma_start3A_85 = tpu.memref_slice %arg5[%mul3A_84] : memref<5120xi32, #tpu.memory_space<vmem>> -> memref<128xi32, #tpu.memory_space<vmem>>
        %dma_start3A_86 = arith.constant 0 : i32
        %dma_start3A_87 = arith.constant 0 : i32
        %dma_start3A_88 = tpu.memref_slice %arg2[%dma_start3A_86, %dma_start3A_87] : memref<10016x256xf32, #tpu.memory_space<hbm>> -> memref<10016x256xf32, #tpu.memory_space<hbm>>
        tpu.enqueue_indirect_dma source(%dma_start3A_88 : memref<10016x256xf32, #tpu.memory_space<hbm>>) target(%arg7 : memref<128x256xf32, #tpu.memory_space<vmem>>) offsets(%dma_start3A_85 : memref<128xi32, #tpu.memory_space<vmem>>) semaphore(%arg9 : memref<!tpu.dma_semaphore, #tpu.memory_space<semaphore_mem>>)
      } else {
      }
    }
    %scan3A_15 = arith.constant 20 : i32
    %add3A_16 = arith.constant 4864 : i32
    %add3A_17 = arith.addi %mul3A_2, %add3A_16 : i32
    %dma_wait3A = arith.constant 0 : i32
    %dma_wait3A_18 = tpu.memref_slice %arg4[%add3A_17, %dma_wait3A] : memref<163840x256xf32, #tpu.memory_space<hbm>> -> memref<128x256xf32, #tpu.memory_space<hbm>>
    %dma_wait3A_19 = arith.constant 0 : i32
    %dma_wait3A_20 = tpu.memref_slice %arg4[%add3A_17, %dma_wait3A_19] : memref<163840x256xf32, #tpu.memory_space<hbm>> -> memref<128x256xf32, #tpu.memory_space<hbm>>
    tpu.wait_dma2 semaphore(%arg10 : memref<!tpu.dma_semaphore, #tpu.memory_space<semaphore_mem>>) src(%arg6 : memref<128x256xf32, #tpu.memory_space<vmem>>) dst(%dma_wait3A_20 : memref<128x256xf32, #tpu.memory_space<hbm>>)
    %add3A_21 = arith.constant 4992 : i32
    %add3A_22 = arith.addi %mul3A_2, %add3A_21 : i32
    %dma_wait3A_23 = arith.constant 0 : i32
    %dma_wait3A_24 = tpu.memref_slice %arg4[%add3A_22, %dma_wait3A_23] : memref<163840x256xf32, #tpu.memory_space<hbm>> -> memref<128x256xf32, #tpu.memory_space<hbm>>
    %dma_wait3A_25 = arith.constant 0 : i32
    %dma_wait3A_26 = tpu.memref_slice %arg4[%add3A_22, %dma_wait3A_25] : memref<163840x256xf32, #tpu.memory_space<hbm>> -> memref<128x256xf32, #tpu.memory_space<hbm>>
    tpu.wait_dma2 semaphore(%arg11 : memref<!tpu.dma_semaphore, #tpu.memory_space<semaphore_mem>>) src(%arg7 : memref<128x256xf32, #tpu.memory_space<vmem>>) dst(%dma_wait3A_26 : memref<128x256xf32, #tpu.memory_space<hbm>>)
    return
  }
}

#map = affine_map<(d0, d1) -> (0)>
module attributes {stable_mosaic.version = 14 : i64} {
  func.func @_sc_ea_body(%arg0: i32, %arg1: i32, %arg2: memref<10016xf32, #tpu.memory_space<hbm>>, %arg3: memref<10016xf32, #tpu.memory_space<hbm>>, %arg4: memref<163840xi32, #tpu.memory_space<hbm>>, %arg5: memref<163840xi32, #tpu.memory_space<hbm>>, %arg6: memref<163840xf32, #tpu.memory_space<hbm>>, %arg7: memref<10016xf32, #tpu.memory_space<vmem>>, %arg8: memref<10016xf32, #tpu.memory_space<vmem>>, %arg9: memref<5120xi32, #tpu.memory_space<vmem>>, %arg10: memref<5120xi32, #tpu.memory_space<vmem>>, %arg11: memref<5120xf32, #tpu.memory_space<vmem>>) attributes {dimension_semantics = [#tpu.dimension_semantics<core_parallel>, #tpu.dimension_semantics<subcore_parallel>], iteration_bounds = array<i64: 2, 16>, scalar_prefetch = 0 : i64, scratch_operands = 5 : i64, tpu.core_type = #tpu.core_type<sc_vector_subcore>, window_params = [{transform_indices = #map}, {transform_indices = #map}, {transform_indices = #map}, {transform_indices = #map}, {transform_indices = #map}]} {
    %mul3A = arith.constant 2 : i32
    %mul3A_0 = arith.muli %arg1, %mul3A : i32
    %add3A = arith.addi %mul3A_0, %arg0 : i32
    %mul3A_1 = arith.constant 5120 : i32
    %mul3A_2 = arith.muli %add3A, %mul3A_1 : i32
    "tpu.region"() ({
      %run_scoped3A = tpu.sem_alloc : memref<!tpu.dma_semaphore, #tpu.memory_space<semaphore_mem>>
      tpu.enqueue_dma source(%arg2 : memref<10016xf32, #tpu.memory_space<hbm>>) target(%arg7 : memref<10016xf32, #tpu.memory_space<vmem>>) target_semaphore(%run_scoped3A : memref<!tpu.dma_semaphore, #tpu.memory_space<semaphore_mem>>)
      tpu.wait_dma2 semaphore(%run_scoped3A : memref<!tpu.dma_semaphore, #tpu.memory_space<semaphore_mem>>) src(%arg2 : memref<10016xf32, #tpu.memory_space<hbm>>) dst(%arg7 : memref<10016xf32, #tpu.memory_space<vmem>>)
      tpu.yield
    }) : () -> ()
    "tpu.region"() ({
      %run_scoped3A = tpu.sem_alloc : memref<!tpu.dma_semaphore, #tpu.memory_space<semaphore_mem>>
      tpu.enqueue_dma source(%arg3 : memref<10016xf32, #tpu.memory_space<hbm>>) target(%arg8 : memref<10016xf32, #tpu.memory_space<vmem>>) target_semaphore(%run_scoped3A : memref<!tpu.dma_semaphore, #tpu.memory_space<semaphore_mem>>)
      tpu.wait_dma2 semaphore(%run_scoped3A : memref<!tpu.dma_semaphore, #tpu.memory_space<semaphore_mem>>) src(%arg3 : memref<10016xf32, #tpu.memory_space<hbm>>) dst(%arg8 : memref<10016xf32, #tpu.memory_space<vmem>>)
      tpu.yield
    }) : () -> ()
    "tpu.region"() ({
      %run_scoped3A = tpu.sem_alloc : memref<!tpu.dma_semaphore, #tpu.memory_space<semaphore_mem>>
      %dma_start3A = tpu.memref_slice %arg4[%mul3A_2] : memref<163840xi32, #tpu.memory_space<hbm>> -> memref<5120xi32, #tpu.memory_space<hbm>>
      %dma_start3A_7 = tpu.memref_slice %arg4[%mul3A_2] : memref<163840xi32, #tpu.memory_space<hbm>> -> memref<5120xi32, #tpu.memory_space<hbm>>
      tpu.enqueue_dma source(%dma_start3A_7 : memref<5120xi32, #tpu.memory_space<hbm>>) target(%arg9 : memref<5120xi32, #tpu.memory_space<vmem>>) target_semaphore(%run_scoped3A : memref<!tpu.dma_semaphore, #tpu.memory_space<semaphore_mem>>)
      %dma_wait3A = tpu.memref_slice %arg4[%mul3A_2] : memref<163840xi32, #tpu.memory_space<hbm>> -> memref<5120xi32, #tpu.memory_space<hbm>>
      %dma_wait3A_8 = tpu.memref_slice %arg4[%mul3A_2] : memref<163840xi32, #tpu.memory_space<hbm>> -> memref<5120xi32, #tpu.memory_space<hbm>>
      tpu.wait_dma2 semaphore(%run_scoped3A : memref<!tpu.dma_semaphore, #tpu.memory_space<semaphore_mem>>) src(%dma_wait3A_8 : memref<5120xi32, #tpu.memory_space<hbm>>) dst(%arg9 : memref<5120xi32, #tpu.memory_space<vmem>>)
      tpu.yield
    }) : () -> ()
    "tpu.region"() ({
      %run_scoped3A = tpu.sem_alloc : memref<!tpu.dma_semaphore, #tpu.memory_space<semaphore_mem>>
      %dma_start3A = tpu.memref_slice %arg5[%mul3A_2] : memref<163840xi32, #tpu.memory_space<hbm>> -> memref<5120xi32, #tpu.memory_space<hbm>>
      %dma_start3A_7 = tpu.memref_slice %arg5[%mul3A_2] : memref<163840xi32, #tpu.memory_space<hbm>> -> memref<5120xi32, #tpu.memory_space<hbm>>
      tpu.enqueue_dma source(%dma_start3A_7 : memref<5120xi32, #tpu.memory_space<hbm>>) target(%arg10 : memref<5120xi32, #tpu.memory_space<vmem>>) target_semaphore(%run_scoped3A : memref<!tpu.dma_semaphore, #tpu.memory_space<semaphore_mem>>)
      %dma_wait3A = tpu.memref_slice %arg5[%mul3A_2] : memref<163840xi32, #tpu.memory_space<hbm>> -> memref<5120xi32, #tpu.memory_space<hbm>>
      %dma_wait3A_8 = tpu.memref_slice %arg5[%mul3A_2] : memref<163840xi32, #tpu.memory_space<hbm>> -> memref<5120xi32, #tpu.memory_space<hbm>>
      tpu.wait_dma2 semaphore(%run_scoped3A : memref<!tpu.dma_semaphore, #tpu.memory_space<semaphore_mem>>) src(%dma_wait3A_8 : memref<5120xi32, #tpu.memory_space<hbm>>) dst(%arg10 : memref<5120xi32, #tpu.memory_space<vmem>>)
      tpu.yield
    }) : () -> ()
    %scan3A = arith.constant 0 : i32
    %scan3A_3 = arith.constant 320 : i32
    %scan3A_4 = arith.addi %scan3A, %scan3A_3 : i32
    %scan3A_5 = arith.constant 1 : i32
    scf.for %scan3A_7 = %scan3A to %scan3A_4 step %scan3A_5  : i32 {
      %mul3A_8 = arith.constant 1 : i32
      %mul3A_9 = arith.muli %scan3A_7, %mul3A_8 : i32
      %add3A_10 = arith.constant 0 : i32
      %add3A_11 = arith.addi %add3A_10, %mul3A_9 : i32
      %mul3A_12 = arith.constant 16 : i32
      %mul3A_13 = arith.muli %add3A_11, %mul3A_12 : i32
      %get3A = arith.index_cast %mul3A_13 : i32 to index
      %get3A_14 = tpu.vector_load %arg9[%get3A] {strides = array<i32>} : memref<5120xi32, #tpu.memory_space<vmem>>, vector<16xi32>,
      %mul3A_15 = arith.constant 16 : i32
      %mul3A_16 = arith.muli %add3A_11, %mul3A_15 : i32
      %get3A_17 = arith.index_cast %mul3A_16 : i32 to index
      %get3A_18 = tpu.vector_load %arg10[%get3A_17] {strides = array<i32>} : memref<5120xi32, #tpu.memory_space<vmem>>, vector<16xi32>,
      %gather3A = tpu.vector_load_idx %arg7[%get3A_14] : memref<10016xf32, #tpu.memory_space<vmem>>[vector<16xi32>], vector<16xf32>,
      %gather3A_19 = tpu.vector_load_idx %arg8[%get3A_18] : memref<10016xf32, #tpu.memory_space<vmem>>[vector<16xi32>], vector<16xf32>,
      %add3A_20 = arith.addf %gather3A, %gather3A_19 : vector<16xf32>
      %max3A = arith.constant 0.000000e+00 : f32
      %max3A_21 = vector.broadcast %max3A : f32 to vector<16xf32>
      %max3A_22 = arith.maximumf %add3A_20, %max3A_21 : vector<16xf32>
      %mul3A_23 = arith.constant 16 : i32
      %mul3A_24 = arith.muli %add3A_11, %mul3A_23 : i32
      %swap3A = arith.index_cast %mul3A_24 : i32 to index
      %swap3A_25 = tpu.vector_load %arg11[%swap3A] {strides = array<i32>} : memref<5120xf32, #tpu.memory_space<vmem>>, vector<16xf32>,
      tpu.vector_store %arg11[%swap3A], %max3A_22 {strides = array<i32>} : memref<5120xf32, #tpu.memory_space<vmem>>, vector<16xf32>,
    }
    %scan3A_6 = arith.constant 320 : i32
    "tpu.region"() ({
      %run_scoped3A = tpu.sem_alloc : memref<!tpu.dma_semaphore, #tpu.memory_space<semaphore_mem>>
      %dma_start3A = tpu.memref_slice %arg6[%mul3A_2] : memref<163840xf32, #tpu.memory_space<hbm>> -> memref<5120xf32, #tpu.memory_space<hbm>>
      %dma_start3A_7 = tpu.memref_slice %arg6[%mul3A_2] : memref<163840xf32, #tpu.memory_space<hbm>> -> memref<5120xf32, #tpu.memory_space<hbm>>
      tpu.enqueue_dma source(%arg11 : memref<5120xf32, #tpu.memory_space<vmem>>) target(%dma_start3A_7 : memref<5120xf32, #tpu.memory_space<hbm>>) target_semaphore(%run_scoped3A : memref<!tpu.dma_semaphore, #tpu.memory_space<semaphore_mem>>)
      %dma_wait3A = tpu.memref_slice %arg6[%mul3A_2] : memref<163840xf32, #tpu.memory_space<hbm>> -> memref<5120xf32, #tpu.memory_space<hbm>>
      %dma_wait3A_8 = tpu.memref_slice %arg6[%mul3A_2] : memref<163840xf32, #tpu.memory_space<hbm>> -> memref<5120xf32, #tpu.memory_space<hbm>>
      tpu.wait_dma2 semaphore(%run_scoped3A : memref<!tpu.dma_semaphore, #tpu.memory_space<semaphore_mem>>) src(%arg11 : memref<5120xf32, #tpu.memory_space<vmem>>) dst(%dma_wait3A_8 : memref<5120xf32, #tpu.memory_space<hbm>>)
      tpu.yield
    }) : () -> ()
    return
  }
}

#map = affine_map<(d0, d1) -> (0, 0)>
#map1 = affine_map<(d0, d1) -> (0)>
module attributes {stable_mosaic.version = 14 : i64} {
  func.func @_sc_gather_body(%arg0: i32, %arg1: i32, %arg2: memref<10016x128xf32, #tpu.memory_space<hbm>>, %arg3: memref<163840xi32, #tpu.memory_space<hbm>>, %arg4: memref<163840x128xf32, #tpu.memory_space<hbm>>, %arg5: memref<5120xi32, #tpu.memory_space<vmem>>, %arg6: memref<128x128xf32, #tpu.memory_space<vmem>>, %arg7: memref<128x128xf32, #tpu.memory_space<vmem>>, %arg8: memref<!tpu.dma_semaphore, #tpu.memory_space<semaphore_mem>>, %arg9: memref<!tpu.dma_semaphore, #tpu.memory_space<semaphore_mem>>, %arg10: memref<!tpu.dma_semaphore, #tpu.memory_space<semaphore_mem>>, %arg11: memref<!tpu.dma_semaphore, #tpu.memory_space<semaphore_mem>>) attributes {dimension_semantics = [#tpu.dimension_semantics<core_parallel>, #tpu.dimension_semantics<subcore_parallel>], iteration_bounds = array<i64: 2, 16>, scalar_prefetch = 0 : i64, scratch_operands = 7 : i64, tpu.core_type = #tpu.core_type<sc_vector_subcore>, window_params = [{transform_indices = #map}, {transform_indices = #map1}, {transform_indices = #map}]} {
    %mul3A = arith.constant 2 : i32
    %mul3A_0 = arith.muli %arg1, %mul3A : i32
    %add3A = arith.addi %mul3A_0, %arg0 : i32
    %mul3A_1 = arith.constant 5120 : i32
    %mul3A_2 = arith.muli %add3A, %mul3A_1 : i32
    "tpu.region"() ({
      %run_scoped3A = tpu.sem_alloc : memref<!tpu.dma_semaphore, #tpu.memory_space<semaphore_mem>>
      %dma_start3A_27 = tpu.memref_slice %arg3[%mul3A_2] : memref<163840xi32, #tpu.memory_space<hbm>> -> memref<5120xi32, #tpu.memory_space<hbm>>
      %dma_start3A_28 = tpu.memref_slice %arg3[%mul3A_2] : memref<163840xi32, #tpu.memory_space<hbm>> -> memref<5120xi32, #tpu.memory_space<hbm>>
      tpu.enqueue_dma source(%dma_start3A_28 : memref<5120xi32, #tpu.memory_space<hbm>>) target(%arg5 : memref<5120xi32, #tpu.memory_space<vmem>>) target_semaphore(%run_scoped3A : memref<!tpu.dma_semaphore, #tpu.memory_space<semaphore_mem>>)
      %dma_wait3A_29 = tpu.memref_slice %arg3[%mul3A_2] : memref<163840xi32, #tpu.memory_space<hbm>> -> memref<5120xi32, #tpu.memory_space<hbm>>
      %dma_wait3A_30 = tpu.memref_slice %arg3[%mul3A_2] : memref<163840xi32, #tpu.memory_space<hbm>> -> memref<5120xi32, #tpu.memory_space<hbm>>
      tpu.wait_dma2 semaphore(%run_scoped3A : memref<!tpu.dma_semaphore, #tpu.memory_space<semaphore_mem>>) src(%dma_wait3A_30 : memref<5120xi32, #tpu.memory_space<hbm>>) dst(%arg5 : memref<5120xi32, #tpu.memory_space<vmem>>)
      tpu.yield
    }) : () -> ()
    %dma_start3A = arith.constant 0 : i32
    %dma_start3A_3 = tpu.memref_slice %arg5[%dma_start3A] : memref<5120xi32, #tpu.memory_space<vmem>> -> memref<128xi32, #tpu.memory_space<vmem>>
    %dma_start3A_4 = arith.constant 0 : i32
    %dma_start3A_5 = arith.constant 0 : i32
    %dma_start3A_6 = tpu.memref_slice %arg2[%dma_start3A_4, %dma_start3A_5] : memref<10016x128xf32, #tpu.memory_space<hbm>> -> memref<10016x128xf32, #tpu.memory_space<hbm>>
    tpu.enqueue_indirect_dma source(%dma_start3A_6 : memref<10016x128xf32, #tpu.memory_space<hbm>>) target(%arg6 : memref<128x128xf32, #tpu.memory_space<vmem>>) offsets(%dma_start3A_3 : memref<128xi32, #tpu.memory_space<vmem>>) semaphore(%arg8 : memref<!tpu.dma_semaphore, #tpu.memory_space<semaphore_mem>>)
    %dma_start3A_7 = arith.constant 128 : i32
    %dma_start3A_8 = tpu.memref_slice %arg5[%dma_start3A_7] : memref<5120xi32, #tpu.memory_space<vmem>> -> memref<128xi32, #tpu.memory_space<vmem>>
    %dma_start3A_9 = arith.constant 0 : i32
    %dma_start3A_10 = arith.constant 0 : i32
    %dma_start3A_11 = tpu.memref_slice %arg2[%dma_start3A_9, %dma_start3A_10] : memref<10016x128xf32, #tpu.memory_space<hbm>> -> memref<10016x128xf32, #tpu.memory_space<hbm>>
    tpu.enqueue_indirect_dma source(%dma_start3A_11 : memref<10016x128xf32, #tpu.memory_space<hbm>>) target(%arg7 : memref<128x128xf32, #tpu.memory_space<vmem>>) offsets(%dma_start3A_8 : memref<128xi32, #tpu.memory_space<vmem>>) semaphore(%arg9 : memref<!tpu.dma_semaphore, #tpu.memory_space<semaphore_mem>>)
    %scan3A = arith.constant 0 : i32
    %scan3A_12 = arith.constant 20 : i32
    %scan3A_13 = arith.addi %scan3A, %scan3A_12 : i32
    %scan3A_14 = arith.constant 1 : i32
    scf.for %scan3A_27 = %scan3A to %scan3A_13 step %scan3A_14  : i32 {
      %mul3A_28 = arith.constant 1 : i32
      %mul3A_29 = arith.muli %scan3A_27, %mul3A_28 : i32
      %add3A_30 = arith.constant 0 : i32
      %add3A_31 = arith.addi %add3A_30, %mul3A_29 : i32
      %mul3A_32 = arith.constant 2 : i32
      %mul3A_33 = arith.muli %add3A_31, %mul3A_32 : i32
      %add3A_34 = arith.constant 0 : i32
      %add3A_35 = arith.addi %mul3A_33, %add3A_34 : i32
      %mul3A_36 = arith.constant 128 : i32
      %mul3A_37 = arith.muli %add3A_35, %mul3A_36 : i32
      %dma_wait3A_38 = tpu.memref_slice %arg5[%mul3A_37] : memref<5120xi32, #tpu.memory_space<vmem>> -> memref<128xi32, #tpu.memory_space<vmem>>
      %dma_wait3A_39 = arith.constant 0 : i32
      %dma_wait3A_40 = arith.constant 0 : i32
      %dma_wait3A_41 = tpu.memref_slice %arg2[%dma_wait3A_39, %dma_wait3A_40] : memref<10016x128xf32, #tpu.memory_space<hbm>> -> memref<10016x128xf32, #tpu.memory_space<hbm>>
      tpu.wait_indirect_dma semaphore(%arg8 : memref<!tpu.dma_semaphore, #tpu.memory_space<semaphore_mem>>) src(%dma_wait3A_41 : memref<10016x128xf32, #tpu.memory_space<hbm>>) dst(%arg6 : memref<128x128xf32, #tpu.memory_space<vmem>>)
      %mul3A_42 = arith.constant 128 : i32
      %mul3A_43 = arith.muli %add3A_35, %mul3A_42 : i32
      %add3A_44 = arith.addi %mul3A_2, %mul3A_43 : i32
      %dma_start3A_45 = arith.constant 0 : i32
      %dma_start3A_46 = tpu.memref_slice %arg4[%add3A_44, %dma_start3A_45] : memref<163840x128xf32, #tpu.memory_space<hbm>> -> memref<128x128xf32, #tpu.memory_space<hbm>>
      %dma_start3A_47 = arith.constant 0 : i32
      %dma_start3A_48 = tpu.memref_slice %arg4[%add3A_44, %dma_start3A_47] : memref<163840x128xf32, #tpu.memory_space<hbm>> -> memref<128x128xf32, #tpu.memory_space<hbm>>
      tpu.enqueue_dma source(%arg6 : memref<128x128xf32, #tpu.memory_space<vmem>>) target(%dma_start3A_48 : memref<128x128xf32, #tpu.memory_space<hbm>>) target_semaphore(%arg10 : memref<!tpu.dma_semaphore, #tpu.memory_space<semaphore_mem>>)
      %add3A_49 = arith.constant 2 : i32
      %add3A_50 = arith.addi %add3A_35, %add3A_49 : i32
      %lt3A = arith.constant 40 : i32
      %lt3A_51 = arith.cmpi slt, %add3A_50, %lt3A : i32
      %convert_element_type3A = arith.extui %lt3A_51 : i1 to i32
      %cond3A = arith.constant 0 : i32
      %cond3A_52 = arith.cmpi ne, %convert_element_type3A, %cond3A : i32
      scf.if %cond3A_52 {
        %dma_wait3A_77 = arith.constant 0 : i32
        %dma_wait3A_78 = tpu.memref_slice %arg4[%add3A_44, %dma_wait3A_77] : memref<163840x128xf32, #tpu.memory_space<hbm>> -> memref<128x128xf32, #tpu.memory_space<hbm>>
        %dma_wait3A_79 = arith.constant 0 : i32
        %dma_wait3A_80 = tpu.memref_slice %arg4[%add3A_44, %dma_wait3A_79] : memref<163840x128xf32, #tpu.memory_space<hbm>> -> memref<128x128xf32, #tpu.memory_space<hbm>>
        tpu.wait_dma2 semaphore(%arg10 : memref<!tpu.dma_semaphore, #tpu.memory_space<semaphore_mem>>) src(%arg6 : memref<128x128xf32, #tpu.memory_space<vmem>>) dst(%dma_wait3A_80 : memref<128x128xf32, #tpu.memory_space<hbm>>)
        %add3A_81 = arith.constant 2 : i32
        %add3A_82 = arith.addi %add3A_35, %add3A_81 : i32
        %mul3A_83 = arith.constant 128 : i32
        %mul3A_84 = arith.muli %add3A_82, %mul3A_83 : i32
        %dma_start3A_85 = tpu.memref_slice %arg5[%mul3A_84] : memref<5120xi32, #tpu.memory_space<vmem>> -> memref<128xi32, #tpu.memory_space<vmem>>
        %dma_start3A_86 = arith.constant 0 : i32
        %dma_start3A_87 = arith.constant 0 : i32
        %dma_start3A_88 = tpu.memref_slice %arg2[%dma_start3A_86, %dma_start3A_87] : memref<10016x128xf32, #tpu.memory_space<hbm>> -> memref<10016x128xf32, #tpu.memory_space<hbm>>
        tpu.enqueue_indirect_dma source(%dma_start3A_88 : memref<10016x128xf32, #tpu.memory_space<hbm>>) target(%arg6 : memref<128x128xf32, #tpu.memory_space<vmem>>) offsets(%dma_start3A_85 : memref<128xi32, #tpu.memory_space<vmem>>) semaphore(%arg8 : memref<!tpu.dma_semaphore, #tpu.memory_space<semaphore_mem>>)
      } else {
      }
      %mul3A_53 = arith.constant 2 : i32
      %mul3A_54 = arith.muli %add3A_31, %mul3A_53 : i32
      %add3A_55 = arith.constant 1 : i32
      %add3A_56 = arith.addi %mul3A_54, %add3A_55 : i32
      %mul3A_57 = arith.constant 128 : i32
      %mul3A_58 = arith.muli %add3A_56, %mul3A_57 : i32
      %dma_wait3A_59 = tpu.memref_slice %arg5[%mul3A_58] : memref<5120xi32, #tpu.memory_space<vmem>> -> memref<128xi32, #tpu.memory_space<vmem>>
      %dma_wait3A_60 = arith.constant 0 : i32
      %dma_wait3A_61 = arith.constant 0 : i32
      %dma_wait3A_62 = tpu.memref_slice %arg2[%dma_wait3A_60, %dma_wait3A_61] : memref<10016x128xf32, #tpu.memory_space<hbm>> -> memref<10016x128xf32, #tpu.memory_space<hbm>>
      tpu.wait_indirect_dma semaphore(%arg9 : memref<!tpu.dma_semaphore, #tpu.memory_space<semaphore_mem>>) src(%dma_wait3A_62 : memref<10016x128xf32, #tpu.memory_space<hbm>>) dst(%arg7 : memref<128x128xf32, #tpu.memory_space<vmem>>)
      %mul3A_63 = arith.constant 128 : i32
      %mul3A_64 = arith.muli %add3A_56, %mul3A_63 : i32
      %add3A_65 = arith.addi %mul3A_2, %mul3A_64 : i32
      %dma_start3A_66 = arith.constant 0 : i32
      %dma_start3A_67 = tpu.memref_slice %arg4[%add3A_65, %dma_start3A_66] : memref<163840x128xf32, #tpu.memory_space<hbm>> -> memref<128x128xf32, #tpu.memory_space<hbm>>
      %dma_start3A_68 = arith.constant 0 : i32
      %dma_start3A_69 = tpu.memref_slice %arg4[%add3A_65, %dma_start3A_68] : memref<163840x128xf32, #tpu.memory_space<hbm>> -> memref<128x128xf32, #tpu.memory_space<hbm>>
      tpu.enqueue_dma source(%arg7 : memref<128x128xf32, #tpu.memory_space<vmem>>) target(%dma_start3A_69 : memref<128x128xf32, #tpu.memory_space<hbm>>) target_semaphore(%arg11 : memref<!tpu.dma_semaphore, #tpu.memory_space<semaphore_mem>>)
      %add3A_70 = arith.constant 2 : i32
      %add3A_71 = arith.addi %add3A_56, %add3A_70 : i32
      %lt3A_72 = arith.constant 40 : i32
      %lt3A_73 = arith.cmpi slt, %add3A_71, %lt3A_72 : i32
      %convert_element_type3A_74 = arith.extui %lt3A_73 : i1 to i32
      %cond3A_75 = arith.constant 0 : i32
      %cond3A_76 = arith.cmpi ne, %convert_element_type3A_74, %cond3A_75 : i32
      scf.if %cond3A_76 {
        %dma_wait3A_77 = arith.constant 0 : i32
        %dma_wait3A_78 = tpu.memref_slice %arg4[%add3A_65, %dma_wait3A_77] : memref<163840x128xf32, #tpu.memory_space<hbm>> -> memref<128x128xf32, #tpu.memory_space<hbm>>
        %dma_wait3A_79 = arith.constant 0 : i32
        %dma_wait3A_80 = tpu.memref_slice %arg4[%add3A_65, %dma_wait3A_79] : memref<163840x128xf32, #tpu.memory_space<hbm>> -> memref<128x128xf32, #tpu.memory_space<hbm>>
        tpu.wait_dma2 semaphore(%arg11 : memref<!tpu.dma_semaphore, #tpu.memory_space<semaphore_mem>>) src(%arg7 : memref<128x128xf32, #tpu.memory_space<vmem>>) dst(%dma_wait3A_80 : memref<128x128xf32, #tpu.memory_space<hbm>>)
        %add3A_81 = arith.constant 2 : i32
        %add3A_82 = arith.addi %add3A_56, %add3A_81 : i32
        %mul3A_83 = arith.constant 128 : i32
        %mul3A_84 = arith.muli %add3A_82, %mul3A_83 : i32
        %dma_start3A_85 = tpu.memref_slice %arg5[%mul3A_84] : memref<5120xi32, #tpu.memory_space<vmem>> -> memref<128xi32, #tpu.memory_space<vmem>>
        %dma_start3A_86 = arith.constant 0 : i32
        %dma_start3A_87 = arith.constant 0 : i32
        %dma_start3A_88 = tpu.memref_slice %arg2[%dma_start3A_86, %dma_start3A_87] : memref<10016x128xf32, #tpu.memory_space<hbm>> -> memref<10016x128xf32, #tpu.memory_space<hbm>>
        tpu.enqueue_indirect_dma source(%dma_start3A_88 : memref<10016x128xf32, #tpu.memory_space<hbm>>) target(%arg7 : memref<128x128xf32, #tpu.memory_space<vmem>>) offsets(%dma_start3A_85 : memref<128xi32, #tpu.memory_space<vmem>>) semaphore(%arg9 : memref<!tpu.dma_semaphore, #tpu.memory_space<semaphore_mem>>)
      } else {
      }
    }
    %scan3A_15 = arith.constant 20 : i32
    %add3A_16 = arith.constant 4864 : i32
    %add3A_17 = arith.addi %mul3A_2, %add3A_16 : i32
    %dma_wait3A = arith.constant 0 : i32
    %dma_wait3A_18 = tpu.memref_slice %arg4[%add3A_17, %dma_wait3A] : memref<163840x128xf32, #tpu.memory_space<hbm>> -> memref<128x128xf32, #tpu.memory_space<hbm>>
    %dma_wait3A_19 = arith.constant 0 : i32
    %dma_wait3A_20 = tpu.memref_slice %arg4[%add3A_17, %dma_wait3A_19] : memref<163840x128xf32, #tpu.memory_space<hbm>> -> memref<128x128xf32, #tpu.memory_space<hbm>>
    tpu.wait_dma2 semaphore(%arg10 : memref<!tpu.dma_semaphore, #tpu.memory_space<semaphore_mem>>) src(%arg6 : memref<128x128xf32, #tpu.memory_space<vmem>>) dst(%dma_wait3A_20 : memref<128x128xf32, #tpu.memory_space<hbm>>)
    %add3A_21 = arith.constant 4992 : i32
    %add3A_22 = arith.addi %mul3A_2, %add3A_21 : i32
    %dma_wait3A_23 = arith.constant 0 : i32
    %dma_wait3A_24 = tpu.memref_slice %arg4[%add3A_22, %dma_wait3A_23] : memref<163840x128xf32, #tpu.memory_space<hbm>> -> memref<128x128xf32, #tpu.memory_space<hbm>>
    %dma_wait3A_25 = arith.constant 0 : i32
    %dma_wait3A_26 = tpu.memref_slice %arg4[%add3A_22, %dma_wait3A_25] : memref<163840x128xf32, #tpu.memory_space<hbm>> -> memref<128x128xf32, #tpu.memory_space<hbm>>
    tpu.wait_dma2 semaphore(%arg11 : memref<!tpu.dma_semaphore, #tpu.memory_space<semaphore_mem>>) src(%arg7 : memref<128x128xf32, #tpu.memory_space<vmem>>) dst(%dma_wait3A_26 : memref<128x128xf32, #tpu.memory_space<hbm>>)
    return
  }
}

module attributes {stable_mosaic.version = 14 : i64} {
  func.func @_mm_kernel(%arg0: i32, %arg1: memref<1000x512xf32, #tpu.memory_space<vmem>>, %arg2: memref<512x256xf32, #tpu.memory_space<vmem>>, %arg3: memref<1000x256xf32, #tpu.memory_space<vmem>>) attributes {dimension_semantics = [#tpu.dimension_semantics<parallel>], iteration_bounds = array<i64: 10>, scalar_prefetch = 0 : i64, scratch_operands = 0 : i64, tpu.core_type = #tpu.core_type<tc>, window_params = [{transform_indices = @transform_0, window_bounds = array<i64: 1000, 512>}, {pipeline_mode = #tpu.pipeline_mode<synchronous>, transform_indices = @transform_1, window_bounds = array<i64: 512, 256>}, {transform_indices = @transform_2, window_bounds = array<i64: 1000, 256>}]} {
    %get3A = arith.constant 0 : index
    %get3A_0 = arith.constant 0 : index
    %get3A_1 = vector.load %arg1[%get3A, %get3A_0] : memref<1000x512xf32, #tpu.memory_space<vmem>>, vector<1000x512xf32>
    %get3A_2 = arith.constant 0 : index
    %get3A_3 = arith.constant 0 : index
    %get3A_4 = vector.load %arg2[%get3A_2, %get3A_3] : memref<512x256xf32, #tpu.memory_space<vmem>>, vector<512x256xf32>
    %dot_general3A = arith.constant dense<0.000000e+00> : vector<1000x256xf32>
    %dot_general3A_5 = tpu.matmul %get3A_1, %get3A_4, %dot_general3A {dimension_numbers = #tpu.dot_dimension_numbers<[1], [0], [0], [1], [0, 0, 1, 1], [], []>, transpose_lhs_hint = false} : vector<1000x512xf32>, vector<512x256xf32>, vector<1000x256xf32> -> vector<1000x256xf32>
    %swap3A = arith.constant 0 : index
    %swap3A_6 = arith.constant 0 : index
    %swap3A_7 = vector.load %arg3[%swap3A, %swap3A_6] : memref<1000x256xf32, #tpu.memory_space<vmem>>, vector<1000x256xf32>
    tpu.vector_store %arg3[%swap3A, %swap3A_6], %dot_general3A_5 {strides = array<i32>} : memref<1000x256xf32, #tpu.memory_space<vmem>>, vector<1000x256xf32>,
    return
  }
  func.func @transform_0(%arg0: i32) -> (i32, i32) {
    %c0_i32 = arith.constant 0 : i32
    %c0_i32_0 = arith.constant 0 : i32
    return %arg0, %c0_i32 : i32, i32
  }
  func.func @transform_1(%arg0: i32) -> (i32, i32) {
    %c0_i32 = arith.constant 0 : i32
    %c0_i32_0 = arith.constant 0 : i32
    %c0_i32_1 = arith.constant 0 : i32
    return %c0_i32, %c0_i32_0 : i32, i32
  }
  func.func @transform_2(%arg0: i32) -> (i32, i32) {
    %c0_i32 = arith.constant 0 : i32
    %c0_i32_0 = arith.constant 0 : i32
    return %arg0, %c0_i32 : i32, i32
  }
}

module attributes {stable_mosaic.version = 14 : i64} {
  func.func @_seg_kernel(%arg0: i32, %arg1: i32, %arg2: memref<160xi32, #tpu.memory_space<smem>>, %arg3: memref<1024x256xf32, #tpu.memory_space<vmem>>, %arg4: memref<1x1x1024xi32, #tpu.memory_space<vmem>>, %arg5: memref<1x1x1024xf32, #tpu.memory_space<vmem>>, %arg6: memref<1x10240x256xf32, #tpu.memory_space<vmem>>) attributes {dimension_semantics = [#tpu.dimension_semantics<parallel>, #tpu.dimension_semantics<arbitrary>], iteration_bounds = array<i64: 2, 80>, scalar_prefetch = 1 : i64, scratch_operands = 0 : i64, tpu.core_type = #tpu.core_type<tc>, window_params = [{transform_indices = @transform_0, window_bounds = array<i64: 1024, 256>}, {transform_indices = @transform_1, window_bounds = array<i64: 1, 1, 1024>}, {transform_indices = @transform_2, window_bounds = array<i64: 1, 1, 1024>}, {transform_indices = @transform_3, window_bounds = array<i64: 1, 10240, 256>}]} {
    %eq3A = arith.constant 0 : i32
    %eq3A_0 = arith.cmpi eq, %arg1, %eq3A : i32
    %convert_element_type3A = arith.extui %eq3A_0 : i1 to i32
    %cond3A = arith.constant 0 : i32
    %cond3A_1 = arith.cmpi ne, %convert_element_type3A, %cond3A : i32
    scf.if %cond3A_1 {
      %broadcast_in_dim3A_51 = arith.constant 0.000000e+00 : f32
      %broadcast_in_dim3A_52 = vector.broadcast %broadcast_in_dim3A_51 : f32 to vector<1x10240x256xf32>
      %swap3A_53 = arith.constant 0 : index
      %swap3A_54 = arith.constant 0 : index
      %swap3A_55 = arith.constant 0 : index
      %swap3A_56 = vector.load %arg6[%swap3A_53, %swap3A_54, %swap3A_55] : memref<1x10240x256xf32, #tpu.memory_space<vmem>>, vector<1x10240x256xf32>
      tpu.vector_store %arg6[%swap3A_53, %swap3A_54, %swap3A_55], %broadcast_in_dim3A_52 {strides = array<i32>} : memref<1x10240x256xf32, #tpu.memory_space<vmem>>, vector<1x10240x256xf32>,
    } else {
    }
    %mul3A = arith.constant 80 : i32
    %mul3A_2 = arith.muli %arg0, %mul3A : i32
    %add3A = arith.addi %arg1, %mul3A_2 : i32
    %get3A = arith.index_cast %add3A : i32 to index
    %get3A_3 = memref.load %arg2[%get3A] : memref<160xi32, #tpu.memory_space<smem>>
    %get3A_4 = arith.constant 0 : index
    %get3A_5 = arith.constant 0 : index
    %get3A_6 = arith.constant 0 : index
    %get3A_7 = vector.load %arg4[%get3A_4, %get3A_5, %get3A_6] : memref<1x1x1024xi32, #tpu.memory_space<vmem>>, vector<1x1x1024xi32>
    %get3A_8 = vector.shape_cast %get3A_7 : vector<1x1x1024xi32> to vector<1024xi32>
    %mul3A_9 = arith.constant 128 : i32
    %mul3A_10 = arith.muli %get3A_3, %mul3A_9 : i32
    %sub3A = vector.broadcast %mul3A_10 : i32 to vector<1024xi32>
    %sub3A_11 = arith.subi %get3A_8, %sub3A : vector<1024xi32>
    %get3A_12 = arith.constant 0 : index
    %get3A_13 = arith.constant 0 : index
    %get3A_14 = arith.constant 0 : index
    %get3A_15 = vector.load %arg5[%get3A_12, %get3A_13, %get3A_14] : memref<1x1x1024xf32, #tpu.memory_space<vmem>>, vector<1x1x1024xf32>
    %get3A_16 = vector.shape_cast %get3A_15 : vector<1x1x1024xf32> to vector<1024xf32>
    %iota3A = tpu.iota {dimensions = array<i32: 0>} : vector<256x1024xi32>
    %broadcast_in_dim3A = vector.shape_cast %sub3A_11 : vector<1024xi32> to vector<1x1024xi32>
    %eq3A_17 = vector.broadcast %broadcast_in_dim3A : vector<1x1024xi32> to vector<256x1024xi32>
    %eq3A_18 = arith.cmpi eq, %iota3A, %eq3A_17 : vector<256x1024xi32>
    %convert_element_type3A_19 = arith.extui %eq3A_18 : vector<256x1024xi1> to vector<256x1024xi32>
    %convert_element_type3A_20 = arith.sitofp %convert_element_type3A_19 : vector<256x1024xi32> to vector<256x1024xf32>
    %convert_element_type3A_21 = arith.truncf %convert_element_type3A_20 : vector<256x1024xf32> to vector<256x1024xbf16>
    %get3A_22 = arith.constant 0 : index
    %get3A_23 = arith.constant 0 : index
    %get3A_24 = vector.load %arg3[%get3A_22, %get3A_23] : memref<1024x256xf32, #tpu.memory_space<vmem>>, vector<1024x256xf32>
    %broadcast_in_dim3A_25 = vector.shape_cast %get3A_16 : vector<1024xf32> to vector<1024x1xf32>
    %mul3A_26 = vector.broadcast %broadcast_in_dim3A_25 : vector<1024x1xf32> to vector<1024x256xf32>
    %mul3A_27 = arith.mulf %get3A_24, %mul3A_26 : vector<1024x256xf32>
    %convert_element_type3A_28 = arith.truncf %mul3A_27 : vector<1024x256xf32> to vector<1024x256xbf16>
    %convert_element_type3A_29 = arith.extf %convert_element_type3A_28 : vector<1024x256xbf16> to vector<1024x256xf32>
    %sub3A_30 = arith.subf %mul3A_27, %convert_element_type3A_29 : vector<1024x256xf32>
    %convert_element_type3A_31 = arith.truncf %sub3A_30 : vector<1024x256xf32> to vector<1024x256xbf16>
    %dot_general3A = arith.constant dense<0.000000e+00> : vector<256x256xf32>
    %dot_general3A_32 = tpu.matmul %convert_element_type3A_21, %convert_element_type3A_28, %dot_general3A {dimension_numbers = #tpu.dot_dimension_numbers<[1], [0], [0], [1], [0, 0, 1, 1], [], []>, transpose_lhs_hint = false} : vector<256x1024xbf16>, vector<1024x256xbf16>, vector<256x256xf32> -> vector<256x256xf32>
    %dot_general3A_33 = arith.constant dense<0.000000e+00> : vector<256x256xf32>
    %dot_general3A_34 = tpu.matmul %convert_element_type3A_21, %convert_element_type3A_31, %dot_general3A_33 {dimension_numbers = #tpu.dot_dimension_numbers<[1], [0], [0], [1], [0, 0, 1, 1], [], []>, transpose_lhs_hint = false} : vector<256x1024xbf16>, vector<1024x256xbf16>, vector<256x256xf32> -> vector<256x256xf32>
    %add3A_35 = arith.addf %dot_general3A_32, %dot_general3A_34 : vector<256x256xf32>
    %mul3A_36 = arith.constant 128 : i32
    %mul3A_37 = arith.muli %get3A_3, %mul3A_36 : i32
    %get3A_38 = arith.constant 0 : index
    %get3A_39 = arith.index_cast %mul3A_37 : i32 to index
    %get3A_40 = arith.constant 0 : index
    %get3A_41 = vector.load %arg6[%get3A_38, %get3A_39, %get3A_40] : memref<1x10240x256xf32, #tpu.memory_space<vmem>>, vector<1x256x256xf32>
    %get3A_42 = vector.shape_cast %get3A_41 : vector<1x256x256xf32> to vector<256x256xf32>
    %add3A_43 = arith.addf %get3A_42, %add3A_35 : vector<256x256xf32>
    %mul3A_44 = arith.constant 128 : i32
    %mul3A_45 = arith.muli %get3A_3, %mul3A_44 : i32
    %swap3A = arith.constant 0 : index
    %swap3A_46 = arith.index_cast %mul3A_45 : i32 to index
    %swap3A_47 = arith.constant 0 : index
    %swap3A_48 = vector.load %arg6[%swap3A, %swap3A_46, %swap3A_47] : memref<1x10240x256xf32, #tpu.memory_space<vmem>>, vector<1x256x256xf32>
    %swap3A_49 = vector.shape_cast %swap3A_48 : vector<1x256x256xf32> to vector<256x256xf32>
    %swap3A_50 = vector.shape_cast %add3A_43 : vector<256x256xf32> to vector<1x256x256xf32>
    tpu.vector_store %arg6[%swap3A, %swap3A_46, %swap3A_47], %swap3A_50 {strides = array<i32>} : memref<1x10240x256xf32, #tpu.memory_space<vmem>>, vector<1x256x256xf32>,
    return
  }
  func.func @transform_0(%arg0: i32, %arg1: i32, %arg2: memref<160xi32, #tpu.memory_space<smem>>) -> (i32, i32) {
    %mul3A = arith.constant 80 : i32
    %mul3A_0 = arith.muli %arg0, %mul3A : i32
    %add3A = arith.addi %mul3A_0, %arg1 : i32
    %c0_i32 = arith.constant 0 : i32
    %c0_i32_1 = arith.constant 0 : i32
    return %add3A, %c0_i32 : i32, i32
  }
  func.func @transform_1(%arg0: i32, %arg1: i32, %arg2: memref<160xi32, #tpu.memory_space<smem>>) -> (i32, i32, i32) {
    %mul3A = arith.constant 80 : i32
    %mul3A_0 = arith.muli %arg0, %mul3A : i32
    %add3A = arith.addi %mul3A_0, %arg1 : i32
    %c0_i32 = arith.constant 0 : i32
    %c0_i32_1 = arith.constant 0 : i32
    %c0_i32_2 = arith.constant 0 : i32
    return %add3A, %c0_i32, %c0_i32_1 : i32, i32, i32
  }
  func.func @transform_2(%arg0: i32, %arg1: i32, %arg2: memref<160xi32, #tpu.memory_space<smem>>) -> (i32, i32, i32) {
    %mul3A = arith.constant 80 : i32
    %mul3A_0 = arith.muli %arg0, %mul3A : i32
    %add3A = arith.addi %mul3A_0, %arg1 : i32
    %c0_i32 = arith.constant 0 : i32
    %c0_i32_1 = arith.constant 0 : i32
    %c0_i32_2 = arith.constant 0 : i32
    return %add3A, %c0_i32, %c0_i32_1 : i32, i32, i32
  }
  func.func @transform_3(%arg0: i32, %arg1: i32, %arg2: memref<160xi32, #tpu.memory_space<smem>>) -> (i32, i32, i32) {
    %c0_i32 = arith.constant 0 : i32
    %c0_i32_0 = arith.constant 0 : i32
    %c0_i32_1 = arith.constant 0 : i32
    return %arg0, %c0_i32, %c0_i32_0 : i32, i32, i32
  }
}

module attributes {stable_mosaic.version = 14 : i64} {
  func.func @_mm_kernel(%arg0: i32, %arg1: memref<1000x256xf32, #tpu.memory_space<vmem>>, %arg2: memref<256x256xf32, #tpu.memory_space<vmem>>, %arg3: memref<1000x256xf32, #tpu.memory_space<vmem>>) attributes {dimension_semantics = [#tpu.dimension_semantics<parallel>], iteration_bounds = array<i64: 10>, scalar_prefetch = 0 : i64, scratch_operands = 0 : i64, tpu.core_type = #tpu.core_type<tc>, window_params = [{transform_indices = @transform_0, window_bounds = array<i64: 1000, 256>}, {pipeline_mode = #tpu.pipeline_mode<synchronous>, transform_indices = @transform_1, window_bounds = array<i64: 256, 256>}, {transform_indices = @transform_2, window_bounds = array<i64: 1000, 256>}]} {
    %get3A = arith.constant 0 : index
    %get3A_0 = arith.constant 0 : index
    %get3A_1 = vector.load %arg1[%get3A, %get3A_0] : memref<1000x256xf32, #tpu.memory_space<vmem>>, vector<1000x256xf32>
    %get3A_2 = arith.constant 0 : index
    %get3A_3 = arith.constant 0 : index
    %get3A_4 = vector.load %arg2[%get3A_2, %get3A_3] : memref<256x256xf32, #tpu.memory_space<vmem>>, vector<256x256xf32>
    %dot_general3A = arith.constant dense<0.000000e+00> : vector<1000x256xf32>
    %dot_general3A_5 = tpu.matmul %get3A_1, %get3A_4, %dot_general3A {dimension_numbers = #tpu.dot_dimension_numbers<[1], [0], [0], [1], [0, 0, 1, 1], [], []>, transpose_lhs_hint = false} : vector<1000x256xf32>, vector<256x256xf32>, vector<1000x256xf32> -> vector<1000x256xf32>
    %swap3A = arith.constant 0 : index
    %swap3A_6 = arith.constant 0 : index
    %swap3A_7 = vector.load %arg3[%swap3A, %swap3A_6] : memref<1000x256xf32, #tpu.memory_space<vmem>>, vector<1000x256xf32>
    tpu.vector_store %arg3[%swap3A, %swap3A_6], %dot_general3A_5 {strides = array<i32>} : memref<1000x256xf32, #tpu.memory_space<vmem>>, vector<1000x256xf32>,
    return
  }
  func.func @transform_0(%arg0: i32) -> (i32, i32) {
    %c0_i32 = arith.constant 0 : i32
    %c0_i32_0 = arith.constant 0 : i32
    return %arg0, %c0_i32 : i32, i32
  }
  func.func @transform_1(%arg0: i32) -> (i32, i32) {
    %c0_i32 = arith.constant 0 : i32
    %c0_i32_0 = arith.constant 0 : i32
    %c0_i32_1 = arith.constant 0 : i32
    return %c0_i32, %c0_i32_0 : i32, i32
  }
  func.func @transform_2(%arg0: i32) -> (i32, i32) {
    %c0_i32 = arith.constant 0 : i32
    %c0_i32_0 = arith.constant 0 : i32
    return %arg0, %c0_i32 : i32, i32
  }
}

module attributes {stable_mosaic.version = 14 : i64} {
  func.func @_seg_kernel(%arg0: i32, %arg1: i32, %arg2: memref<160xi32, #tpu.memory_space<smem>>, %arg3: memref<1024x128xf32, #tpu.memory_space<vmem>>, %arg4: memref<1x1x1024xi32, #tpu.memory_space<vmem>>, %arg5: memref<1x1x1024xf32, #tpu.memory_space<vmem>>, %arg6: memref<1x10240x128xf32, #tpu.memory_space<vmem>>) attributes {dimension_semantics = [#tpu.dimension_semantics<parallel>, #tpu.dimension_semantics<arbitrary>], iteration_bounds = array<i64: 2, 80>, scalar_prefetch = 1 : i64, scratch_operands = 0 : i64, tpu.core_type = #tpu.core_type<tc>, window_params = [{transform_indices = @transform_0, window_bounds = array<i64: 1024, 128>}, {transform_indices = @transform_1, window_bounds = array<i64: 1, 1, 1024>}, {transform_indices = @transform_2, window_bounds = array<i64: 1, 1, 1024>}, {transform_indices = @transform_3, window_bounds = array<i64: 1, 10240, 128>}]} {
    %eq3A = arith.constant 0 : i32
    %eq3A_0 = arith.cmpi eq, %arg1, %eq3A : i32
    %convert_element_type3A = arith.extui %eq3A_0 : i1 to i32
    %cond3A = arith.constant 0 : i32
    %cond3A_1 = arith.cmpi ne, %convert_element_type3A, %cond3A : i32
    scf.if %cond3A_1 {
      %broadcast_in_dim3A_51 = arith.constant 0.000000e+00 : f32
      %broadcast_in_dim3A_52 = vector.broadcast %broadcast_in_dim3A_51 : f32 to vector<1x10240x128xf32>
      %swap3A_53 = arith.constant 0 : index
      %swap3A_54 = arith.constant 0 : index
      %swap3A_55 = arith.constant 0 : index
      %swap3A_56 = vector.load %arg6[%swap3A_53, %swap3A_54, %swap3A_55] : memref<1x10240x128xf32, #tpu.memory_space<vmem>>, vector<1x10240x128xf32>
      tpu.vector_store %arg6[%swap3A_53, %swap3A_54, %swap3A_55], %broadcast_in_dim3A_52 {strides = array<i32>} : memref<1x10240x128xf32, #tpu.memory_space<vmem>>, vector<1x10240x128xf32>,
    } else {
    }
    %mul3A = arith.constant 80 : i32
    %mul3A_2 = arith.muli %arg0, %mul3A : i32
    %add3A = arith.addi %arg1, %mul3A_2 : i32
    %get3A = arith.index_cast %add3A : i32 to index
    %get3A_3 = memref.load %arg2[%get3A] : memref<160xi32, #tpu.memory_space<smem>>
    %get3A_4 = arith.constant 0 : index
    %get3A_5 = arith.constant 0 : index
    %get3A_6 = arith.constant 0 : index
    %get3A_7 = vector.load %arg4[%get3A_4, %get3A_5, %get3A_6] : memref<1x1x1024xi32, #tpu.memory_space<vmem>>, vector<1x1x1024xi32>
    %get3A_8 = vector.shape_cast %get3A_7 : vector<1x1x1024xi32> to vector<1024xi32>
    %mul3A_9 = arith.constant 128 : i32
    %mul3A_10 = arith.muli %get3A_3, %mul3A_9 : i32
    %sub3A = vector.broadcast %mul3A_10 : i32 to vector<1024xi32>
    %sub3A_11 = arith.subi %get3A_8, %sub3A : vector<1024xi32>
    %get3A_12 = arith.constant 0 : index
    %get3A_13 = arith.constant 0 : index
    %get3A_14 = arith.constant 0 : index
    %get3A_15 = vector.load %arg5[%get3A_12, %get3A_13, %get3A_14] : memref<1x1x1024xf32, #tpu.memory_space<vmem>>, vector<1x1x1024xf32>
    %get3A_16 = vector.shape_cast %get3A_15 : vector<1x1x1024xf32> to vector<1024xf32>
    %iota3A = tpu.iota {dimensions = array<i32: 0>} : vector<256x1024xi32>
    %broadcast_in_dim3A = vector.shape_cast %sub3A_11 : vector<1024xi32> to vector<1x1024xi32>
    %eq3A_17 = vector.broadcast %broadcast_in_dim3A : vector<1x1024xi32> to vector<256x1024xi32>
    %eq3A_18 = arith.cmpi eq, %iota3A, %eq3A_17 : vector<256x1024xi32>
    %convert_element_type3A_19 = arith.extui %eq3A_18 : vector<256x1024xi1> to vector<256x1024xi32>
    %convert_element_type3A_20 = arith.sitofp %convert_element_type3A_19 : vector<256x1024xi32> to vector<256x1024xf32>
    %convert_element_type3A_21 = arith.truncf %convert_element_type3A_20 : vector<256x1024xf32> to vector<256x1024xbf16>
    %get3A_22 = arith.constant 0 : index
    %get3A_23 = arith.constant 0 : index
    %get3A_24 = vector.load %arg3[%get3A_22, %get3A_23] : memref<1024x128xf32, #tpu.memory_space<vmem>>, vector<1024x128xf32>
    %broadcast_in_dim3A_25 = vector.shape_cast %get3A_16 : vector<1024xf32> to vector<1024x1xf32>
    %mul3A_26 = vector.broadcast %broadcast_in_dim3A_25 : vector<1024x1xf32> to vector<1024x128xf32>
    %mul3A_27 = arith.mulf %get3A_24, %mul3A_26 : vector<1024x128xf32>
    %convert_element_type3A_28 = arith.truncf %mul3A_27 : vector<1024x128xf32> to vector<1024x128xbf16>
    %convert_element_type3A_29 = arith.extf %convert_element_type3A_28 : vector<1024x128xbf16> to vector<1024x128xf32>
    %sub3A_30 = arith.subf %mul3A_27, %convert_element_type3A_29 : vector<1024x128xf32>
    %convert_element_type3A_31 = arith.truncf %sub3A_30 : vector<1024x128xf32> to vector<1024x128xbf16>
    %dot_general3A = arith.constant dense<0.000000e+00> : vector<256x128xf32>
    %dot_general3A_32 = tpu.matmul %convert_element_type3A_21, %convert_element_type3A_28, %dot_general3A {dimension_numbers = #tpu.dot_dimension_numbers<[1], [0], [0], [1], [0, 0, 1, 1], [], []>, transpose_lhs_hint = false} : vector<256x1024xbf16>, vector<1024x128xbf16>, vector<256x128xf32> -> vector<256x128xf32>
    %dot_general3A_33 = arith.constant dense<0.000000e+00> : vector<256x128xf32>
    %dot_general3A_34 = tpu.matmul %convert_element_type3A_21, %convert_element_type3A_31, %dot_general3A_33 {dimension_numbers = #tpu.dot_dimension_numbers<[1], [0], [0], [1], [0, 0, 1, 1], [], []>, transpose_lhs_hint = false} : vector<256x1024xbf16>, vector<1024x128xbf16>, vector<256x128xf32> -> vector<256x128xf32>
    %add3A_35 = arith.addf %dot_general3A_32, %dot_general3A_34 : vector<256x128xf32>
    %mul3A_36 = arith.constant 128 : i32
    %mul3A_37 = arith.muli %get3A_3, %mul3A_36 : i32
    %get3A_38 = arith.constant 0 : index
    %get3A_39 = arith.index_cast %mul3A_37 : i32 to index
    %get3A_40 = arith.constant 0 : index
    %get3A_41 = vector.load %arg6[%get3A_38, %get3A_39, %get3A_40] : memref<1x10240x128xf32, #tpu.memory_space<vmem>>, vector<1x256x128xf32>
    %get3A_42 = vector.shape_cast %get3A_41 : vector<1x256x128xf32> to vector<256x128xf32>
    %add3A_43 = arith.addf %get3A_42, %add3A_35 : vector<256x128xf32>
    %mul3A_44 = arith.constant 128 : i32
    %mul3A_45 = arith.muli %get3A_3, %mul3A_44 : i32
    %swap3A = arith.constant 0 : index
    %swap3A_46 = arith.index_cast %mul3A_45 : i32 to index
    %swap3A_47 = arith.constant 0 : index
    %swap3A_48 = vector.load %arg6[%swap3A, %swap3A_46, %swap3A_47] : memref<1x10240x128xf32, #tpu.memory_space<vmem>>, vector<1x256x128xf32>
    %swap3A_49 = vector.shape_cast %swap3A_48 : vector<1x256x128xf32> to vector<256x128xf32>
    %swap3A_50 = vector.shape_cast %add3A_43 : vector<256x128xf32> to vector<1x256x128xf32>
    tpu.vector_store %arg6[%swap3A, %swap3A_46, %swap3A_47], %swap3A_50 {strides = array<i32>} : memref<1x10240x128xf32, #tpu.memory_space<vmem>>, vector<1x256x128xf32>,
    return
  }
  func.func @transform_0(%arg0: i32, %arg1: i32, %arg2: memref<160xi32, #tpu.memory_space<smem>>) -> (i32, i32) {
    %mul3A = arith.constant 80 : i32
    %mul3A_0 = arith.muli %arg0, %mul3A : i32
    %add3A = arith.addi %mul3A_0, %arg1 : i32
    %c0_i32 = arith.constant 0 : i32
    %c0_i32_1 = arith.constant 0 : i32
    return %add3A, %c0_i32 : i32, i32
  }
  func.func @transform_1(%arg0: i32, %arg1: i32, %arg2: memref<160xi32, #tpu.memory_space<smem>>) -> (i32, i32, i32) {
    %mul3A = arith.constant 80 : i32
    %mul3A_0 = arith.muli %arg0, %mul3A : i32
    %add3A = arith.addi %mul3A_0, %arg1 : i32
    %c0_i32 = arith.constant 0 : i32
    %c0_i32_1 = arith.constant 0 : i32
    %c0_i32_2 = arith.constant 0 : i32
    return %add3A, %c0_i32, %c0_i32_1 : i32, i32, i32
  }
  func.func @transform_2(%arg0: i32, %arg1: i32, %arg2: memref<160xi32, #tpu.memory_space<smem>>) -> (i32, i32, i32) {
    %mul3A = arith.constant 80 : i32
    %mul3A_0 = arith.muli %arg0, %mul3A : i32
    %add3A = arith.addi %mul3A_0, %arg1 : i32
    %c0_i32 = arith.constant 0 : i32
    %c0_i32_1 = arith.constant 0 : i32
    %c0_i32_2 = arith.constant 0 : i32
    return %add3A, %c0_i32, %c0_i32_1 : i32, i32, i32
  }
  func.func @transform_3(%arg0: i32, %arg1: i32, %arg2: memref<160xi32, #tpu.memory_space<smem>>) -> (i32, i32, i32) {
    %c0_i32 = arith.constant 0 : i32
    %c0_i32_0 = arith.constant 0 : i32
    %c0_i32_1 = arith.constant 0 : i32
    return %arg0, %c0_i32, %c0_i32_0 : i32, i32, i32
  }
}

</mosaic_0001>

<sc_bundles>
// kernel: kernel.10.cloned.1.call-start
scs
__scs_entry_jumppad:
0x0: {  	(pc) =	sbr.rel $0x88, $3  }
0x1: {  	(tag) =	ssettag $0x0;
	lr =	simm.s32 $0x1  }
0x2: {  	[smem:$0x3F98] =	sst lr;
	_ =	strace $0xD0000000  }
0x3: {  	_ = 	snop  }
0x4: {  	_ = 	snop  }
0x5: {  	_ = 	snop  }
0x6: {  	_ = 	snop  }
0x7: {  	_ = 	snop  }
__scs_overlays_trampoline_lowered:
0x8: {  	[smem:$0x3FA7] =	sst s0  }
0x9: {  	[smem:$0x3FA8] =	sst s1  }
0xa: {  	[smem:$0x3FA9] =	sst s2  }
0xb: {  	[smem:$0x3FAA] =	sst s3  }
0xc: {  	[smem:$0x3FAB] =	sst s4  }
0xd: {  	[smem:$0x3FAC] =	sst s5  }
0xe: {  	[smem:$0x3FAD] =	sst s6  }
0xf: {  	[smem:$0x3FAE] =	sst s7  }
0x10: {  	[smem:$0x3FAF] =	sst s8  }
0x11: {  	[smem:$0x3FB0] =	sst s9;
	s0 =	simm.s32 @!p0 $0x0  }
0x12: {  	s1 =	sld [smem:$0x3F96];
	s0 =	simm.s32 @p0 $0x1  }
0x13: {  	[smem:$0x3FB1] =	sst s0;
	s0 =	simm.s32 @!p1 $0x0  }
0x14: {  	s2 =	sld [smem:$0x3F95];
	s0 =	simm.s32 @p1 $0x1  }
0x15: {  	[smem:$0x3FB2] =	sst s0;
	s0 =	simm.s32 @!p2 $0x0  }
0x16: {  	s3 =	sld [smem:$0x3FDB];
	s0 =	simm.s32 @p2 $0x1  }
0x17: {  	s4 =	simm.s32 $0x1BF5;
	[smem:$0x3FB4] =	sst s0  }
0x18: {  	s0 =	sld [smem:$0x3F97];
	_ =	swait.ge [sflag:s4], $0x0  }
0x19: {  	s7 =	sld [smem:$0x3F98]  }
0x1a: {  	s8 =	sadd.s32 $0xFFFFE003, lr  }
0x1b: {  	s9 =	sadd.s32 $0xFFFFFEF7, lr;
	s5 =	simm.s32 $0xFFFFFFFF;
	p2 =	slt.u32 s8, $0xFFFFF086  }
0x1c: {  	p1 =	slt.u32 s9, $0xF7A;
	s5 =	simm.s32 @!p2 $0x0  }
0x1d: {  	s5 =	simm.s32 @p1 $0x1;
	p0 =	seq.s32 s7, s2  }
0x1e: {  	s7 =	smul.u32 @!p0 $0xF7A, s2;
	p2 =	seq.s32 @!p0 s5, $0x0  }
0x1f: {  	s9 =	smul.u32 $0xF7A, s1;
	s8 =	simm.s32 @!p0 $0x1BF5;
	p2 =	por !p2, p0  }
0x20: {  	[sflag:s8] =	ssyncset.s32 @!p0 $0xFFFFF086;
	s6 =	sadd.s32 @!p0 s3, s7;
	s7 =	simm.s32 @!p0 $0x108  }
0x21: {  	s3 =	sadd.s32 s3, s9;
	s6 =	sadd.s32 @!p0 $0x88, s6;
	s7 =	simm.s32 @p2 $0x1082  }
0x22: {  	[simem:s7], [sflag:s8] =	dma.local @!p0 [hbm:s6], $0xF7A  }
0x23: {  	s9 =	sor.u32 $0xD0000000, s2;
	s6 =	simm.s32 $0x108;
	_ =	swait.ge @!p0 [sflag:s8], $0x0  }
0x24: {  	s3 =	sadd.s32 $0x88, s3;
	s6 =	simm.s32 @!p1 $0x1082;
	[sflag:s4] =	ssyncset.s32 $0xFFFFF086  }
0x25: {  	[simem:s6], [sflag:s4] =	dma.local [hbm:s3], $0xF7A  }
0x26: {  	[smem:$0x3F98] =	sst s1;
	(tag) =	ssettag s2;
	_ =	strace s9  }
0x27: {  	s1 =	sld [smem:$0x3FA8]  }
0x28: {  	s2 =	sld [smem:$0x3FA9]  }
0x29: {  	s4 =	sld [smem:$0x3FAB]  }
0x2a: {  	p0 =	seq.s32 s5, $0x0;
	s5 =	sld [smem:$0x3FAC]  }
0x2b: {  	s6 =	sld [smem:$0x3FAD]  }
0x2c: {  	s7 =	sld [smem:$0x3FAE]  }
0x2d: {  	s3 =	simm.s32 $0x108;
	s8 =	sld [smem:$0x3FAF]  }
0x2e: {  	s3 =	simm.s32 @!p0 $0x1082;
	s9 =	sld [smem:$0x3FB0]  }
0x2f: {  	lr =	sadd.s32 s0, s3;
	s0 =	sld [smem:$0x3FA7]  }
0x30: {  	s3 =	sld [smem:$0x3FAA]  }
0x31: {  	[smem:$0x3FB3] =	sst s10  }
0x32: {  	s10 =	sld [smem:$0x3FB1];
	_ =	sdelay $0x3  }
0x33: {  	p0 =	seq.s32 s10, $0x1;
	s10 =	sld [smem:$0x3FB3];
	_ =	sdelay $0x3  }
0x34: {  	[smem:$0x3FB3] =	sst s10  }
0x35: {  	s10 =	sld [smem:$0x3FB2];
	_ =	sdelay $0x3  }
0x36: {  	p1 =	seq.s32 s10, $0x1;
	s10 =	sld [smem:$0x3FB3];
	_ =	sdelay $0x3  }
0x37: {  	[smem:$0x3FB3] =	sst s10  }
0x38: {  	s10 =	sld [smem:$0x3FB4]  }
0x39: {  	_ = 	snop;
	(pc) =	sbr.ind lr, $3  }
0x3a: {  	_ = 	snop  }
0x3b: {  	_ = 	snop  }
0x3c: {  	p2 =	seq.s32 s10, $0x1;
	s10 =	sld [smem:$0x3FB3]  }
0x3d: {  	_ =	shalt  }
0x3e: {  	_ =	shalt  }
0x3f: {  	_ =	shalt  }
0x40: {  	_ =	shalt  }
0x41: {  	_ =	shalt  }
0x42: {  	_ =	shalt  }
0x43: {  	_ =	shalt  }
0x44: {  	_ =	shalt  }
0x45: {  	_ =	shalt  }
0x46: {  	_ =	shalt  }
0x47: {  	_ =	shalt  }
0x48: {  	_ =	shalt  }
0x49: {  	_ =	shalt  }
0x4a: {  	_ =	shalt  }
0x4b: {  	_ =	shalt  }
0x4c: {  	_ =	shalt  }
0x4d: {  	_ =	shalt  }
0x4e: {  	_ =	shalt  }
0x4f: {  	_ =	shalt  }
0x50: {  	_ =	shalt  }
0x51: {  	_ =	shalt  }
0x52: {  	_ =	shalt  }
0x53: {  	_ =	shalt  }
0x54: {  	_ =	shalt  }
0x55: {  	_ =	shalt  }
0x56: {  	_ =	shalt  }
0x57: {  	_ =	shalt  }
0x58: {  	_ =	shalt  }
0x59: {  	_ =	shalt  }
0x5a: {  	_ =	shalt  }
0x5b: {  	_ =	shalt  }
0x5c: {  	_ =	shalt  }
0x5d: {  	_ =	shalt  }
0x5e: {  	_ =	shalt  }
0x5f: {  	_ =	shalt  }
0x60: {  	_ =	shalt  }
0x61: {  	_ =	shalt  }
0x62: {  	_ =	shalt  }
0x63: {  	_ =	shalt  }
0x64: {  	_ =	shalt  }
0x65: {  	_ =	shalt  }
0x66: {  	_ =	shalt  }
0x67: {  	_ =	shalt  }
0x68: {  	_ =	shalt  }
0x69: {  	_ =	shalt  }
0x6a: {  	_ =	shalt  }
0x6b: {  	_ =	shalt  }
0x6c: {  	_ =	shalt  }
0x6d: {  	_ =	shalt  }
0x6e: {  	_ =	shalt  }
0x6f: {  	_ =	shalt  }
0x70: {  	_ =	shalt  }
0x71: {  	_ =	shalt  }
0x72: {  	_ =	shalt  }
0x73: {  	_ =	shalt  }
0x74: {  	_ =	shalt  }
0x75: {  	_ =	shalt  }
0x76: {  	_ =	shalt  }
0x77: {  	_ =	shalt  }
0x78: {  	_ =	shalt  }
0x79: {  	_ =	shalt  }
0x7a: {  	_ =	shalt  }
0x7b: {  	_ =	shalt  }
0x7c: {  	_ =	shalt  }
0x7d: {  	_ =	shalt  }
0x7e: {  	_ =	shalt  }
0x7f: {  	_ =	shalt  }
0x80: {  	_ =	shalt  }
0x81: {  	_ =	shalt  }
0x82: {  	_ =	shalt  }
0x83: {  	_ =	shalt  }
0x84: {  	_ =	shalt  }
0x85: {  	_ =	shalt  }
0x86: {  	_ =	shalt  }
0x87: {  	_ =	shalt  }
.Lfunc_end0:
.L_simem_size_0:
called_computation.2_lowered:
.L_overlay_start_0:
0x88: {  	s2 =	sld [smem:$0x3FD9]  }
0x89: {  	s3 =	sld [smem:$0x3FFE];
	_ =	sdelay $0x1  }
0x8a: {  	s1 =	srdreg.scid  }
0x8b: {  	s0 =	sand.u32 $0x1, s1  }
0x8c: {  	s17 =	sshll.u32 s0, $0xA;
	s2 =	sadd.s32 s3, s2  }
0x8d: {  	s2 =	sadd.s32 s2, s17  }
0x8e: {  	[smem:$0x3FBF] =	sst s2  }
0x8f: {  	_ = 	snop  }
0x90: {  	s2 =	sld [smem:$0x3FD0];
	(tm) =	ssettm $0x1  }
0x91: {  	s18 =	sld [smem:$0x3FFB];
	_ =	sdelay $0x3  }
0x92: {  	_ =	strace s18  }
0x93: {  	s3 =	sld [smem:$0x3FFC];
	_ =	sdelay $0x3  }
0x94: {  	_ =	strace s3  }
0x95: {  	s3 =	sld [smem:$0x3FFD];
	_ =	sdelay $0x3  }
0x96: {  	_ =	strace s3  }
0x97: {  	_ =	strace $0x8FFFFFFF  }
0x98: {  	s19 =	sld [smem:$0x3FDB];
	_ =	sdelay $0x1  }
0x99: {  	s4 =	simm.s32 $_scs_section_size  }
0x9a: {  	s5 =	simm.s32 $_size__tile_overlayer_lowered;
	s6 =	simm.s32 $_tile_overlayer_lowered  }
0x9b: {  	s22 =	simm.s32 $0x1BFF;
	s21 =	sshll.u32 s6, $0x1;
	s3 =	sadd.s32 s4, s19  }
0x9c: {  	s7 =	simm.s32 $0x0;
	s20 =	sshll.u32 s5, $0x1;
	s5 =	sadd.s32 s21, s3  }
0x9d: {  	[timem:s7], [sflag:s22] =	dma.local [hbm:s5], s20  }
0x9e: {  	_ =	swait.ge [sflag:s22], s20  }
0x9f: {  	s4 =	ssub.s32 $0x0, s20;
	[sflag:s22] =	ssyncset.done $0x0  }
0xa0: {  	[sflag:s22] =	ssyncadd.s32 s4;
	_ =	sdelay $0x1  }
0xa1: {  	s23 =	simm.s32 $0x1B8B  }
0xa2: {  	_ =	swait.ge [sflag:s23], $0x1  }
0xa3: {  	[sflag:s23] =	ssyncset.done $0x0  }
0xa4: {  	s25 =	simm.s32 $0x1B8E;
	s24 =	sld [smem:$0x3FFE];
	[sflag:s23] =	ssyncadd.s32 $0xFFFFFFFF  }
0xa5: {  	s26 =	simm.s32 $execute0_lowered;
	[smem:$0x3FD2] =	sst s25  }
0xa6: {  	s5 =	sshll.u32 s26, $0x1;
	_ =	strace $0x80000046;
	[dreg:$0x1] =	wrdreg $0xFFFFFFFF  }
0xa7: {  	s28 =	simm.s32 $_size_execute0_lowered;
	s3 =	sadd.s32 s3, s5;
	[dreg:$0x0] =	wrdreg $0x0  }
0xa8: {  	s5 =	sshll.u32 s28, $0x1;
	[dreg:$0x2] =	wrdreg s3  }
0xa9: {  	[dreg:$0x3] =	wrdreg s5  }
0xaa: {  	[dreg:$0x4] =	wrdreg $0xC0  }
0xab: {  	_ =	task [dreg:s7], $0x5FFFF  }
0xac: {  	[dreg:$0x1] =	wrdreg $0xFFFFFFFF  }
0xad: {  	[dreg:$0x0] =	wrdreg $0x60  }
0xae: {  	[dreg:$0x2] =	wrdreg s24  }
0xaf: {  	[dreg:$0x3] =	wrdreg s2  }
0xb0: {  	[dreg:$0x4] =	wrdreg $0x9  }
0xb1: {  	_ =	task.clear_ibuf [dreg:s7], $0x5FFFF;
	_ =	strace $0x90000046  }
0xb2: {  	s29 =	simm.s32 $0x9;
	_ =	strace $0x80000048  }
0xb3: {  	_ =	swait.ge [sflag:s29], $0x1  }
0xb4: {  	[sflag:s29] =	ssyncadd.s32 $0xFFFFFFFF  }
0xb5: {  	_ =	strace $0x90000048  }
0xb6: {  	_ =	sfence  }
0xb7: {  	s30 =	sld [smem:$0x0];
	_ =	sdelay $0x2  }
0xb8: {  	s31 =	sshll.u32 s1, $0xD;
	s1 =	sshrl.u32 s1, $0x2  }
0xb9: {  	s3 =	sand.u32 $0x4000, s31;
	s1 =	sadd.s32 s1, s30  }
0xba: {  	s0 =	sor.u32 s3, s0;
	s1 =	sshll.u32 s1, $0x11  }
0xbb: {  	s0 =	sor.u32 s1, s0  }
0xbc: {  	s0 =	sadd.s32 $0x8F2B, s0  }
0xbd: {  	[sflag:s0] =	ssyncadd.remote.s32 $0x1  }
0xbe: {  	_ =	sfence.sel $0xFFFF  }
0xbf: {  	[dreg:$0x0] =	wrdreg $0xFFFFFFFF;
	(pc) =	sbr.abs _section_cstart, $3  }
0xc0: {  	[dreg:$0x1] =	wrdreg $0xFFFFFFFF  }
0xc1: {  	_ =	task.clear_ibuf [dreg:s7], $0x2FFFF;
	_ =	strace $0x9FFFFFFF  }
0xc2: {  	(tm) =	ssettm $0x7FFFFFFF  }
0xc3: {  	_ =	shalt  }
tec
execute0_lowered:
.L_overlay_start_1:
0x0: {  	(tag) =	ssettag $0x1  }
0x1: {  	s0 =	rddreg [dreg:$0x0]  }
0x2: {  	s1 =	rddreg [dreg:$0x1];
	s2 =	simm.s32 $0x0  }
0x3: {  	s3 =	srdreg.scid;
	s8 =	stileid.u32;
	s16 =	simm.s32 $0x200  }
0x4: {  	s17 =	simm.s32 $0x1400;
	s18 =	simm.s32 $0x1800;
	s19 =	simm.s32 $0x1600  }
0x5: {  	s20 =	simm.s32 $0x1A00;
	s21 =	simm.s32 $0x1;
	s22 =	simm.s32 $0x3  }
0x6: {  	s28 =	simm.s32 $0x6;
	s29 =	simm.s32 $0x8;
	s30 =	simm.s32 $0x0  }
0x7: {  	[smem:$0x7FF] =	sst s2;
	s5 =	sand.u32 $0x1, s3;
	s23 =	sshll.u32 s8, $0x1  }
0x8: {  	s3 =	sadd.s32 $0x7200, s0;
	s4 =	sadd.s32 $0xC200, s0;
	s8 =	smul.u32 $0x2800, s8  }
0x9: {  	s14 =	sadd.s32 $0x16200, s0;
	s6 =	sor.u32 s5, s23;
	s11 =	smul.u32 $0x1400, s5  }
0xa: {  	s0 =	sadd.s32 $0x11200, s0;
	s7 =	ssub.s32 $0x2, s5;
	s6 =	smul.u32 $0x1400, s6  }
0xb: {  	_ =	strace $0x80000047;
	s23 =	simm.s32 $0x5;
	s9 =	sshrl.u32 s7, $0x1  }
0xc: {  	s24 =	ssub.s32 s7, s9;
	s12 =	sadd.s32 s11, s8;
	s10 =	sshrl.u32 s6, $0x3  }
0xd: {  	s25 =	smax.u32 s24, $0x1;
	s11 =	sor.u32 $0x200, s12;
	s15 =	sshrl.u32 s12, $0x3  }
0xe: {  	s24 =	simm.s32 $0x7;
	s1 =	sadd.s32 s1, s10;
	[dreg:$0x4] =	wrdreg s25  }
0xf: {  	s26 =	sadd.s32 $0x200, s10;
	s10 =	sadd.s32 $0x240, s10;
	s31 =	sshrl.u32 s11, $0x3  }
0x10: {  	s13 =	sadd.s32 s15, s0;
	s25 =	simm.s32 $0x2;
	[dreg:$0x3] =	wrdreg s1  }
0x11: {  	s7 =	sadd.s32 s14, s26;
	s8 =	sadd.s32 s0, s26;
	s9 =	sadd.s32 s14, s10  }
0x12: {  	s10 =	sadd.s32 s0, s10;
	s11 =	sadd.s32 s31, s0;
	s12 =	sadd.s32 s31, s14  }
0x13: {  	s14 =	sadd.s32 s15, s14;
	s15 =	simm.s32 $0x9;
	s26 =	simm.s32 $0x4  }
.LBB2_1:
0x14: {  	s0 =	rddreg [dreg:$0x3]  }
0x15: {  	[tilespmem:s2], [sflag:$0x9] =	stream.linear.gather [hbm4b:s0+s2], $0x1400, $0x38;
	[tilespmem:$0x1C00] =	vst v63  }
0x16: {  	_ =	swait.ge [sflag:s15], $0x1400  }
0x17: {  	[sflag:s15] =	ssyncset.done $0x0  }
0x18: {  	[sflag:s15] =	ssyncadd.s32 $0xFFFFEC00  }
0x19: {  	[tilespmem:s17], [sflag:$0x1] =	stream.indirect.gather [hbm4b:s3+s16], $0x1, s2, s16, $0xb8;
	[tilespmem:$0x1C00] =	vst v63  }
0x1a: {  	_ = 	snop  }
0x1b: {  	[tilespmem:s18], [sflag:$0x3] =	stream.indirect.gather [hbm4b:s4+s16], $0x1, s2, s16, $0xb8;
	[tilespmem:$0x1C00] =	vst v63  }
0x1c: {  	_ = 	snop  }
0x1d: {  	[tilespmem:s19], [sflag:$0x2] =	stream.indirect.gather [hbm4b:s3+s16], $0x1, s16, s16, $0xb8;
	[tilespmem:$0x1C00] =	vst v63  }
0x1e: {  	_ = 	snop  }
0x1f: {  	[tilespmem:s20], [sflag:$0x4] =	stream.indirect.gather [hbm4b:s4+s16], $0x1, s16, s16, $0xb8;
	[tilespmem:$0x1C00] =	vst v63  }
0x20: {  	_ =	swait.ge [sflag:s21], $0x200  }
0x21: {  	[sflag:s21] =	ssyncset.done $0x0  }
0x22: {  	[sflag:s21] =	ssyncadd.s32 $0xFFFFFE00  }
0x23: {  	_ =	swait.ge [sflag:s22], $0x200  }
0x24: {  	[sflag:s22] =	ssyncset.done $0x0  }
0x25: {  	s5 =	sadd.s32 $0x0, s14;
	[sflag:s22] =	ssyncadd.s32 $0xFFFFFE00  }
0x26: {  	[hbm4b:s5+s2] =	stream.linear.scatter [tilespmem:s17], [sflag:$0x5], $0x200, $0x38;
	[tilespmem:$0x1C00] =	vst v63  }
0x27: {  	s6 =	sadd.s32 $0x0, s13  }
0x28: {  	[hbm4b:s6+s2] =	stream.linear.scatter [tilespmem:s18], [sflag:$0x7], $0x200, $0x38;
	[tilespmem:$0x1C00] =	vst v63  }
0x29: {  	_ =	swait.ge [sflag:s23], $0x200  }
0x2a: {  	[sflag:s23] =	ssyncset.done $0x0  }
0x2b: {  	[sflag:s23] =	ssyncadd.s32 $0xFFFFFE00  }
0x2c: {  	_ =	swait.ge [sflag:s24], $0x200  }
0x2d: {  	[sflag:s24] =	ssyncset.done $0x0  }
0x2e: {  	s1 =	simm.s32 $0x400;
	[sflag:s24] =	ssyncadd.s32 $0xFFFFFE00  }
0x2f: {  	[tilespmem:s17], [sflag:$0x1] =	stream.indirect.gather [hbm4b:s3+s16], $0x1, s1, s16, $0xb8;
	[tilespmem:$0x1C00] =	vst v63  }
0x30: {  	_ = 	snop  }
0x31: {  	[tilespmem:s18], [sflag:$0x3] =	stream.indirect.gather [hbm4b:s4+s16], $0x1, s1, s16, $0xb8;
	[tilespmem:$0x1C00] =	vst v63  }
0x32: {  	_ =	swait.ge [sflag:s25], $0x200  }
0x33: {  	[sflag:s25] =	ssyncset.done $0x0  }
0x34: {  	[sflag:s25] =	ssyncadd.s32 $0xFFFFFE00  }
0x35: {  	_ =	swait.ge [sflag:s26], $0x200  }
0x36: {  	[sflag:s26] =	ssyncset.done $0x0  }
0x37: {  	s5 =	sadd.s32 $0x0, s12;
	[sflag:s26] =	ssyncadd.s32 $0xFFFFFE00  }
0x38: {  	[hbm4b:s5+s2] =	stream.linear.scatter [tilespmem:s19], [sflag:$0x6], $0x200, $0x38;
	[tilespmem:$0x1C00] =	vst v63  }
0x39: {  	s6 =	sadd.s32 $0x0, s11  }
0x3a: {  	[hbm4b:s6+s2] =	stream.linear.scatter [tilespmem:s20], [sflag:$0x8], $0x200, $0x38;
	[tilespmem:$0x1C00] =	vst v63  }
0x3b: {  	_ =	swait.ge [sflag:s28], $0x200  }
0x3c: {  	[sflag:s28] =	ssyncset.done $0x0  }
0x3d: {  	[sflag:s28] =	ssyncadd.s32 $0xFFFFFE00  }
0x3e: {  	_ =	swait.ge [sflag:s29], $0x200  }
0x3f: {  	s31 =	simm.s32 $0x600;
	[sflag:s29] =	ssyncset.done $0x0  }
0x40: {  	s0 =	simm.s32 $0x80;
	s1 =	simm.s32 $0xA00;
	[sflag:s29] =	ssyncadd.s32 $0xFFFFFE00  }
0x41: {  	[tilespmem:s19], [sflag:$0x2] =	stream.indirect.gather [hbm4b:s3+s16], $0x1, s31, s16, $0xb8;
	[tilespmem:$0x1C00] =	vst v63  }
.LBB2_2:
0x42: {  	[tilespmem:s20], [sflag:$0x4] =	stream.indirect.gather [hbm4b:s4+s16], $0x1, s31, s16, $0xb8;
	[tilespmem:$0x1C00] =	vst v63  }
0x43: {  	s5 =	smov.u32 s0;
	s31 =	smov.u32 s1  }
0x44: {  	p0 =	sne.s32 s0, $0x180;
	s0 =	sadd.s32 $0x80, s0;
	_ =	swait.ge [sflag:s21], $0x200  }
0x45: {  	[sflag:s21] =	ssyncset.done $0x0  }
0x46: {  	[sflag:s21] =	ssyncadd.s32 $0xFFFFFE00  }
0x47: {  	_ =	swait.ge [sflag:s22], $0x200  }
0x48: {  	[sflag:s22] =	ssyncset.done $0x0  }
0x49: {  	s6 =	sadd.s32 s5, s14;
	[sflag:s22] =	ssyncadd.s32 $0xFFFFFE00  }
0x4a: {  	[hbm4b:s6+s2] =	stream.linear.scatter [tilespmem:s17], [sflag:$0x5], $0x200, $0x38;
	[tilespmem:$0x1C00] =	vst v63  }
0x4b: {  	s6 =	sadd.s32 s5, s13  }
0x4c: {  	[hbm4b:s6+s2] =	stream.linear.scatter [tilespmem:s18], [sflag:$0x7], $0x200, $0x38;
	[tilespmem:$0x1C00] =	vst v63  }
0x4d: {  	_ =	swait.ge [sflag:s23], $0x200  }
0x4e: {  	[sflag:s23] =	ssyncset.done $0x0  }
0x4f: {  	[sflag:s23] =	ssyncadd.s32 $0xFFFFFE00  }
0x50: {  	_ =	swait.ge [sflag:s24], $0x200  }
0x51: {  	[sflag:s24] =	ssyncset.done $0x0  }
0x52: {  	s6 =	sadd.s32 $0xFFFFFE00, s1;
	[sflag:s24] =	ssyncadd.s32 $0xFFFFFE00  }
0x53: {  	[tilespmem:s17], [sflag:$0x1] =	stream.indirect.gather [hbm4b:s3+s16], $0x1, s6, s16, $0xb8;
	[tilespmem:$0x1C00] =	vst v63  }
0x54: {  	_ = 	snop  }
0x55: {  	[tilespmem:s18], [sflag:$0x3] =	stream.indirect.gather [hbm4b:s4+s16], $0x1, s6, s16, $0xb8;
	[tilespmem:$0x1C00] =	vst v63  }
0x56: {  	_ =	swait.ge [sflag:s25], $0x200  }
0x57: {  	[sflag:s25] =	ssyncset.done $0x0  }
0x58: {  	[sflag:s25] =	ssyncadd.s32 $0xFFFFFE00  }
0x59: {  	_ =	swait.ge [sflag:s26], $0x200  }
0x5a: {  	[sflag:s26] =	ssyncset.done $0x0  }
0x5b: {  	s6 =	sadd.s32 s5, s12;
	[sflag:s26] =	ssyncadd.s32 $0xFFFFFE00  }
0x5c: {  	[hbm4b:s6+s2] =	stream.linear.scatter [tilespmem:s19], [sflag:$0x6], $0x200, $0x38;
	[tilespmem:$0x1C00] =	vst v63  }
0x5d: {  	s5 =	sadd.s32 s5, s11  }
0x5e: {  	[hbm4b:s5+s2] =	stream.linear.scatter [tilespmem:s20], [sflag:$0x8], $0x200, $0x38;
	[tilespmem:$0x1C00] =	vst v63  }
0x5f: {  	_ =	swait.ge [sflag:s28], $0x200  }
0x60: {  	[sflag:s28] =	ssyncset.done $0x0  }
0x61: {  	[sflag:s28] =	ssyncadd.s32 $0xFFFFFE00  }
.Ltmp0:
0x62: {  	_ =	swait.ge [sflag:s29], $0x200;
	(pc) =	sbr.rel @p0 .LBB2_2-.Ltmp0, $4  }
0x63: {  	[sflag:s29] =	ssyncset.done $0x0  }
0x64: {  	[sflag:s29] =	ssyncadd.s32 $0xFFFFFE00  }
0x65: {  	[tilespmem:s19], [sflag:$0x2] =	stream.indirect.gather [hbm4b:s3+s16], $0x1, s1, s16, $0xb8;
	[tilespmem:$0x1C00] =	vst v63  }
0x66: {  	s1 =	sadd.s32 $0x400, s1  }
0x67: {  	[tilespmem:s20], [sflag:$0x4] =	stream.indirect.gather [hbm4b:s4+s16], $0x1, s31, s16, $0xb8;
	[tilespmem:$0x1C00] =	vst v63  }
0x68: {  	_ =	swait.ge [sflag:s21], $0x200  }
0x69: {  	[sflag:s21] =	ssyncset.done $0x0  }
0x6a: {  	[sflag:s21] =	ssyncadd.s32 $0xFFFFFE00  }
0x6b: {  	_ =	swait.ge [sflag:s22], $0x200  }
0x6c: {  	[sflag:s22] =	ssyncset.done $0x0  }
0x6d: {  	[sflag:s22] =	ssyncadd.s32 $0xFFFFFE00  }
0x6e: {  	[hbm4b:s7+s2] =	stream.linear.scatter [tilespmem:s17], [sflag:$0x5], $0x200, $0x38;
	[tilespmem:$0x1C00] =	vst v63  }
0x6f: {  	_ = 	snop  }
0x70: {  	[hbm4b:s8+s2] =	stream.linear.scatter [tilespmem:s18], [sflag:$0x7], $0x200, $0x38;
	[tilespmem:$0x1C00] =	vst v63  }
0x71: {  	_ =	swait.ge [sflag:s25], $0x200  }
0x72: {  	[sflag:s25] =	ssyncset.done $0x0  }
0x73: {  	[sflag:s25] =	ssyncadd.s32 $0xFFFFFE00  }
0x74: {  	_ =	swait.ge [sflag:s26], $0x200  }
0x75: {  	[sflag:s26] =	ssyncset.done $0x0  }
0x76: {  	[sflag:s26] =	ssyncadd.s32 $0xFFFFFE00  }
0x77: {  	[hbm4b:s9+s2] =	stream.linear.scatter [tilespmem:s19], [sflag:$0x6], $0x200, $0x38;
	[tilespmem:$0x1C00] =	vst v63  }
0x78: {  	_ = 	snop  }
0x79: {  	[hbm4b:s10+s2] =	stream.linear.scatter [tilespmem:s20], [sflag:$0x8], $0x200, $0x38;
	[tilespmem:$0x1C00] =	vst v63  }
0x7a: {  	_ =	swait.ge [sflag:s23], $0x200  }
0x7b: {  	[sflag:s23] =	ssyncset.done $0x0  }
0x7c: {  	[sflag:s23] =	ssyncadd.s32 $0xFFFFFE00  }
0x7d: {  	_ =	swait.ge [sflag:s24], $0x200  }
0x7e: {  	[sflag:s24] =	ssyncset.done $0x0  }
0x7f: {  	[sflag:s24] =	ssyncadd.s32 $0xFFFFFE00  }
0x80: {  	_ =	swait.ge [sflag:s28], $0x200  }
0x81: {  	[sflag:s28] =	ssyncset.done $0x0  }
0x82: {  	[sflag:s28] =	ssyncadd.s32 $0xFFFFFE00  }
0x83: {  	_ =	swait.ge [sflag:s29], $0x200  }
0x84: {  	s30 =	sadd.s32 $0x1, s30;
	s0 =	rddreg [dreg:$0x4]  }
0x85: {  	p0 =	sne.s32 s30, s0  }
.Ltmp1:
0x86: {  	_ = 	snop;
	(pc) =	sbr.rel @p0 .LBB2_1-.Ltmp1, $3  }
0x87: {  	_ =	sdelay $0x1  }
0x88: {  	[sflag:s29] =	ssyncset.done $0x0  }
0x89: {  	[sflag:s29] =	ssyncadd.s32 $0xFFFFFE00  }
0x8a: {  	_ =	sfence.sel $0x180000  }
0x8b: {  	[bflag:$0x0] =	sbarrier.arrive $0xFFFF  }
0x8c: {  	_ =	strace $0x90000047  }
0x8d: {  	s0 =	stileid.u32;
	[bflag:$0x2] =	sbarrier.arrive $0xFFFF  }
0x8e: {  	p0 =	sne.s32 s0, $0x0;
	s0 =	rddreg [dreg:$0x2]  }
0x8f: {  	s0 =	sadd.s32 @!p0 $0x100000, s0  }
0x90: {  	[sflag:s0] =	ssyncadd.tile.s32 @!p0 $0x1;
	_ =	shalt  }
.Lfunc_end2:
_tile_overlayer_lowered:
.L_overlay_start_2:
0x91: {  	(tag) =	ssettag $0x2  }
0x92: {  	s0 =	rddreg [dreg:$0x0];
	s2 =	stileid.u32  }
0x93: {  	s1 =	rddreg [dreg:$0x1];
	p0 =	sne.s32 s2, $0x0  }
0x94: {  	s3 =	rddreg [dreg:$0x2];
	[bflag:$0x3] =	sbarrier.arrive $0xFFFF;
	s2 =	simm.s32 @!p0 $0x1C09  }
0x95: {  	[timem:s3], [sflag:s2] =	dma.local @!p0 [hbm:s0], s1  }
0x96: {  	s0 =	simm.s32 @!p0 $0x9  }
0x97: {  	_ =	swait.ge @!p0 [sflag:s0], s1  }
0x98: {  	s1 =	ssub.s32 @!p0 $0x0, s1;
	[sflag:s0] =	ssyncset.done @!p0 $0x0  }
0x99: {  	[sflag:s0] =	ssyncadd.s32 @!p0 s1  }
0x9a: {  	[bflag:$0x3] =	sbarrier.arrive $0xFFFF  }
0x9b: {  	_ =	shalt  }

// kernel: kernel.13.cloned.1.call-start
scs
__scs_entry_jumppad:
0x0: {  	(pc) =	sbr.rel $0x88, $3  }
0x1: {  	(tag) =	ssettag $0x0;
	lr =	simm.s32 $0x1  }
0x2: {  	[smem:$0x3F98] =	sst lr;
	_ =	strace $0xD0000000  }
0x3: {  	_ = 	snop  }
0x4: {  	_ = 	snop  }
0x5: {  	_ = 	snop  }
0x6: {  	_ = 	snop  }
0x7: {  	_ = 	snop  }
__scs_overlays_trampoline_lowered:
0x8: {  	[smem:$0x3FA7] =	sst s0  }
0x9: {  	[smem:$0x3FA8] =	sst s1  }
0xa: {  	[smem:$0x3FA9] =	sst s2  }
0xb: {  	[smem:$0x3FAA] =	sst s3  }
0xc: {  	[smem:$0x3FAB] =	sst s4  }
0xd: {  	[smem:$0x3FAC] =	sst s5  }
0xe: {  	[smem:$0x3FAD] =	sst s6  }
0xf: {  	[smem:$0x3FAE] =	sst s7  }
0x10: {  	[smem:$0x3FAF] =	sst s8  }
0x11: {  	[smem:$0x3FB0] =	sst s9;
	s0 =	simm.s32 @!p0 $0x0  }
0x12: {  	s1 =	sld [smem:$0x3F96];
	s0 =	simm.s32 @p0 $0x1  }
0x13: {  	[smem:$0x3FB1] =	sst s0;
	s0 =	simm.s32 @!p1 $0x0  }
0x14: {  	s2 =	sld [smem:$0x3F95];
	s0 =	simm.s32 @p1 $0x1  }
0x15: {  	[smem:$0x3FB2] =	sst s0;
	s0 =	simm.s32 @!p2 $0x0  }
0x16: {  	s3 =	sld [smem:$0x3FDB];
	s0 =	simm.s32 @p2 $0x1  }
0x17: {  	s4 =	simm.s32 $0x1BF5;
	[smem:$0x3FB4] =	sst s0  }
0x18: {  	s0 =	sld [smem:$0x3F97];
	_ =	swait.ge [sflag:s4], $0x0  }
0x19: {  	s7 =	sld [smem:$0x3F98]  }
0x1a: {  	s8 =	sadd.s32 $0xFFFFE003, lr  }
0x1b: {  	s9 =	sadd.s32 $0xFFFFFEF7, lr;
	s5 =	simm.s32 $0xFFFFFFFF;
	p2 =	slt.u32 s8, $0xFFFFF086  }
0x1c: {  	p1 =	slt.u32 s9, $0xF7A;
	s5 =	simm.s32 @!p2 $0x0  }
0x1d: {  	s5 =	simm.s32 @p1 $0x1;
	p0 =	seq.s32 s7, s2  }
0x1e: {  	s7 =	smul.u32 @!p0 $0xF7A, s2;
	p2 =	seq.s32 @!p0 s5, $0x0  }
0x1f: {  	s9 =	smul.u32 $0xF7A, s1;
	s8 =	simm.s32 @!p0 $0x1BF5;
	p2 =	por !p2, p0  }
0x20: {  	[sflag:s8] =	ssyncset.s32 @!p0 $0xFFFFF086;
	s6 =	sadd.s32 @!p0 s3, s7;
	s7 =	simm.s32 @!p0 $0x108  }
0x21: {  	s3 =	sadd.s32 s3, s9;
	s6 =	sadd.s32 @!p0 $0x88, s6;
	s7 =	simm.s32 @p2 $0x1082  }
0x22: {  	[simem:s7], [sflag:s8] =	dma.local @!p0 [hbm:s6], $0xF7A  }
0x23: {  	s9 =	sor.u32 $0xD0000000, s2;
	s6 =	simm.s32 $0x108;
	_ =	swait.ge @!p0 [sflag:s8], $0x0  }
0x24: {  	s3 =	sadd.s32 $0x88, s3;
	s6 =	simm.s32 @!p1 $0x1082;
	[sflag:s4] =	ssyncset.s32 $0xFFFFF086  }
0x25: {  	[simem:s6], [sflag:s4] =	dma.local [hbm:s3], $0xF7A  }
0x26: {  	[smem:$0x3F98] =	sst s1;
	(tag) =	ssettag s2;
	_ =	strace s9  }
0x27: {  	s1 =	sld [smem:$0x3FA8]  }
0x28: {  	s2 =	sld [smem:$0x3FA9]  }
0x29: {  	s4 =	sld [smem:$0x3FAB]  }
0x2a: {  	p0 =	seq.s32 s5, $0x0;
	s5 =	sld [smem:$0x3FAC]  }
0x2b: {  	s6 =	sld [smem:$0x3FAD]  }
0x2c: {  	s7 =	sld [smem:$0x3FAE]  }
0x2d: {  	s3 =	simm.s32 $0x108;
	s8 =	sld [smem:$0x3FAF]  }
0x2e: {  	s3 =	simm.s32 @!p0 $0x1082;
	s9 =	sld [smem:$0x3FB0]  }
0x2f: {  	lr =	sadd.s32 s0, s3;
	s0 =	sld [smem:$0x3FA7]  }
0x30: {  	s3 =	sld [smem:$0x3FAA]  }
0x31: {  	[smem:$0x3FB3] =	sst s10  }
0x32: {  	s10 =	sld [smem:$0x3FB1];
	_ =	sdelay $0x3  }
0x33: {  	p0 =	seq.s32 s10, $0x1;
	s10 =	sld [smem:$0x3FB3];
	_ =	sdelay $0x3  }
0x34: {  	[smem:$0x3FB3] =	sst s10  }
0x35: {  	s10 =	sld [smem:$0x3FB2];
	_ =	sdelay $0x3  }
0x36: {  	p1 =	seq.s32 s10, $0x1;
	s10 =	sld [smem:$0x3FB3];
	_ =	sdelay $0x3  }
0x37: {  	[smem:$0x3FB3] =	sst s10  }
0x38: {  	s10 =	sld [smem:$0x3FB4]  }
0x39: {  	_ = 	snop;
	(pc) =	sbr.ind lr, $3  }
0x3a: {  	_ = 	snop  }
0x3b: {  	_ = 	snop  }
0x3c: {  	p2 =	seq.s32 s10, $0x1;
	s10 =	sld [smem:$0x3FB3]  }
0x3d: {  	_ =	shalt  }
0x3e: {  	_ =	shalt  }
0x3f: {  	_ =	shalt  }
0x40: {  	_ =	shalt  }
0x41: {  	_ =	shalt  }
0x42: {  	_ =	shalt  }
0x43: {  	_ =	shalt  }
0x44: {  	_ =	shalt  }
0x45: {  	_ =	shalt  }
0x46: {  	_ =	shalt  }
0x47: {  	_ =	shalt  }
0x48: {  	_ =	shalt  }
0x49: {  	_ =	shalt  }
0x4a: {  	_ =	shalt  }
0x4b: {  	_ =	shalt  }
0x4c: {  	_ =	shalt  }
0x4d: {  	_ =	shalt  }
0x4e: {  	_ =	shalt  }
0x4f: {  	_ =	shalt  }
0x50: {  	_ =	shalt  }
0x51: {  	_ =	shalt  }
0x52: {  	_ =	shalt  }
0x53: {  	_ =	shalt  }
0x54: {  	_ =	shalt  }
0x55: {  	_ =	shalt  }
0x56: {  	_ =	shalt  }
0x57: {  	_ =	shalt  }
0x58: {  	_ =	shalt  }
0x59: {  	_ =	shalt  }
0x5a: {  	_ =	shalt  }
0x5b: {  	_ =	shalt  }
0x5c: {  	_ =	shalt  }
0x5d: {  	_ =	shalt  }
0x5e: {  	_ =	shalt  }
0x5f: {  	_ =	shalt  }
0x60: {  	_ =	shalt  }
0x61: {  	_ =	shalt  }
0x62: {  	_ =	shalt  }
0x63: {  	_ =	shalt  }
0x64: {  	_ =	shalt  }
0x65: {  	_ =	shalt  }
0x66: {  	_ =	shalt  }
0x67: {  	_ =	shalt  }
0x68: {  	_ =	shalt  }
0x69: {  	_ =	shalt  }
0x6a: {  	_ =	shalt  }
0x6b: {  	_ =	shalt  }
0x6c: {  	_ =	shalt  }
0x6d: {  	_ =	shalt  }
0x6e: {  	_ =	shalt  }
0x6f: {  	_ =	shalt  }
0x70: {  	_ =	shalt  }
0x71: {  	_ =	shalt  }
0x72: {  	_ =	shalt  }
0x73: {  	_ =	shalt  }
0x74: {  	_ =	shalt  }
0x75: {  	_ =	shalt  }
0x76: {  	_ =	shalt  }
0x77: {  	_ =	shalt  }
0x78: {  	_ =	shalt  }
0x79: {  	_ =	shalt  }
0x7a: {  	_ =	shalt  }
0x7b: {  	_ =	shalt  }
0x7c: {  	_ =	shalt  }
0x7d: {  	_ =	shalt  }
0x7e: {  	_ =	shalt  }
0x7f: {  	_ =	shalt  }
0x80: {  	_ =	shalt  }
0x81: {  	_ =	shalt  }
0x82: {  	_ =	shalt  }
0x83: {  	_ =	shalt  }
0x84: {  	_ =	shalt  }
0x85: {  	_ =	shalt  }
0x86: {  	_ =	shalt  }
0x87: {  	_ =	shalt  }
.Lfunc_end0:
.L_simem_size_0:
called_computation.3_lowered:
.L_overlay_start_0:
0x88: {  	s2 =	sld [smem:$0x3FD9]  }
0x89: {  	s3 =	sld [smem:$0x3FFE];
	_ =	sdelay $0x1  }
0x8a: {  	s1 =	srdreg.scid  }
0x8b: {  	s0 =	sand.u32 $0x1, s1  }
0x8c: {  	s16 =	sshll.u32 s0, $0xA;
	s2 =	sadd.s32 s3, s2  }
0x8d: {  	s2 =	sadd.s32 s2, s16  }
0x8e: {  	[smem:$0x3FBF] =	sst s2  }
0x8f: {  	_ = 	snop  }
0x90: {  	(tm) =	ssettm $0x1  }
0x91: {  	s17 =	sld [smem:$0x3FFB];
	_ =	sdelay $0x3  }
0x92: {  	_ =	strace s17  }
0x93: {  	s2 =	sld [smem:$0x3FFC];
	_ =	sdelay $0x3  }
0x94: {  	_ =	strace s2  }
0x95: {  	s2 =	sld [smem:$0x3FFD];
	_ =	sdelay $0x3  }
0x96: {  	_ =	strace s2  }
0x97: {  	_ =	strace $0x8FFFFFFF  }
0x98: {  	s18 =	sld [smem:$0x3FDB];
	_ =	sdelay $0x1  }
0x99: {  	s19 =	simm.s32 $_scs_section_size  }
0x9a: {  	s4 =	simm.s32 $_size__tile_overlayer_lowered;
	s5 =	simm.s32 $_tile_overlayer_lowered  }
0x9b: {  	s22 =	simm.s32 $0x1BFF;
	s21 =	sshll.u32 s5, $0x1;
	s2 =	sadd.s32 s19, s18  }
0x9c: {  	s6 =	simm.s32 $0x0;
	s20 =	sshll.u32 s4, $0x1;
	s4 =	sadd.s32 s21, s2  }
0x9d: {  	[timem:s6], [sflag:s22] =	dma.local [hbm:s4], s20  }
0x9e: {  	_ =	swait.ge [sflag:s22], s20  }
0x9f: {  	s3 =	ssub.s32 $0x0, s20;
	[sflag:s22] =	ssyncset.done $0x0  }
0xa0: {  	[sflag:s22] =	ssyncadd.s32 s3;
	_ =	sdelay $0x1  }
0xa1: {  	s23 =	simm.s32 $0x1B8B  }
0xa2: {  	_ =	swait.ge [sflag:s23], $0x1  }
0xa3: {  	[sflag:s23] =	ssyncset.done $0x0  }
0xa4: {  	s25 =	simm.s32 $0x1B8E;
	s24 =	sld [smem:$0x3FFE];
	[sflag:s23] =	ssyncadd.s32 $0xFFFFFFFF  }
0xa5: {  	s26 =	simm.s32 $execute0_lowered;
	[smem:$0x3FD2] =	sst s25  }
0xa6: {  	s4 =	sshll.u32 s26, $0x1;
	_ =	strace $0x8000004F;
	[dreg:$0x1] =	wrdreg $0xFFFFFFFF  }
0xa7: {  	s28 =	simm.s32 $_size_execute0_lowered;
	s2 =	sadd.s32 s2, s4;
	[dreg:$0x0] =	wrdreg $0x0  }
0xa8: {  	s4 =	sshll.u32 s28, $0x1;
	[dreg:$0x2] =	wrdreg s2  }
0xa9: {  	[dreg:$0x3] =	wrdreg s4  }
0xaa: {  	[dreg:$0x4] =	wrdreg $0xC0  }
0xab: {  	_ =	task [dreg:s6], $0x5FFFF  }
0xac: {  	[dreg:$0x1] =	wrdreg $0xFFFFFFFF  }
0xad: {  	[dreg:$0x0] =	wrdreg $0x60  }
0xae: {  	[dreg:$0x2] =	wrdreg s24  }
0xaf: {  	[dreg:$0x3] =	wrdreg $0x9  }
0xb0: {  	_ =	task.clear_ibuf [dreg:s6], $0x4FFFF;
	_ =	strace $0x9000004F  }
0xb1: {  	s29 =	simm.s32 $0x9;
	_ =	strace $0x80000051  }
0xb2: {  	_ =	swait.ge [sflag:s29], $0x1  }
0xb3: {  	[sflag:s29] =	ssyncadd.s32 $0xFFFFFFFF  }
0xb4: {  	_ =	strace $0x90000051  }
0xb5: {  	_ =	sfence  }
0xb6: {  	s30 =	sld [smem:$0x0];
	_ =	sdelay $0x2  }
0xb7: {  	s31 =	sshll.u32 s1, $0xD;
	s1 =	sshrl.u32 s1, $0x2  }
0xb8: {  	s3 =	sand.u32 $0x4000, s31;
	s1 =	sadd.s32 s1, s30  }
0xb9: {  	s0 =	sor.u32 s3, s0;
	s1 =	sshll.u32 s1, $0x11  }
0xba: {  	s0 =	sor.u32 s1, s0  }
0xbb: {  	s0 =	sadd.s32 $0x8F2B, s0  }
0xbc: {  	[sflag:s0] =	ssyncadd.remote.s32 $0x1  }
0xbd: {  	_ =	sfence.sel $0xFFFF  }
0xbe: {  	[dreg:$0x0] =	wrdreg $0xFFFFFFFF;
	(pc) =	sbr.abs _section_cstart, $3  }
0xbf: {  	[dreg:$0x1] =	wrdreg $0xFFFFFFFF  }
0xc0: {  	_ =	task.clear_ibuf [dreg:s6], $0x2FFFF;
	_ =	strace $0x9FFFFFFF  }
0xc1: {  	(tm) =	ssettm $0x7FFFFFFF  }
tec
execute0_lowered:
.L_overlay_start_1:
0x0: {  	(tag) =	ssettag $0x1  }
0x1: {  	s0 =	srdreg.scid;
	s10 =	stileid.u32  }
0x2: {  	s4 =	rddreg [dreg:$0x0];
	s2 =	simm.s32 $0x0;
	s31 =	simm.s32 $0x1400  }
0x3: {  	s19 =	simm.s32 $0x1C00;
	s18 =	simm.s32 $0x2400;
	s20 =	simm.s32 $0x2C00  }
0x4: {  	s28 =	simm.s32 $0x5C00;
	s29 =	simm.s32 $0x6400;
	s30 =	simm.s32 $0x6C00  }
0x5: {  	s11 =	simm.s32 $0xBC00;
	s12 =	simm.s32 $0xC400;
	s13 =	simm.s32 $0x1  }
0x6: {  	s14 =	simm.s32 $0x3;
	s15 =	simm.s32 $0x2;
	s8 =	smul.u32 $0x50000, s10  }
0x7: {  	s0 =	sand.u32 $0x1, s0;
	s1 =	sshll.u32 s10, $0x1;
	s10 =	smul.u32 $0x280000, s10  }
0x8: {  	s16 =	simm.s32 $0x4;
	s17 =	simm.s32 $0x0;
	s21 =	smul.u32 $0x140000, s0  }
0x9: {  	s1 =	sor.u32 s0, s1;
	s7 =	ssub.s32 $0x2, s0;
	s0 =	smul.u32 $0x28000, s0  }
0xa: {  	[smem:$0x7FF] =	sst s2;
	s3 =	sadd.s32 $0x6E400, s4;
	s5 =	smul.u32 $0x280, s1  }
0xb: {  	_ =	strace $0x80000050;
	s6 =	smul.u32 $0x140000, s1;
	s9 =	sshrl.u32 s7, $0x1  }
0xc: {  	[dreg:$0x8] =	wrdreg s17;
	s1 =	smul.u32 $0x28000, s1;
	s7 =	ssub.s32 s7, s9  }
0xd: {  	s24 =	sadd.s32 s21, s10;
	s21 =	simm.s32 $0x9400;
	s10 =	simm.s32 $0xB400  }
0xe: {  	s9 =	simm.s32 $0xCC00;
	s5 =	sadd.s32 s5, s4;
	s4 =	sadd.s32 $0xBC800, s4  }
0xf: {  	s22 =	smax.u32 s7, $0x1;
	s6 =	sshrl.u32 s6, $0x3;
	s25 =	sor.u32 $0x10000, s24  }
0x10: {  	s24 =	simm.s32 $0x4C00;
	s7 =	simm.s32 $0xA400;
	s5 =	sadd.s32 $0x16200, s5  }
0x11: {  	[dreg:$0x5] =	wrdreg s22;
	s1 =	sadd.s32 s1, s4;
	s23 =	sadd.s32 s8, s4  }
0x12: {  	s6 =	sadd.s32 s4, s6;
	s22 =	simm.s32 $0x3C00;
	[dreg:$0x4] =	wrdreg s5  }
0x13: {  	s8 =	simm.s32 $0xAC00;
	s0 =	sadd.s32 s0, s23;
	[dreg:$0x6] =	wrdreg s6  }
0x14: {  	s5 =	sshrl.u32 s25, $0x3;
	s1 =	sadd.s32 $0x27000, s1;
	s25 =	simm.s32 $0x3400  }
0x15: {  	s23 =	simm.s32 $0x4400;
	s6 =	simm.s32 $0x9C00;
	s0 =	sadd.s32 $0x1000, s0  }
0x16: {  	v2 =	vlaneseq.u32;
	[dreg:$0x7] =	wrdreg s1;
	s26 =	sadd.s32 s5, s4;
	s1 =	simm.s32 $0x7400  }
0x17: {  	vm0 =	vmmov $0xffff;
	v1 =	vshrl.u32 v2, $0x3;
	s4 =	simm.s32 $0x8400;
	s5 =	simm.s32 $0x8C00;
	[dreg:$0x2] =	wrdreg s0  }
0x18: {  	v0 =	vand.u32 $0x7, v2;
	v2 =	vor.u32 $0x8, v2;
	v1 =	vmul.u32 $0x8, v1;
	[dreg:$0x3] =	wrdreg s26;
	s26 =	simm.s32 $0x5400;
	s0 =	simm.s32 $0x7C00  }
.LBB2_1:
0x19: {  	s17 =	rddreg [dreg:$0x4]  }
0x1a: {  	[tilespmem:s2], [sflag:$0x5] =	stream.linear.gather [hbm4b:s17+s2], $0x1400, $0x38;
	[tilespmem:$0x11400] =	vst v63  }
0x1b: {  	s17 =	simm.s32 $0x5  }
0x1c: {  	_ =	swait.ge [sflag:s17], $0x1400  }
0x1d: {  	[sflag:s17] =	ssyncset.done $0x0  }
0x1e: {  	[sflag:s17] =	ssyncadd.s32 $0xFFFFEC00  }
0x1f: {  	v3 =	vld [tilespmem:$0x0];
	_ =	sdelay $0x4  }
0x20: {  	v4 =	vshll.u32 v3, $0x1  }
0x21: {  	v3 =	vand.u32 $0x7, v3;
	v4 =	vand.u32 $0xFFFFFFF0, v4  }
0x22: {  	v3 =	vor.u32 v3, v4  }
0x23: {  	v4 =	vperm.xlane v3, v0;
	_ =	sdelay $0x1  }
0x24: {  	v3 =	vperm.xlane v3, v2;
	v4 =	vadd.s32 v1, v4;
	_ =	sdelay $0x1  }
0x25: {  	v3 =	vadd.s32 v1, v3;
	_ =	sdelay $0x2  }
0x26: {  	[tilespmem:s31], [sflag:$0x1] =	stream.indirect_vreg.gather [hbm4b:s3+s2], $0x80, v4, vm0, $0xb8;
	[tilespmem:$0x11400] =	vst v63  }
0x27: {  	_ = 	snop  }
0x28: {  	[tilespmem:s19], [sflag:$0x1] =	stream.indirect_vreg.gather [hbm4b:s3+s2], $0x80, v3, vm0, $0xb8;
	[tilespmem:$0x11400] =	vst v63  }
0x29: {  	v3 =	vld [tilespmem:$0x10];
	_ =	sdelay $0x4  }
0x2a: {  	v49 =	vshll.u32 v3, $0x1  }
0x2b: {  	v3 =	vand.u32 $0x7, v3;
	v4 =	vand.u32 $0xFFFFFFF0, v49  }
0x2c: {  	v3 =	vor.u32 v3, v4  }
0x2d: {  	v4 =	vperm.xlane v3, v0;
	_ =	sdelay $0x1  }
0x2e: {  	v3 =	vperm.xlane v3, v2;
	v4 =	vadd.s32 v1, v4;
	_ =	sdelay $0x1  }
0x2f: {  	v3 =	vadd.s32 v1, v3;
	_ =	sdelay $0x2  }
0x30: {  	[tilespmem:s18], [sflag:$0x1] =	stream.indirect_vreg.gather [hbm4b:s3+s2], $0x80, v4, vm0, $0xb8;
	[tilespmem:$0x11400] =	vst v63  }
0x31: {  	_ = 	snop  }
0x32: {  	[tilespmem:s20], [sflag:$0x1] =	stream.indirect_vreg.gather [hbm4b:s3+s2], $0x80, v3, vm0, $0xb8;
	[tilespmem:$0x11400] =	vst v63  }
0x33: {  	v3 =	vld [tilespmem:$0x20];
	_ =	sdelay $0x4  }
0x34: {  	v50 =	vshll.u32 v3, $0x1  }
0x35: {  	v3 =	vand.u32 $0x7, v3;
	v4 =	vand.u32 $0xFFFFFFF0, v50  }
0x36: {  	v3 =	vor.u32 v3, v4  }
0x37: {  	v4 =	vperm.xlane v3, v0;
	_ =	sdelay $0x1  }
0x38: {  	v3 =	vperm.xlane v3, v2;
	v4 =	vadd.s32 v1, v4;
	_ =	sdelay $0x1  }
0x39: {  	v3 =	vadd.s32 v1, v3;
	_ =	sdelay $0x2  }
0x3a: {  	[tilespmem:s25], [sflag:$0x1] =	stream.indirect_vreg.gather [hbm4b:s3+s2], $0x80, v4, vm0, $0xb8;
	[tilespmem:$0x11400] =	vst v63  }
0x3b: {  	_ = 	snop  }
0x3c: {  	[tilespmem:s22], [sflag:$0x1] =	stream.indirect_vreg.gather [hbm4b:s3+s2], $0x80, v3, vm0, $0xb8;
	[tilespmem:$0x11400] =	vst v63  }
0x3d: {  	v3 =	vld [tilespmem:$0x30];
	_ =	sdelay $0x4  }
0x3e: {  	v51 =	vshll.u32 v3, $0x1  }
0x3f: {  	v3 =	vand.u32 $0x7, v3;
	v4 =	vand.u32 $0xFFFFFFF0, v51  }
0x40: {  	v3 =	vor.u32 v3, v4  }
0x41: {  	v4 =	vperm.xlane v3, v0;
	_ =	sdelay $0x1  }
0x42: {  	v3 =	vperm.xlane v3, v2;
	v4 =	vadd.s32 v1, v4;
	_ =	sdelay $0x1  }
0x43: {  	v3 =	vadd.s32 v1, v3;
	_ =	sdelay $0x2  }
0x44: {  	[tilespmem:s23], [sflag:$0x1] =	stream.indirect_vreg.gather [hbm4b:s3+s2], $0x80, v4, vm0, $0xb8;
	[tilespmem:$0x11400] =	vst v63  }
0x45: {  	_ = 	snop  }
0x46: {  	[tilespmem:s24], [sflag:$0x1] =	stream.indirect_vreg.gather [hbm4b:s3+s2], $0x80, v3, vm0, $0xb8;
	[tilespmem:$0x11400] =	vst v63  }
0x47: {  	v3 =	vld [tilespmem:$0x40];
	_ =	sdelay $0x4  }
0x48: {  	v52 =	vshll.u32 v3, $0x1  }
0x49: {  	v3 =	vand.u32 $0x7, v3;
	v4 =	vand.u32 $0xFFFFFFF0, v52  }
0x4a: {  	v3 =	vor.u32 v3, v4  }
0x4b: {  	v4 =	vperm.xlane v3, v0;
	_ =	sdelay $0x1  }
0x4c: {  	v3 =	vperm.xlane v3, v2;
	v4 =	vadd.s32 v1, v4;
	_ =	sdelay $0x1  }
0x4d: {  	v3 =	vadd.s32 v1, v3;
	_ =	sdelay $0x2  }
0x4e: {  	[tilespmem:s26], [sflag:$0x1] =	stream.indirect_vreg.gather [hbm4b:s3+s2], $0x80, v4, vm0, $0xb8;
	[tilespmem:$0x11400] =	vst v63  }
0x4f: {  	_ = 	snop  }
0x50: {  	[tilespmem:s28], [sflag:$0x1] =	stream.indirect_vreg.gather [hbm4b:s3+s2], $0x80, v3, vm0, $0xb8;
	[tilespmem:$0x11400] =	vst v63  }
0x51: {  	v3 =	vld [tilespmem:$0x50];
	_ =	sdelay $0x4  }
0x52: {  	v53 =	vshll.u32 v3, $0x1  }
0x53: {  	v3 =	vand.u32 $0x7, v3;
	v4 =	vand.u32 $0xFFFFFFF0, v53  }
0x54: {  	v3 =	vor.u32 v3, v4  }
0x55: {  	v4 =	vperm.xlane v3, v0;
	_ =	sdelay $0x1  }
0x56: {  	v3 =	vperm.xlane v3, v2;
	v4 =	vadd.s32 v1, v4;
	_ =	sdelay $0x1  }
0x57: {  	v3 =	vadd.s32 v1, v3;
	_ =	sdelay $0x2  }
0x58: {  	[tilespmem:s29], [sflag:$0x1] =	stream.indirect_vreg.gather [hbm4b:s3+s2], $0x80, v4, vm0, $0xb8;
	[tilespmem:$0x11400] =	vst v63  }
0x59: {  	_ = 	snop  }
0x5a: {  	[tilespmem:s30], [sflag:$0x1] =	stream.indirect_vreg.gather [hbm4b:s3+s2], $0x80, v3, vm0, $0xb8;
	[tilespmem:$0x11400] =	vst v63  }
0x5b: {  	v3 =	vld [tilespmem:$0x60];
	_ =	sdelay $0x4  }
0x5c: {  	v54 =	vshll.u32 v3, $0x1  }
0x5d: {  	v3 =	vand.u32 $0x7, v3;
	v4 =	vand.u32 $0xFFFFFFF0, v54  }
0x5e: {  	v3 =	vor.u32 v3, v4  }
0x5f: {  	v4 =	vperm.xlane v3, v0;
	_ =	sdelay $0x1  }
0x60: {  	v3 =	vperm.xlane v3, v2;
	v4 =	vadd.s32 v1, v4;
	_ =	sdelay $0x1  }
0x61: {  	v3 =	vadd.s32 v1, v3;
	_ =	sdelay $0x2  }
0x62: {  	[tilespmem:s1], [sflag:$0x1] =	stream.indirect_vreg.gather [hbm4b:s3+s2], $0x80, v4, vm0, $0xb8;
	[tilespmem:$0x11400] =	vst v63  }
0x63: {  	_ = 	snop  }
0x64: {  	[tilespmem:s0], [sflag:$0x1] =	stream.indirect_vreg.gather [hbm4b:s3+s2], $0x80, v3, vm0, $0xb8;
	[tilespmem:$0x11400] =	vst v63  }
0x65: {  	v3 =	vld [tilespmem:$0x70];
	_ =	sdelay $0x4  }
0x66: {  	v55 =	vshll.u32 v3, $0x1  }
0x67: {  	v3 =	vand.u32 $0x7, v3;
	v4 =	vand.u32 $0xFFFFFFF0, v55  }
0x68: {  	v3 =	vor.u32 v3, v4  }
0x69: {  	v4 =	vperm.xlane v3, v0;
	_ =	sdelay $0x1  }
0x6a: {  	v3 =	vperm.xlane v3, v2;
	v4 =	vadd.s32 v1, v4;
	_ =	sdelay $0x1  }
0x6b: {  	v3 =	vadd.s32 v1, v3;
	_ =	sdelay $0x2  }
0x6c: {  	[tilespmem:s4], [sflag:$0x1] =	stream.indirect_vreg.gather [hbm4b:s3+s2], $0x80, v4, vm0, $0xb8;
	[tilespmem:$0x11400] =	vst v63  }
0x6d: {  	_ = 	snop  }
0x6e: {  	[tilespmem:s5], [sflag:$0x1] =	stream.indirect_vreg.gather [hbm4b:s3+s2], $0x80, v3, vm0, $0xb8;
	[tilespmem:$0x11400] =	vst v63  }
0x6f: {  	v3 =	vld [tilespmem:$0x80];
	_ =	sdelay $0x4  }
0x70: {  	v56 =	vshll.u32 v3, $0x1  }
0x71: {  	v3 =	vand.u32 $0x7, v3;
	v4 =	vand.u32 $0xFFFFFFF0, v56  }
0x72: {  	v3 =	vor.u32 v3, v4  }
0x73: {  	v4 =	vperm.xlane v3, v0;
	_ =	sdelay $0x1  }
0x74: {  	v3 =	vperm.xlane v3, v2;
	v4 =	vadd.s32 v1, v4;
	_ =	sdelay $0x1  }
0x75: {  	v3 =	vadd.s32 v1, v3;
	_ =	sdelay $0x2  }
0x76: {  	[tilespmem:s21], [sflag:$0x2] =	stream.indirect_vreg.gather [hbm4b:s3+s2], $0x80, v4, vm0, $0xb8;
	[tilespmem:$0x11400] =	vst v63  }
0x77: {  	_ = 	snop  }
0x78: {  	[tilespmem:s6], [sflag:$0x2] =	stream.indirect_vreg.gather [hbm4b:s3+s2], $0x80, v3, vm0, $0xb8;
	[tilespmem:$0x11400] =	vst v63  }
0x79: {  	v3 =	vld [tilespmem:$0x90];
	_ =	sdelay $0x4  }
0x7a: {  	v57 =	vshll.u32 v3, $0x1  }
0x7b: {  	v3 =	vand.u32 $0x7, v3;
	v4 =	vand.u32 $0xFFFFFFF0, v57  }
0x7c: {  	v3 =	vor.u32 v3, v4  }
0x7d: {  	v4 =	vperm.xlane v3, v0;
	_ =	sdelay $0x1  }
0x7e: {  	v3 =	vperm.xlane v3, v2;
	v4 =	vadd.s32 v1, v4;
	_ =	sdelay $0x1  }
0x7f: {  	v3 =	vadd.s32 v1, v3;
	_ =	sdelay $0x2  }
0x80: {  	[tilespmem:s7], [sflag:$0x2] =	stream.indirect_vreg.gather [hbm4b:s3+s2], $0x80, v4, vm0, $0xb8;
	[tilespmem:$0x11400] =	vst v63  }
0x81: {  	_ = 	snop  }
0x82: {  	[tilespmem:s8], [sflag:$0x2] =	stream.indirect_vreg.gather [hbm4b:s3+s2], $0x80, v3, vm0, $0xb8;
	[tilespmem:$0x11400] =	vst v63  }
0x83: {  	v3 =	vld [tilespmem:$0xA0];
	_ =	sdelay $0x4  }
0x84: {  	v58 =	vshll.u32 v3, $0x1  }
0x85: {  	v3 =	vand.u32 $0x7, v3;
	v4 =	vand.u32 $0xFFFFFFF0, v58  }
0x86: {  	v3 =	vor.u32 v3, v4  }
0x87: {  	v4 =	vperm.xlane v3, v0;
	_ =	sdelay $0x1  }
0x88: {  	v3 =	vperm.xlane v3, v2;
	v4 =	vadd.s32 v1, v4;
	_ =	sdelay $0x1  }
0x89: {  	v3 =	vadd.s32 v1, v3;
	_ =	sdelay $0x2  }
0x8a: {  	[tilespmem:s10], [sflag:$0x2] =	stream.indirect_vreg.gather [hbm4b:s3+s2], $0x80, v4, vm0, $0xb8;
	[tilespmem:$0x11400] =	vst v63  }
0x8b: {  	_ = 	snop  }
0x8c: {  	[tilespmem:s11], [sflag:$0x2] =	stream.indirect_vreg.gather [hbm4b:s3+s2], $0x80, v3, vm0, $0xb8;
	[tilespmem:$0x11400] =	vst v63  }
0x8d: {  	v3 =	vld [tilespmem:$0xB0];
	_ =	sdelay $0x4  }
0x8e: {  	v59 =	vshll.u32 v3, $0x1  }
0x8f: {  	v3 =	vand.u32 $0x7, v3;
	v4 =	vand.u32 $0xFFFFFFF0, v59  }
0x90: {  	v3 =	vor.u32 v3, v4  }
0x91: {  	v4 =	vperm.xlane v3, v0;
	_ =	sdelay $0x1  }
0x92: {  	v3 =	vperm.xlane v3, v2;
	v4 =	vadd.s32 v1, v4;
	_ =	sdelay $0x1  }
0x93: {  	v3 =	vadd.s32 v1, v3;
	_ =	sdelay $0x2  }
0x94: {  	[tilespmem:s12], [sflag:$0x2] =	stream.indirect_vreg.gather [hbm4b:s3+s2], $0x80, v4, vm0, $0xb8;
	[tilespmem:$0x11400] =	vst v63  }
0x95: {  	_ = 	snop  }
0x96: {  	[tilespmem:s9], [sflag:$0x2] =	stream.indirect_vreg.gather [hbm4b:s3+s2], $0x80, v3, vm0, $0xb8;
	[tilespmem:$0x11400] =	vst v63  }
0x97: {  	v3 =	vld [tilespmem:$0xC0];
	_ =	sdelay $0x4  }
0x98: {  	v60 =	vshll.u32 v3, $0x1  }
0x99: {  	v3 =	vand.u32 $0x7, v3;
	v4 =	vand.u32 $0xFFFFFFF0, v60  }
0x9a: {  	v3 =	vor.u32 v3, v4  }
0x9b: {  	v4 =	vperm.xlane v3, v0;
	_ =	sdelay $0x1  }
0x9c: {  	v3 =	vperm.xlane v3, v2;
	v4 =	vadd.s32 v1, v4;
	_ =	sdelay $0x1  }
0x9d: {  	v3 =	vadd.s32 v1, v3;
	_ =	sdelay $0x1  }
0x9e: {  	s18 =	simm.s32 $0xD400  }
0x9f: {  	[tilespmem:s18], [sflag:$0x2] =	stream.indirect_vreg.gather [hbm4b:s3+s2], $0x80, v4, vm0, $0xb8;
	[tilespmem:$0x11400] =	vst v63  }
0xa0: {  	s20 =	simm.s32 $0xDC00  }
0xa1: {  	[tilespmem:s20], [sflag:$0x2] =	stream.indirect_vreg.gather [hbm4b:s3+s2], $0x80, v3, vm0, $0xb8;
	[tilespmem:$0x11400] =	vst v63  }
0xa2: {  	v3 =	vld [tilespmem:$0xD0];
	_ =	sdelay $0x4  }
0xa3: {  	v61 =	vshll.u32 v3, $0x1  }
0xa4: {  	v3 =	vand.u32 $0x7, v3;
	v4 =	vand.u32 $0xFFFFFFF0, v61  }
0xa5: {  	v3 =	vor.u32 v3, v4  }
0xa6: {  	v4 =	vperm.xlane v3, v0;
	_ =	sdelay $0x1  }
0xa7: {  	v3 =	vperm.xlane v3, v2;
	v4 =	vadd.s32 v1, v4;
	_ =	sdelay $0x1  }
0xa8: {  	v3 =	vadd.s32 v1, v3;
	_ =	sdelay $0x1  }
0xa9: {  	s21 =	simm.s32 $0xE400  }
0xaa: {  	[tilespmem:s21], [sflag:$0x2] =	stream.indirect_vreg.gather [hbm4b:s3+s2], $0x80, v4, vm0, $0xb8;
	[tilespmem:$0x11400] =	vst v63  }
0xab: {  	s22 =	simm.s32 $0xEC00  }
0xac: {  	[tilespmem:s22], [sflag:$0x2] =	stream.indirect_vreg.gather [hbm4b:s3+s2], $0x80, v3, vm0, $0xb8;
	[tilespmem:$0x11400] =	vst v63  }
0xad: {  	v3 =	vld [tilespmem:$0xE0];
	_ =	sdelay $0x4  }
0xae: {  	v62 =	vshll.u32 v3, $0x1  }
0xaf: {  	v3 =	vand.u32 $0x7, v3;
	v4 =	vand.u32 $0xFFFFFFF0, v62  }
0xb0: {  	v3 =	vor.u32 v3, v4  }
0xb1: {  	v4 =	vperm.xlane v3, v0;
	_ =	sdelay $0x1  }
0xb2: {  	v3 =	vperm.xlane v3, v2;
	v4 =	vadd.s32 v1, v4;
	_ =	sdelay $0x1  }
0xb3: {  	v3 =	vadd.s32 v1, v3;
	_ =	sdelay $0x1  }
0xb4: {  	s23 =	simm.s32 $0xF400  }
0xb5: {  	[tilespmem:s23], [sflag:$0x2] =	stream.indirect_vreg.gather [hbm4b:s3+s2], $0x80, v4, vm0, $0xb8;
	[tilespmem:$0x11400] =	vst v63  }
0xb6: {  	s24 =	simm.s32 $0xFC00  }
0xb7: {  	[tilespmem:s24], [sflag:$0x2] =	stream.indirect_vreg.gather [hbm4b:s3+s2], $0x80, v3, vm0, $0xb8;
	[tilespmem:$0x11400] =	vst v63  }
0xb8: {  	v3 =	vld [tilespmem:$0xF0];
	_ =	sdelay $0x4  }
0xb9: {  	v63 =	vshll.u32 v3, $0x1  }
0xba: {  	v3 =	vand.u32 $0x7, v3;
	v4 =	vand.u32 $0xFFFFFFF0, v63  }
0xbb: {  	v3 =	vor.u32 v3, v4  }
0xbc: {  	v4 =	vperm.xlane v3, v0;
	_ =	sdelay $0x1  }
0xbd: {  	v3 =	vperm.xlane v3, v2;
	v4 =	vadd.s32 v1, v4  }
0xbe: {  	s17 =	simm.s32 $0x1F0;
	s26 =	simm.s32 $0x10400  }
0xbf: {  	s28 =	simm.s32 $0x5400;
	s29 =	simm.s32 $0x10C00;
	s30 =	simm.s32 $0x6400;
	v3 =	vadd.s32 v1, v3  }
0xc0: {  	s1 =	simm.s32 $0x7400;
	s0 =	simm.s32 $0x7C00;
	s4 =	simm.s32 $0x8400  }
0xc1: {  	s5 =	simm.s32 $0x8C00;
	s6 =	simm.s32 $0x9C00;
	s7 =	simm.s32 $0xA400  }
0xc2: {  	[tilespmem:s26], [sflag:$0x2] =	stream.indirect_vreg.gather [hbm4b:s3+s2], $0x80, v4, vm0, $0xb8;
	[tilespmem:$0x11400] =	vst v63  }
0xc3: {  	s8 =	simm.s32 $0xAC00;
	s10 =	simm.s32 $0xB400;
	s11 =	simm.s32 $0xBC00  }
0xc4: {  	[tilespmem:s29], [sflag:$0x2] =	stream.indirect_vreg.gather [hbm4b:s3+s2], $0x80, v3, vm0, $0xb8;
	[tilespmem:$0x11400] =	vst v63  }
0xc5: {  	s12 =	simm.s32 $0xC400;
	s9 =	simm.s32 $0xCC00;
	_ =	swait.ge [sflag:s13], $0x8000  }
0xc6: {  	s18 =	simm.s32 $0x0;
	s20 =	simm.s32 $0x2400;
	[sflag:s13] =	ssyncset.done $0x0  }
0xc7: {  	s22 =	simm.s32 $0x3400;
	s25 =	rddreg [dreg:$0x6];
	[sflag:s13] =	ssyncadd.s32 $0xFFFF8000  }
0xc8: {  	[hbm4b:s25+s2] =	stream.linear.scatter [tilespmem:s31], [sflag:$0x3], $0x8000, $0x38;
	[tilespmem:$0x11400] =	vst v63  }
0xc9: {  	s24 =	simm.s32 $0x4400;
	s25 =	simm.s32 $0x1400;
	s31 =	simm.s32 $0x6C00  }
.LBB2_2:
0xca: {  	_ =	swait.ge [sflag:s14], $0x8000  }
0xcb: {  	[sflag:s14] =	ssyncset.done $0x0  }
0xcc: {  	[sflag:s14] =	ssyncadd.s32 $0xFFFF8000  }
0xcd: {  	v3 =	vld [tilespmem:s17+$0xFFFFFF10];
	_ =	sdelay $0x4  }
0xce: {  	v4 =	vshll.u32 v3, $0x1  }
0xcf: {  	v3 =	vand.u32 $0x7, v3;
	v4 =	vand.u32 $0xFFFFFFF0, v4  }
0xd0: {  	v3 =	vor.u32 v3, v4  }
0xd1: {  	v4 =	vperm.xlane v3, v0;
	_ =	sdelay $0x1  }
0xd2: {  	v3 =	vperm.xlane v3, v2;
	v4 =	vadd.s32 v1, v4;
	_ =	sdelay $0x1  }
0xd3: {  	v3 =	vadd.s32 v1, v3;
	_ =	sdelay $0x2  }
0xd4: {  	[tilespmem:s25], [sflag:$0x1] =	stream.indirect_vreg.gather [hbm4b:s3+s2], $0x80, v4, vm0, $0xb8;
	[tilespmem:$0x11400] =	vst v63  }
0xd5: {  	_ = 	snop  }
0xd6: {  	[tilespmem:s19], [sflag:$0x1] =	stream.indirect_vreg.gather [hbm4b:s3+s2], $0x80, v3, vm0, $0xb8;
	[tilespmem:$0x11400] =	vst v63  }
0xd7: {  	v3 =	vld [tilespmem:s17+$0xFFFFFF20];
	_ =	sdelay $0x4  }
0xd8: {  	v49 =	vshll.u32 v3, $0x1  }
0xd9: {  	v3 =	vand.u32 $0x7, v3;
	v4 =	vand.u32 $0xFFFFFFF0, v49  }
0xda: {  	v3 =	vor.u32 v3, v4  }
0xdb: {  	v4 =	vperm.xlane v3, v0;
	_ =	sdelay $0x1  }
0xdc: {  	v3 =	vperm.xlane v3, v2;
	v4 =	vadd.s32 v1, v4;
	_ =	sdelay $0x1  }
0xdd: {  	v3 =	vadd.s32 v1, v3;
	_ =	sdelay $0x2  }
0xde: {  	[tilespmem:s20], [sflag:$0x1] =	stream.indirect_vreg.gather [hbm4b:s3+s2], $0x80, v4, vm0, $0xb8;
	[tilespmem:$0x11400] =	vst v63  }
0xdf: {  	s21 =	simm.s32 $0x2C00  }
0xe0: {  	[tilespmem:s21], [sflag:$0x1] =	stream.indirect_vreg.gather [hbm4b:s3+s2], $0x80, v3, vm0, $0xb8;
	[tilespmem:$0x11400] =	vst v63  }
0xe1: {  	v3 =	vld [tilespmem:s17+$0xFFFFFF30];
	_ =	sdelay $0x4  }
0xe2: {  	v50 =	vshll.u32 v3, $0x1  }
0xe3: {  	v3 =	vand.u32 $0x7, v3;
	v4 =	vand.u32 $0xFFFFFFF0, v50  }
0xe4: {  	v3 =	vor.u32 v3, v4  }
0xe5: {  	v4 =	vperm.xlane v3, v0;
	_ =	sdelay $0x1  }
0xe6: {  	v3 =	vperm.xlane v3, v2;
	v4 =	vadd.s32 v1, v4;
	_ =	sdelay $0x1  }
0xe7: {  	v3 =	vadd.s32 v1, v3;
	_ =	sdelay $0x2  }
0xe8: {  	[tilespmem:s22], [sflag:$0x1] =	stream.indirect_vreg.gather [hbm4b:s3+s2], $0x80, v4, vm0, $0xb8;
	[tilespmem:$0x11400] =	vst v63  }
0xe9: {  	s23 =	simm.s32 $0x3C00  }
0xea: {  	[tilespmem:s23], [sflag:$0x1] =	stream.indirect_vreg.gather [hbm4b:s3+s2], $0x80, v3, vm0, $0xb8;
	[tilespmem:$0x11400] =	vst v63  }
0xeb: {  	v3 =	vld [tilespmem:s17+$0xFFFFFF40];
	_ =	sdelay $0x4  }
0xec: {  	v51 =	vshll.u32 v3, $0x1  }
0xed: {  	v3 =	vand.u32 $0x7, v3;
	v4 =	vand.u32 $0xFFFFFFF0, v51  }
0xee: {  	v3 =	vor.u32 v3, v4  }
0xef: {  	v4 =	vperm.xlane v3, v0;
	_ =	sdelay $0x1  }
0xf0: {  	v3 =	vperm.xlane v3, v2;
	v4 =	vadd.s32 v1, v4;
	_ =	sdelay $0x1  }
0xf1: {  	v3 =	vadd.s32 v1, v3;
	_ =	sdelay $0x2  }
0xf2: {  	[tilespmem:s24], [sflag:$0x1] =	stream.indirect_vreg.gather [hbm4b:s3+s2], $0x80, v4, vm0, $0xb8;
	[tilespmem:$0x11400] =	vst v63  }
0xf3: {  	s21 =	simm.s32 $0x4C00  }
0xf4: {  	[tilespmem:s21], [sflag:$0x1] =	stream.indirect_vreg.gather [hbm4b:s3+s2], $0x80, v3, vm0, $0xb8;
	[tilespmem:$0x11400] =	vst v63  }
0xf5: {  	v3 =	vld [tilespmem:s17+$0xFFFFFF50];
	_ =	sdelay $0x4  }
0xf6: {  	v52 =	vshll.u32 v3, $0x1  }
0xf7: {  	v3 =	vand.u32 $0x7, v3;
	v4 =	vand.u32 $0xFFFFFFF0, v52  }
0xf8: {  	v3 =	vor.u32 v3, v4  }
0xf9: {  	v4 =	vperm.xlane v3, v0;
	_ =	sdelay $0x1  }
0xfa: {  	v3 =	vperm.xlane v3, v2;
	v4 =	vadd.s32 v1, v4;
	_ =	sdelay $0x1  }
0xfb: {  	v3 =	vadd.s32 v1, v3;
	_ =	sdelay $0x2  }
0xfc: {  	[tilespmem:s28], [sflag:$0x1] =	stream.indirect_vreg.gather [hbm4b:s3+s2], $0x80, v4, vm0, $0xb8;
	[tilespmem:$0x11400] =	vst v63  }
0xfd: {  	s23 =	simm.s32 $0x5C00  }
0xfe: {  	[tilespmem:s23], [sflag:$0x1] =	stream.indirect_vreg.gather [hbm4b:s3+s2], $0x80, v3, vm0, $0xb8;
	[tilespmem:$0x11400] =	vst v63  }
0xff: {  	v3 =	vld [tilespmem:s17+$0xFFFFFF60];
	_ =	sdelay $0x4  }
0x100: {  	v53 =	vshll.u32 v3, $0x1  }
0x101: {  	v3 =	vand.u32 $0x7, v3;
	v4 =	vand.u32 $0xFFFFFFF0, v53  }
0x102: {  	v3 =	vor.u32 v3, v4  }
0x103: {  	v4 =	vperm.xlane v3, v0;
	_ =	sdelay $0x1  }
0x104: {  	v3 =	vperm.xlane v3, v2;
	v4 =	vadd.s32 v1, v4;
	_ =	sdelay $0x1  }
0x105: {  	v3 =	vadd.s32 v1, v3;
	_ =	sdelay $0x2  }
0x106: {  	[tilespmem:s30], [sflag:$0x1] =	stream.indirect_vreg.gather [hbm4b:s3+s2], $0x80, v4, vm0, $0xb8;
	[tilespmem:$0x11400] =	vst v63  }
0x107: {  	_ = 	snop  }
0x108: {  	[tilespmem:s31], [sflag:$0x1] =	stream.indirect_vreg.gather [hbm4b:s3+s2], $0x80, v3, vm0, $0xb8;
	[tilespmem:$0x11400] =	vst v63  }
0x109: {  	v3 =	vld [tilespmem:s17+$0xFFFFFF70];
	_ =	sdelay $0x4  }
0x10a: {  	v54 =	vshll.u32 v3, $0x1  }
0x10b: {  	v3 =	vand.u32 $0x7, v3;
	v4 =	vand.u32 $0xFFFFFFF0, v54  }
0x10c: {  	v3 =	vor.u32 v3, v4  }
0x10d: {  	v4 =	vperm.xlane v3, v0;
	_ =	sdelay $0x1  }
0x10e: {  	v3 =	vperm.xlane v3, v2;
	v4 =	vadd.s32 v1, v4;
	_ =	sdelay $0x1  }
0x10f: {  	v3 =	vadd.s32 v1, v3;
	_ =	sdelay $0x2  }
0x110: {  	[tilespmem:s1], [sflag:$0x1] =	stream.indirect_vreg.gather [hbm4b:s3+s2], $0x80, v4, vm0, $0xb8;
	[tilespmem:$0x11400] =	vst v63  }
0x111: {  	_ = 	snop  }
0x112: {  	[tilespmem:s0], [sflag:$0x1] =	stream.indirect_vreg.gather [hbm4b:s3+s2], $0x80, v3, vm0, $0xb8;
	[tilespmem:$0x11400] =	vst v63  }
0x113: {  	v3 =	vld [tilespmem:s17+$0xFFFFFF80];
	_ =	sdelay $0x4  }
0x114: {  	v55 =	vshll.u32 v3, $0x1  }
0x115: {  	v3 =	vand.u32 $0x7, v3;
	v4 =	vand.u32 $0xFFFFFFF0, v55  }
0x116: {  	v3 =	vor.u32 v3, v4  }
0x117: {  	v4 =	vperm.xlane v3, v0;
	_ =	sdelay $0x1  }
0x118: {  	v3 =	vperm.xlane v3, v2;
	v4 =	vadd.s32 v1, v4;
	_ =	sdelay $0x1  }
0x119: {  	v3 =	vadd.s32 v1, v3;
	_ =	sdelay $0x2  }
0x11a: {  	[tilespmem:s4], [sflag:$0x1] =	stream.indirect_vreg.gather [hbm4b:s3+s2], $0x80, v4, vm0, $0xb8;
	[tilespmem:$0x11400] =	vst v63  }
0x11b: {  	_ = 	snop  }
0x11c: {  	[tilespmem:s5], [sflag:$0x1] =	stream.indirect_vreg.gather [hbm4b:s3+s2], $0x80, v3, vm0, $0xb8;
	[tilespmem:$0x11400] =	vst v63  }
0x11d: {  	_ =	swait.ge [sflag:s15], $0x8000  }
0x11e: {  	s21 =	rddreg [dreg:$0x2];
	[sflag:s15] =	ssyncset.done $0x0  }
0x11f: {  	s23 =	simm.s32 $0x9400;
	[sflag:s15] =	ssyncadd.s32 $0xFFFF8000;
	s19 =	sadd.s32 s18, s21  }
0x120: {  	[hbm4b:s19+s2] =	stream.linear.scatter [tilespmem:s23], [sflag:$0x4], $0x8000, $0x38;
	[tilespmem:$0x11400] =	vst v63  }
0x121: {  	_ =	swait.ge [sflag:s16], $0x8000  }
0x122: {  	[sflag:s16] =	ssyncset.done $0x0  }
0x123: {  	[sflag:s16] =	ssyncadd.s32 $0xFFFF8000  }
0x124: {  	v3 =	vld [tilespmem:s17+$0xFFFFFF90];
	_ =	sdelay $0x4  }
0x125: {  	v56 =	vshll.u32 v3, $0x1  }
0x126: {  	v3 =	vand.u32 $0x7, v3;
	v4 =	vand.u32 $0xFFFFFFF0, v56  }
0x127: {  	v3 =	vor.u32 v3, v4  }
0x128: {  	v4 =	vperm.xlane v3, v0;
	_ =	sdelay $0x1  }
0x129: {  	v3 =	vperm.xlane v3, v2;
	v4 =	vadd.s32 v1, v4;
	_ =	sdelay $0x1  }
0x12a: {  	v3 =	vadd.s32 v1, v3;
	_ =	sdelay $0x2  }
0x12b: {  	[tilespmem:s23], [sflag:$0x2] =	stream.indirect_vreg.gather [hbm4b:s3+s2], $0x80, v4, vm0, $0xb8;
	[tilespmem:$0x11400] =	vst v63  }
0x12c: {  	_ = 	snop  }
0x12d: {  	[tilespmem:s6], [sflag:$0x2] =	stream.indirect_vreg.gather [hbm4b:s3+s2], $0x80, v3, vm0, $0xb8;
	[tilespmem:$0x11400] =	vst v63  }
0x12e: {  	v3 =	vld [tilespmem:s17+$0xFFFFFFA0];
	_ =	sdelay $0x4  }
0x12f: {  	v57 =	vshll.u32 v3, $0x1  }
0x130: {  	v3 =	vand.u32 $0x7, v3;
	v4 =	vand.u32 $0xFFFFFFF0, v57  }
0x131: {  	v3 =	vor.u32 v3, v4  }
0x132: {  	v4 =	vperm.xlane v3, v0;
	_ =	sdelay $0x1  }
0x133: {  	v3 =	vperm.xlane v3, v2;
	v4 =	vadd.s32 v1, v4;
	_ =	sdelay $0x1  }
0x134: {  	v3 =	vadd.s32 v1, v3;
	_ =	sdelay $0x2  }
0x135: {  	[tilespmem:s7], [sflag:$0x2] =	stream.indirect_vreg.gather [hbm4b:s3+s2], $0x80, v4, vm0, $0xb8;
	[tilespmem:$0x11400] =	vst v63  }
0x136: {  	_ = 	snop  }
0x137: {  	[tilespmem:s8], [sflag:$0x2] =	stream.indirect_vreg.gather [hbm4b:s3+s2], $0x80, v3, vm0, $0xb8;
	[tilespmem:$0x11400] =	vst v63  }
0x138: {  	v3 =	vld [tilespmem:s17+$0xFFFFFFB0];
	_ =	sdelay $0x4  }
0x139: {  	v58 =	vshll.u32 v3, $0x1  }
0x13a: {  	v3 =	vand.u32 $0x7, v3;
	v4 =	vand.u32 $0xFFFFFFF0, v58  }
0x13b: {  	v3 =	vor.u32 v3, v4  }
0x13c: {  	v4 =	vperm.xlane v3, v0;
	_ =	sdelay $0x1  }
0x13d: {  	v3 =	vperm.xlane v3, v2;
	v4 =	vadd.s32 v1, v4;
	_ =	sdelay $0x1  }
0x13e: {  	v3 =	vadd.s32 v1, v3;
	_ =	sdelay $0x2  }
0x13f: {  	[tilespmem:s10], [sflag:$0x2] =	stream.indirect_vreg.gather [hbm4b:s3+s2], $0x80, v4, vm0, $0xb8;
	[tilespmem:$0x11400] =	vst v63  }
0x140: {  	_ = 	snop  }
0x141: {  	[tilespmem:s11], [sflag:$0x2] =	stream.indirect_vreg.gather [hbm4b:s3+s2], $0x80, v3, vm0, $0xb8;
	[tilespmem:$0x11400] =	vst v63  }
0x142: {  	v3 =	vld [tilespmem:s17+$0xFFFFFFC0];
	_ =	sdelay $0x4  }
0x143: {  	v59 =	vshll.u32 v3, $0x1  }
0x144: {  	v3 =	vand.u32 $0x7, v3;
	v4 =	vand.u32 $0xFFFFFFF0, v59  }
0x145: {  	v3 =	vor.u32 v3, v4  }
0x146: {  	v4 =	vperm.xlane v3, v0;
	_ =	sdelay $0x1  }
0x147: {  	v3 =	vperm.xlane v3, v2;
	v4 =	vadd.s32 v1, v4;
	_ =	sdelay $0x1  }
0x148: {  	v3 =	vadd.s32 v1, v3;
	_ =	sdelay $0x2  }
0x149: {  	[tilespmem:s12], [sflag:$0x2] =	stream.indirect_vreg.gather [hbm4b:s3+s2], $0x80, v4, vm0, $0xb8;
	[tilespmem:$0x11400] =	vst v63  }
0x14a: {  	_ = 	snop  }
0x14b: {  	[tilespmem:s9], [sflag:$0x2] =	stream.indirect_vreg.gather [hbm4b:s3+s2], $0x80, v3, vm0, $0xb8;
	[tilespmem:$0x11400] =	vst v63  }
0x14c: {  	v3 =	vld [tilespmem:s17+$0xFFFFFFD0];
	_ =	sdelay $0x4  }
0x14d: {  	v60 =	vshll.u32 v3, $0x1  }
0x14e: {  	v3 =	vand.u32 $0x7, v3;
	v4 =	vand.u32 $0xFFFFFFF0, v60  }
0x14f: {  	v3 =	vor.u32 v3, v4  }
0x150: {  	v4 =	vperm.xlane v3, v0;
	_ =	sdelay $0x1  }
0x151: {  	v3 =	vperm.xlane v3, v2;
	v4 =	vadd.s32 v1, v4;
	_ =	sdelay $0x1  }
0x152: {  	v3 =	vadd.s32 v1, v3;
	_ =	sdelay $0x1  }
0x153: {  	s23 =	simm.s32 $0xD400  }
0x154: {  	[tilespmem:s23], [sflag:$0x2] =	stream.indirect_vreg.gather [hbm4b:s3+s2], $0x80, v4, vm0, $0xb8;
	[tilespmem:$0x11400] =	vst v63  }
0x155: {  	s23 =	simm.s32 $0xDC00  }
0x156: {  	[tilespmem:s23], [sflag:$0x2] =	stream.indirect_vreg.gather [hbm4b:s3+s2], $0x80, v3, vm0, $0xb8;
	[tilespmem:$0x11400] =	vst v63  }
0x157: {  	v3 =	vld [tilespmem:s17+$0xFFFFFFE0];
	_ =	sdelay $0x4  }
0x158: {  	v61 =	vshll.u32 v3, $0x1  }
0x159: {  	v3 =	vand.u32 $0x7, v3;
	v4 =	vand.u32 $0xFFFFFFF0, v61  }
0x15a: {  	v3 =	vor.u32 v3, v4  }
0x15b: {  	v4 =	vperm.xlane v3, v0;
	_ =	sdelay $0x1  }
0x15c: {  	v3 =	vperm.xlane v3, v2;
	v4 =	vadd.s32 v1, v4;
	_ =	sdelay $0x1  }
0x15d: {  	v3 =	vadd.s32 v1, v3;
	_ =	sdelay $0x1  }
0x15e: {  	s23 =	simm.s32 $0xE400  }
0x15f: {  	[tilespmem:s23], [sflag:$0x2] =	stream.indirect_vreg.gather [hbm4b:s3+s2], $0x80, v4, vm0, $0xb8;
	[tilespmem:$0x11400] =	vst v63  }
0x160: {  	s23 =	simm.s32 $0xEC00  }
0x161: {  	[tilespmem:s23], [sflag:$0x2] =	stream.indirect_vreg.gather [hbm4b:s3+s2], $0x80, v3, vm0, $0xb8;
	[tilespmem:$0x11400] =	vst v63  }
0x162: {  	v3 =	vld [tilespmem:s17+$0xFFFFFFF0];
	_ =	sdelay $0x4  }
0x163: {  	v62 =	vshll.u32 v3, $0x1  }
0x164: {  	v3 =	vand.u32 $0x7, v3;
	v4 =	vand.u32 $0xFFFFFFF0, v62  }
0x165: {  	v3 =	vor.u32 v3, v4  }
0x166: {  	v4 =	vperm.xlane v3, v0;
	_ =	sdelay $0x1  }
0x167: {  	v3 =	vperm.xlane v3, v2;
	v4 =	vadd.s32 v1, v4;
	_ =	sdelay $0x1  }
0x168: {  	v3 =	vadd.s32 v1, v3;
	_ =	sdelay $0x1  }
0x169: {  	s23 =	simm.s32 $0xF400  }
0x16a: {  	[tilespmem:s23], [sflag:$0x2] =	stream.indirect_vreg.gather [hbm4b:s3+s2], $0x80, v4, vm0, $0xb8;
	[tilespmem:$0x11400] =	vst v63  }
0x16b: {  	s23 =	simm.s32 $0xFC00  }
0x16c: {  	[tilespmem:s23], [sflag:$0x2] =	stream.indirect_vreg.gather [hbm4b:s3+s2], $0x80, v3, vm0, $0xb8;
	[tilespmem:$0x11400] =	vst v63  }
0x16d: {  	v3 =	vld [tilespmem:s17+$0x0];
	_ =	sdelay $0x4  }
0x16e: {  	v63 =	vshll.u32 v3, $0x1  }
0x16f: {  	v3 =	vand.u32 $0x7, v3;
	v4 =	vand.u32 $0xFFFFFFF0, v63  }
0x170: {  	v3 =	vor.u32 v3, v4  }
0x171: {  	v4 =	vperm.xlane v3, v0;
	_ =	sdelay $0x1  }
0x172: {  	v3 =	vperm.xlane v3, v2;
	v4 =	vadd.s32 v1, v4;
	_ =	sdelay $0x1  }
0x173: {  	v3 =	vadd.s32 v1, v3;
	_ =	sdelay $0x2  }
0x174: {  	[tilespmem:s26], [sflag:$0x2] =	stream.indirect_vreg.gather [hbm4b:s3+s2], $0x80, v4, vm0, $0xb8;
	[tilespmem:$0x11400] =	vst v63  }
0x175: {  	p0 =	sne.s32 s18, $0x24000  }
0x176: {  	[tilespmem:s29], [sflag:$0x2] =	stream.indirect_vreg.gather [hbm4b:s3+s2], $0x80, v3, vm0, $0xb8;
	[tilespmem:$0x11400] =	vst v63  }
.Ltmp0:
0x177: {  	_ =	swait.ge [sflag:s13], $0x8000;
	(pc) =	sbr.rel @p0 .LBB2_2-.Ltmp0, $4  }
0x178: {  	s23 =	rddreg [dreg:$0x3];
	[sflag:s13] =	ssyncset.done $0x0  }
0x179: {  	s21 =	simm.s32 $0x9400;
	[sflag:s13] =	ssyncadd.s32 $0xFFFF8000;
	s19 =	sadd.s32 s18, s23  }
0x17a: {  	[hbm4b:s19+s2] =	stream.linear.scatter [tilespmem:s25], [sflag:$0x3], $0x8000, $0x38;
	[tilespmem:$0x11400] =	vst v63  }
0x17b: {  	s17 =	sadd.s32 $0x100, s17;
	s18 =	sadd.s32 $0x2000, s18;
	s19 =	simm.s32 $0x1C00  }
0x17c: {  	_ =	swait.ge [sflag:s15], $0x8000  }
0x17d: {  	[sflag:s15] =	ssyncset.done $0x0  }
0x17e: {  	s17 =	rddreg [dreg:$0x7];
	[sflag:s15] =	ssyncadd.s32 $0xFFFF8000  }
0x17f: {  	[hbm4b:s17+s2] =	stream.linear.scatter [tilespmem:s21], [sflag:$0x4], $0x8000, $0x38;
	[tilespmem:$0x11400] =	vst v63  }
0x180: {  	_ =	swait.ge [sflag:s14], $0x8000  }
0x181: {  	s18 =	simm.s32 $0x2400;
	s20 =	simm.s32 $0x2C00;
	[sflag:s14] =	ssyncset.done $0x0  }
0x182: {  	s25 =	simm.s32 $0x3400;
	s22 =	simm.s32 $0x3C00;
	[sflag:s14] =	ssyncadd.s32 $0xFFFF8000  }
0x183: {  	s23 =	simm.s32 $0x4400;
	s24 =	simm.s32 $0x4C00;
	_ =	swait.ge [sflag:s16], $0x8000  }
0x184: {  	s28 =	simm.s32 $0x5C00;
	s29 =	simm.s32 $0x6400;
	s0 =	rddreg [dreg:$0x8]  }
0x185: {  	s30 =	simm.s32 $0x6C00;
	s26 =	rddreg [dreg:$0x5];
	s0 =	sadd.s32 $0x1, s0  }
0x186: {  	s1 =	simm.s32 $0x7400;
	s4 =	simm.s32 $0x8400;
	p0 =	sne.s32 s0, s26  }
.Ltmp1:
0x187: {  	s5 =	simm.s32 $0x8C00;
	s6 =	simm.s32 $0x9C00;
	(pc) =	sbr.rel @p0 .LBB2_1-.Ltmp1, $4  }
0x188: {  	s7 =	simm.s32 $0xA400;
	s8 =	simm.s32 $0xAC00;
	s10 =	simm.s32 $0xB400  }
0x189: {  	s11 =	simm.s32 $0xBC00;
	s12 =	simm.s32 $0xC400;
	[sflag:s16] =	ssyncset.done $0x0  }
0x18a: {  	s9 =	simm.s32 $0xCC00;
	s31 =	simm.s32 $0x1400;
	[sflag:s16] =	ssyncadd.s32 $0xFFFF8000  }
0x18b: {  	[dreg:$0x8] =	wrdreg s0;
	s26 =	simm.s32 $0x5400;
	s0 =	simm.s32 $0x7C00  }
0x18c: {  	_ =	sfence.sel $0x180000  }
0x18d: {  	[bflag:$0x0] =	sbarrier.arrive $0xFFFF  }
0x18e: {  	_ =	strace $0x90000050  }
0x18f: {  	s0 =	stileid.u32;
	[bflag:$0x2] =	sbarrier.arrive $0xFFFF  }
0x190: {  	p0 =	sne.s32 s0, $0x0;
	s0 =	rddreg [dreg:$0x1]  }
0x191: {  	s0 =	sadd.s32 @!p0 $0x100000, s0  }
0x192: {  	[sflag:s0] =	ssyncadd.tile.s32 @!p0 $0x1;
	_ =	shalt  }
.Lfunc_end2:
_tile_overlayer_lowered:
.L_overlay_start_2:
0x193: {  	(tag) =	ssettag $0x2  }
0x194: {  	s0 =	rddreg [dreg:$0x0];
	s2 =	stileid.u32  }
0x195: {  	s1 =	rddreg [dreg:$0x1];
	p0 =	sne.s32 s2, $0x0  }
0x196: {  	s3 =	rddreg [dreg:$0x2];
	[bflag:$0x3] =	sbarrier.arrive $0xFFFF;
	s2 =	simm.s32 @!p0 $0x1C05  }
0x197: {  	[timem:s3], [sflag:s2] =	dma.local @!p0 [hbm:s0], s1  }
0x198: {  	s0 =	simm.s32 @!p0 $0x5  }
0x199: {  	_ =	swait.ge @!p0 [sflag:s0], s1  }
0x19a: {  	s1 =	ssub.s32 @!p0 $0x0, s1;
	[sflag:s0] =	ssyncset.done @!p0 $0x0  }
0x19b: {  	[sflag:s0] =	ssyncadd.s32 @!p0 s1  }
0x19c: {  	[bflag:$0x3] =	sbarrier.arrive $0xFFFF  }
0x19d: {  	_ =	shalt  }

// kernel: kernel.16.cloned.1.call-start
scs
__scs_entry_jumppad:
0x0: {  	(pc) =	sbr.rel $0x88, $3  }
0x1: {  	(tag) =	ssettag $0x0;
	lr =	simm.s32 $0x1  }
0x2: {  	[smem:$0x3F98] =	sst lr;
	_ =	strace $0xD0000000  }
0x3: {  	_ = 	snop  }
0x4: {  	_ = 	snop  }
0x5: {  	_ = 	snop  }
0x6: {  	_ = 	snop  }
0x7: {  	_ = 	snop  }
__scs_overlays_trampoline_lowered:
0x8: {  	[smem:$0x3FA7] =	sst s0  }
0x9: {  	[smem:$0x3FA8] =	sst s1  }
0xa: {  	[smem:$0x3FA9] =	sst s2  }
0xb: {  	[smem:$0x3FAA] =	sst s3  }
0xc: {  	[smem:$0x3FAB] =	sst s4  }
0xd: {  	[smem:$0x3FAC] =	sst s5  }
0xe: {  	[smem:$0x3FAD] =	sst s6  }
0xf: {  	[smem:$0x3FAE] =	sst s7  }
0x10: {  	[smem:$0x3FAF] =	sst s8  }
0x11: {  	[smem:$0x3FB0] =	sst s9;
	s0 =	simm.s32 @!p0 $0x0  }
0x12: {  	s1 =	sld [smem:$0x3F96];
	s0 =	simm.s32 @p0 $0x1  }
0x13: {  	[smem:$0x3FB1] =	sst s0;
	s0 =	simm.s32 @!p1 $0x0  }
0x14: {  	s2 =	sld [smem:$0x3F95];
	s0 =	simm.s32 @p1 $0x1  }
0x15: {  	[smem:$0x3FB2] =	sst s0;
	s0 =	simm.s32 @!p2 $0x0  }
0x16: {  	s3 =	sld [smem:$0x3FDB];
	s0 =	simm.s32 @p2 $0x1  }
0x17: {  	s4 =	simm.s32 $0x1BF5;
	[smem:$0x3FB4] =	sst s0  }
0x18: {  	s0 =	sld [smem:$0x3F97];
	_ =	swait.ge [sflag:s4], $0x0  }
0x19: {  	s7 =	sld [smem:$0x3F98]  }
0x1a: {  	s8 =	sadd.s32 $0xFFFFE003, lr  }
0x1b: {  	s9 =	sadd.s32 $0xFFFFFEF7, lr;
	s5 =	simm.s32 $0xFFFFFFFF;
	p2 =	slt.u32 s8, $0xFFFFF086  }
0x1c: {  	p1 =	slt.u32 s9, $0xF7A;
	s5 =	simm.s32 @!p2 $0x0  }
0x1d: {  	s5 =	simm.s32 @p1 $0x1;
	p0 =	seq.s32 s7, s2  }
0x1e: {  	s7 =	smul.u32 @!p0 $0xF7A, s2;
	p2 =	seq.s32 @!p0 s5, $0x0  }
0x1f: {  	s9 =	smul.u32 $0xF7A, s1;
	s8 =	simm.s32 @!p0 $0x1BF5;
	p2 =	por !p2, p0  }
0x20: {  	[sflag:s8] =	ssyncset.s32 @!p0 $0xFFFFF086;
	s6 =	sadd.s32 @!p0 s3, s7;
	s7 =	simm.s32 @!p0 $0x108  }
0x21: {  	s3 =	sadd.s32 s3, s9;
	s6 =	sadd.s32 @!p0 $0x88, s6;
	s7 =	simm.s32 @p2 $0x1082  }
0x22: {  	[simem:s7], [sflag:s8] =	dma.local @!p0 [hbm:s6], $0xF7A  }
0x23: {  	s9 =	sor.u32 $0xD0000000, s2;
	s6 =	simm.s32 $0x108;
	_ =	swait.ge @!p0 [sflag:s8], $0x0  }
0x24: {  	s3 =	sadd.s32 $0x88, s3;
	s6 =	simm.s32 @!p1 $0x1082;
	[sflag:s4] =	ssyncset.s32 $0xFFFFF086  }
0x25: {  	[simem:s6], [sflag:s4] =	dma.local [hbm:s3], $0xF7A  }
0x26: {  	[smem:$0x3F98] =	sst s1;
	(tag) =	ssettag s2;
	_ =	strace s9  }
0x27: {  	s1 =	sld [smem:$0x3FA8]  }
0x28: {  	s2 =	sld [smem:$0x3FA9]  }
0x29: {  	s4 =	sld [smem:$0x3FAB]  }
0x2a: {  	p0 =	seq.s32 s5, $0x0;
	s5 =	sld [smem:$0x3FAC]  }
0x2b: {  	s6 =	sld [smem:$0x3FAD]  }
0x2c: {  	s7 =	sld [smem:$0x3FAE]  }
0x2d: {  	s3 =	simm.s32 $0x108;
	s8 =	sld [smem:$0x3FAF]  }
0x2e: {  	s3 =	simm.s32 @!p0 $0x1082;
	s9 =	sld [smem:$0x3FB0]  }
0x2f: {  	lr =	sadd.s32 s0, s3;
	s0 =	sld [smem:$0x3FA7]  }
0x30: {  	s3 =	sld [smem:$0x3FAA]  }
0x31: {  	[smem:$0x3FB3] =	sst s10  }
0x32: {  	s10 =	sld [smem:$0x3FB1];
	_ =	sdelay $0x3  }
0x33: {  	p0 =	seq.s32 s10, $0x1;
	s10 =	sld [smem:$0x3FB3];
	_ =	sdelay $0x3  }
0x34: {  	[smem:$0x3FB3] =	sst s10  }
0x35: {  	s10 =	sld [smem:$0x3FB2];
	_ =	sdelay $0x3  }
0x36: {  	p1 =	seq.s32 s10, $0x1;
	s10 =	sld [smem:$0x3FB3];
	_ =	sdelay $0x3  }
0x37: {  	[smem:$0x3FB3] =	sst s10  }
0x38: {  	s10 =	sld [smem:$0x3FB4]  }
0x39: {  	_ = 	snop;
	(pc) =	sbr.ind lr, $3  }
0x3a: {  	_ = 	snop  }
0x3b: {  	_ = 	snop  }
0x3c: {  	p2 =	seq.s32 s10, $0x1;
	s10 =	sld [smem:$0x3FB3]  }
0x3d: {  	_ =	shalt  }
0x3e: {  	_ =	shalt  }
0x3f: {  	_ =	shalt  }
0x40: {  	_ =	shalt  }
0x41: {  	_ =	shalt  }
0x42: {  	_ =	shalt  }
0x43: {  	_ =	shalt  }
0x44: {  	_ =	shalt  }
0x45: {  	_ =	shalt  }
0x46: {  	_ =	shalt  }
0x47: {  	_ =	shalt  }
0x48: {  	_ =	shalt  }
0x49: {  	_ =	shalt  }
0x4a: {  	_ =	shalt  }
0x4b: {  	_ =	shalt  }
0x4c: {  	_ =	shalt  }
0x4d: {  	_ =	shalt  }
0x4e: {  	_ =	shalt  }
0x4f: {  	_ =	shalt  }
0x50: {  	_ =	shalt  }
0x51: {  	_ =	shalt  }
0x52: {  	_ =	shalt  }
0x53: {  	_ =	shalt  }
0x54: {  	_ =	shalt  }
0x55: {  	_ =	shalt  }
0x56: {  	_ =	shalt  }
0x57: {  	_ =	shalt  }
0x58: {  	_ =	shalt  }
0x59: {  	_ =	shalt  }
0x5a: {  	_ =	shalt  }
0x5b: {  	_ =	shalt  }
0x5c: {  	_ =	shalt  }
0x5d: {  	_ =	shalt  }
0x5e: {  	_ =	shalt  }
0x5f: {  	_ =	shalt  }
0x60: {  	_ =	shalt  }
0x61: {  	_ =	shalt  }
0x62: {  	_ =	shalt  }
0x63: {  	_ =	shalt  }
0x64: {  	_ =	shalt  }
0x65: {  	_ =	shalt  }
0x66: {  	_ =	shalt  }
0x67: {  	_ =	shalt  }
0x68: {  	_ =	shalt  }
0x69: {  	_ =	shalt  }
0x6a: {  	_ =	shalt  }
0x6b: {  	_ =	shalt  }
0x6c: {  	_ =	shalt  }
0x6d: {  	_ =	shalt  }
0x6e: {  	_ =	shalt  }
0x6f: {  	_ =	shalt  }
0x70: {  	_ =	shalt  }
0x71: {  	_ =	shalt  }
0x72: {  	_ =	shalt  }
0x73: {  	_ =	shalt  }
0x74: {  	_ =	shalt  }
0x75: {  	_ =	shalt  }
0x76: {  	_ =	shalt  }
0x77: {  	_ =	shalt  }
0x78: {  	_ =	shalt  }
0x79: {  	_ =	shalt  }
0x7a: {  	_ =	shalt  }
0x7b: {  	_ =	shalt  }
0x7c: {  	_ =	shalt  }
0x7d: {  	_ =	shalt  }
0x7e: {  	_ =	shalt  }
0x7f: {  	_ =	shalt  }
0x80: {  	_ =	shalt  }
0x81: {  	_ =	shalt  }
0x82: {  	_ =	shalt  }
0x83: {  	_ =	shalt  }
0x84: {  	_ =	shalt  }
0x85: {  	_ =	shalt  }
0x86: {  	_ =	shalt  }
0x87: {  	_ =	shalt  }
.Lfunc_end0:
.L_simem_size_0:
called_computation.4_lowered:
.L_overlay_start_0:
0x88: {  	s2 =	sld [smem:$0x3FD9]  }
0x89: {  	s3 =	sld [smem:$0x3FFE];
	_ =	sdelay $0x1  }
0x8a: {  	s1 =	srdreg.scid  }
0x8b: {  	s0 =	sand.u32 $0x1, s1  }
0x8c: {  	s17 =	sshll.u32 s0, $0xA;
	s2 =	sadd.s32 s3, s2  }
0x8d: {  	s2 =	sadd.s32 s2, s17  }
0x8e: {  	[smem:$0x3FBF] =	sst s2  }
0x8f: {  	_ = 	snop  }
0x90: {  	s2 =	sld [smem:$0x3FD0];
	(tm) =	ssettm $0x1  }
0x91: {  	s18 =	sld [smem:$0x3FFB];
	_ =	sdelay $0x3  }
0x92: {  	_ =	strace s18  }
0x93: {  	s3 =	sld [smem:$0x3FFC];
	_ =	sdelay $0x3  }
0x94: {  	_ =	strace s3  }
0x95: {  	s3 =	sld [smem:$0x3FFD];
	_ =	sdelay $0x3  }
0x96: {  	_ =	strace s3  }
0x97: {  	_ =	strace $0x8FFFFFFF  }
0x98: {  	s19 =	sld [smem:$0x3FDB];
	_ =	sdelay $0x1  }
0x99: {  	s4 =	simm.s32 $_scs_section_size  }
0x9a: {  	s5 =	simm.s32 $_size__tile_overlayer_lowered;
	s6 =	simm.s32 $_tile_overlayer_lowered  }
0x9b: {  	s22 =	simm.s32 $0x1BFF;
	s21 =	sshll.u32 s6, $0x1;
	s3 =	sadd.s32 s4, s19  }
0x9c: {  	s7 =	simm.s32 $0x0;
	s20 =	sshll.u32 s5, $0x1;
	s5 =	sadd.s32 s21, s3  }
0x9d: {  	[timem:s7], [sflag:s22] =	dma.local [hbm:s5], s20  }
0x9e: {  	_ =	swait.ge [sflag:s22], s20  }
0x9f: {  	s4 =	ssub.s32 $0x0, s20;
	[sflag:s22] =	ssyncset.done $0x0  }
0xa0: {  	[sflag:s22] =	ssyncadd.s32 s4;
	_ =	sdelay $0x1  }
0xa1: {  	s23 =	simm.s32 $0x1B8B  }
0xa2: {  	_ =	swait.ge [sflag:s23], $0x1  }
0xa3: {  	[sflag:s23] =	ssyncset.done $0x0  }
0xa4: {  	s25 =	simm.s32 $0x1B8E;
	s24 =	sld [smem:$0x3FFE];
	[sflag:s23] =	ssyncadd.s32 $0xFFFFFFFF  }
0xa5: {  	s26 =	simm.s32 $execute0_lowered;
	[smem:$0x3FD2] =	sst s25  }
0xa6: {  	s5 =	sshll.u32 s26, $0x1;
	_ =	strace $0x80000052;
	[dreg:$0x1] =	wrdreg $0xFFFFFFFF  }
0xa7: {  	s28 =	simm.s32 $_size_execute0_lowered;
	s3 =	sadd.s32 s3, s5;
	[dreg:$0x0] =	wrdreg $0x0  }
0xa8: {  	s5 =	sshll.u32 s28, $0x1;
	[dreg:$0x2] =	wrdreg s3  }
0xa9: {  	[dreg:$0x3] =	wrdreg s5  }
0xaa: {  	[dreg:$0x4] =	wrdreg $0xC0  }
0xab: {  	_ =	task [dreg:s7], $0x5FFFF  }
0xac: {  	[dreg:$0x1] =	wrdreg $0xFFFFFFFF  }
0xad: {  	[dreg:$0x0] =	wrdreg $0x60  }
0xae: {  	[dreg:$0x2] =	wrdreg s24  }
0xaf: {  	[dreg:$0x3] =	wrdreg s2  }
0xb0: {  	[dreg:$0x4] =	wrdreg $0x9  }
0xb1: {  	_ =	task.clear_ibuf [dreg:s7], $0x5FFFF;
	_ =	strace $0x90000052  }
0xb2: {  	s29 =	simm.s32 $0x9;
	_ =	strace $0x80000054  }
0xb3: {  	_ =	swait.ge [sflag:s29], $0x1  }
0xb4: {  	[sflag:s29] =	ssyncadd.s32 $0xFFFFFFFF  }
0xb5: {  	_ =	strace $0x90000054  }
0xb6: {  	_ =	sfence  }
0xb7: {  	s30 =	sld [smem:$0x0];
	_ =	sdelay $0x2  }
0xb8: {  	s31 =	sshll.u32 s1, $0xD;
	s1 =	sshrl.u32 s1, $0x2  }
0xb9: {  	s3 =	sand.u32 $0x4000, s31;
	s1 =	sadd.s32 s1, s30  }
0xba: {  	s0 =	sor.u32 s3, s0;
	s1 =	sshll.u32 s1, $0x11  }
0xbb: {  	s0 =	sor.u32 s1, s0  }
0xbc: {  	s0 =	sadd.s32 $0x8F2B, s0  }
0xbd: {  	[sflag:s0] =	ssyncadd.remote.s32 $0x1  }
0xbe: {  	_ =	sfence.sel $0xFFFF  }
0xbf: {  	[dreg:$0x0] =	wrdreg $0xFFFFFFFF;
	(pc) =	sbr.abs _section_cstart, $3  }
0xc0: {  	[dreg:$0x1] =	wrdreg $0xFFFFFFFF  }
0xc1: {  	_ =	task.clear_ibuf [dreg:s7], $0x2FFFF;
	_ =	strace $0x9FFFFFFF  }
0xc2: {  	(tm) =	ssettm $0x7FFFFFFF  }
0xc3: {  	_ =	shalt  }
tec
execute0_lowered:
.L_overlay_start_1:
0x0: {  	(tag) =	ssettag $0x1  }
0x1: {  	s4 =	rddreg [dreg:$0x0];
	s1 =	srdreg.scid  }
0x2: {  	s0 =	stileid.u32;
	s7 =	rddreg [dreg:$0x1]  }
0x3: {  	s2 =	simm.s32 $0x0;
	s10 =	simm.s32 $0x2780;
	s11 =	simm.s32 $0x4F00  }
0x4: {  	s12 =	simm.s32 $0x6300;
	s3 =	sand.u32 $0x1, s1;
	s5 =	sshll.u32 s0, $0x1  }
0x5: {  	s13 =	simm.s32 $0x7700;
	s14 =	simm.s32 $0x0;
	s5 =	sor.u32 s3, s5  }
0x6: {  	[smem:$0x7FF] =	sst s2;
	s31 =	ssub.s32 $0x2, s3;
	s8 =	smul.u32 $0x280, s5  }
0x7: {  	s1 =	rddreg [dreg:$0x2];
	_ =	strace $0x80000053;
	s9 =	sshrl.u32 s31, $0x1  }
0x8: {  	s3 =	sadd.s32 $0x8200, s4;
	s9 =	ssub.s32 s31, s9;
	s6 =	sadd.s32 s8, s4  }
0x9: {  	s4 =	sadd.s32 $0x7C00, s4;
	s7 =	sadd.s32 s7, s8;
	s8 =	smax.u32 s9, $0x1  }
0xa: {  	s9 =	simm.s32 $0x1;
	s5 =	sadd.s32 $0x16200, s6;
	s6 =	sadd.s32 $0x2200, s6  }
.LBB2_1:
0xb: {  	[tilespmem:s2], [sflag:$0x1] =	stream.linear.gather [hbm4b:s3+s2], $0x2780, $0x38;
	[tilespmem:$0x8B00] =	vst v63  }
0xc: {  	_ =	swait.ge [sflag:s9], $0x2780  }
0xd: {  	[sflag:s9] =	ssyncset.done $0x0  }
0xe: {  	[sflag:s9] =	ssyncadd.s32 $0xFFFFD880  }
0xf: {  	[tilespmem:s10], [sflag:$0x1] =	stream.linear.gather [hbm4b:s4+s2], $0x2780, $0x38;
	[tilespmem:$0x8B00] =	vst v63  }
0x10: {  	_ =	swait.ge [sflag:s9], $0x2780  }
0x11: {  	[sflag:s9] =	ssyncset.done $0x0  }
0x12: {  	[sflag:s9] =	ssyncadd.s32 $0xFFFFD880  }
0x13: {  	[tilespmem:s11], [sflag:$0x1] =	stream.linear.gather [hbm4b:s5+s2], $0x1400, $0x38;
	[tilespmem:$0x8B00] =	vst v63  }
0x14: {  	_ =	swait.ge [sflag:s9], $0x1400  }
0x15: {  	[sflag:s9] =	ssyncset.done $0x0  }
0x16: {  	[sflag:s9] =	ssyncadd.s32 $0xFFFFEC00  }
0x17: {  	[tilespmem:s12], [sflag:$0x1] =	stream.linear.gather [hbm4b:s6+s2], $0x1400, $0x38;
	[tilespmem:$0x8B00] =	vst v63  }
0x18: {  	_ =	swait.ge [sflag:s9], $0x1400  }
0x19: {  	[sflag:s9] =	ssyncset.done $0x0  }
0x1a: {  	s15 =	simm.s32 $0x0;
	[sflag:s9] =	ssyncadd.s32 $0xFFFFEC00  }
0x1b: {  	v0 =	vld [tilespmem:s15+$0x6300]  }
0x1c: {  	v2 =	vld [tilespmem:s15+$0x4F00];
	_ =	sdelay $0x6  }
0x1d: {  	v1 =	vld.idx.msk [tilespmem:v0+s10+$0x0], $0xffff  }
0x1e: {  	s16 =	simm.s32 $0x10;
	v2 =	vld.idx.msk [tilespmem:v2+s2+$0x0], $0xffff  }
0x1f: {  	s17 =	simm.s32 $0x80;
	v0 =	vld [tilespmem:s16+$0x6300]  }
.LBB2_2:
0x20: {  	p0 =	sne.s32 s17, $0x4FC0;
	v3 =	vld [tilespmem:s16+$0x4F00];
	_ =	sdelay $0x2  }
0x21: {  	v1 =	vadd.f32 v1, v2;
	_ =	sdelay $0x1  }
0x22: {  	v1 =	vmax.f32 v1, $0.0e+00  }
.Ltmp0:
0x23: {  	[tilespmem:s15+$0x7700] =	vst v1;
	s15 =	smov.u32 s16;
	(pc) =	sbr.rel @p0 .LBB2_2-.Ltmp0, $4  }
0x24: {  	v1 =	vld.idx.msk [tilespmem:v0+s10+$0x0], $0xffff  }
0x25: {  	v2 =	vld.idx.msk [tilespmem:v3+s2+$0x0], $0xffff  }
0x26: {  	s16 =	sshra.s32 s17, $0x2  }
0x27: {  	s17 =	sadd.s32 $0x40, s17;
	v0 =	vld [tilespmem:s16+$0x6300]  }
0x28: {  	_ = 	snop  }
0x29: {  	v3 =	vld [tilespmem:s16+$0x4F00];
	_ =	sdelay $0x2  }
0x2a: {  	v1 =	vadd.f32 v1, v2;
	_ =	sdelay $0x1  }
0x2b: {  	v1 =	vmax.f32 v1, $0.0e+00  }
0x2c: {  	[tilespmem:s15+$0x7700] =	vst v1  }
0x2d: {  	v0 =	vld.idx.msk [tilespmem:v0+s10+$0x0], $0xffff  }
0x2e: {  	v1 =	vld.idx.msk [tilespmem:v3+s2+$0x0], $0xffff;
	_ =	sdelay $0x4  }
0x2f: {  	v0 =	vadd.f32 v0, v1  }
0x30: {  	s14 =	sadd.s32 $0x1, s14  }
0x31: {  	p0 =	sne.s32 s14, s8;
	v0 =	vmax.f32 v0, $0.0e+00  }
.Ltmp1:
0x32: {  	[tilespmem:s16+$0x7700] =	vst v0;
	(pc) =	sbr.rel @p0 .LBB2_1-.Ltmp1, $4  }
0x33: {  	[hbm4b:s7+s2] =	stream.linear.scatter [tilespmem:s13], [sflag:$0x1], $0x1400, $0x38;
	[tilespmem:$0x8B00] =	vst v63  }
0x34: {  	_ =	swait.ge [sflag:s9], $0x1400  }
0x35: {  	[sflag:s9] =	ssyncset.done $0x0  }
0x36: {  	[sflag:s9] =	ssyncadd.s32 $0xFFFFEC00  }
0x37: {  	_ =	sfence.sel $0x180000  }
0x38: {  	[bflag:$0x0] =	sbarrier.arrive $0xFFFF  }
0x39: {  	p0 =	sne.s32 s0, $0x0;
	_ =	strace $0x90000053  }
0x3a: {  	s0 =	sadd.s32 @!p0 $0x100000, s1;
	[bflag:$0x2] =	sbarrier.arrive $0xFFFF  }
0x3b: {  	[sflag:s0] =	ssyncadd.tile.s32 @!p0 $0x1;
	_ =	shalt  }
.Lfunc_end2:
_tile_overlayer_lowered:
.L_overlay_start_2:
0x3c: {  	(tag) =	ssettag $0x2  }
0x3d: {  	s0 =	rddreg [dreg:$0x0];
	s2 =	stileid.u32  }
0x3e: {  	s1 =	rddreg [dreg:$0x1];
	p0 =	sne.s32 s2, $0x0  }
0x3f: {  	s3 =	rddreg [dreg:$0x2];
	[bflag:$0x3] =	sbarrier.arrive $0xFFFF;
	s2 =	simm.s32 @!p0 $0x1C01  }
0x40: {  	[timem:s3], [sflag:s2] =	dma.local @!p0 [hbm:s0], s1  }
0x41: {  	s0 =	simm.s32 @!p0 $0x1  }
0x42: {  	_ =	swait.ge @!p0 [sflag:s0], s1  }
0x43: {  	s1 =	ssub.s32 @!p0 $0x0, s1;
	[sflag:s0] =	ssyncset.done @!p0 $0x0  }
0x44: {  	[sflag:s0] =	ssyncadd.s32 @!p0 s1  }
0x45: {  	[bflag:$0x3] =	sbarrier.arrive $0xFFFF  }
0x46: {  	_ =	shalt  }

// kernel: kernel.19.cloned.1.call-start
scs
__scs_entry_jumppad:
0x0: {  	(pc) =	sbr.rel $0x88, $3  }
0x1: {  	(tag) =	ssettag $0x0;
	lr =	simm.s32 $0x1  }
0x2: {  	[smem:$0x3F98] =	sst lr;
	_ =	strace $0xD0000000  }
0x3: {  	_ = 	snop  }
0x4: {  	_ = 	snop  }
0x5: {  	_ = 	snop  }
0x6: {  	_ = 	snop  }
0x7: {  	_ = 	snop  }
__scs_overlays_trampoline_lowered:
0x8: {  	[smem:$0x3FA7] =	sst s0  }
0x9: {  	[smem:$0x3FA8] =	sst s1  }
0xa: {  	[smem:$0x3FA9] =	sst s2  }
0xb: {  	[smem:$0x3FAA] =	sst s3  }
0xc: {  	[smem:$0x3FAB] =	sst s4  }
0xd: {  	[smem:$0x3FAC] =	sst s5  }
0xe: {  	[smem:$0x3FAD] =	sst s6  }
0xf: {  	[smem:$0x3FAE] =	sst s7  }
0x10: {  	[smem:$0x3FAF] =	sst s8  }
0x11: {  	[smem:$0x3FB0] =	sst s9;
	s0 =	simm.s32 @!p0 $0x0  }
0x12: {  	s1 =	sld [smem:$0x3F96];
	s0 =	simm.s32 @p0 $0x1  }
0x13: {  	[smem:$0x3FB1] =	sst s0;
	s0 =	simm.s32 @!p1 $0x0  }
0x14: {  	s2 =	sld [smem:$0x3F95];
	s0 =	simm.s32 @p1 $0x1  }
0x15: {  	[smem:$0x3FB2] =	sst s0;
	s0 =	simm.s32 @!p2 $0x0  }
0x16: {  	s3 =	sld [smem:$0x3FDB];
	s0 =	simm.s32 @p2 $0x1  }
0x17: {  	s4 =	simm.s32 $0x1BF5;
	[smem:$0x3FB4] =	sst s0  }
0x18: {  	s0 =	sld [smem:$0x3F97];
	_ =	swait.ge [sflag:s4], $0x0  }
0x19: {  	s7 =	sld [smem:$0x3F98]  }
0x1a: {  	s8 =	sadd.s32 $0xFFFFE003, lr  }
0x1b: {  	s9 =	sadd.s32 $0xFFFFFEF7, lr;
	s5 =	simm.s32 $0xFFFFFFFF;
	p2 =	slt.u32 s8, $0xFFFFF086  }
0x1c: {  	p1 =	slt.u32 s9, $0xF7A;
	s5 =	simm.s32 @!p2 $0x0  }
0x1d: {  	s5 =	simm.s32 @p1 $0x1;
	p0 =	seq.s32 s7, s2  }
0x1e: {  	s7 =	smul.u32 @!p0 $0xF7A, s2;
	p2 =	seq.s32 @!p0 s5, $0x0  }
0x1f: {  	s9 =	smul.u32 $0xF7A, s1;
	s8 =	simm.s32 @!p0 $0x1BF5;
	p2 =	por !p2, p0  }
0x20: {  	[sflag:s8] =	ssyncset.s32 @!p0 $0xFFFFF086;
	s6 =	sadd.s32 @!p0 s3, s7;
	s7 =	simm.s32 @!p0 $0x108  }
0x21: {  	s3 =	sadd.s32 s3, s9;
	s6 =	sadd.s32 @!p0 $0x88, s6;
	s7 =	simm.s32 @p2 $0x1082  }
0x22: {  	[simem:s7], [sflag:s8] =	dma.local @!p0 [hbm:s6], $0xF7A  }
0x23: {  	s9 =	sor.u32 $0xD0000000, s2;
	s6 =	simm.s32 $0x108;
	_ =	swait.ge @!p0 [sflag:s8], $0x0  }
0x24: {  	s3 =	sadd.s32 $0x88, s3;
	s6 =	simm.s32 @!p1 $0x1082;
	[sflag:s4] =	ssyncset.s32 $0xFFFFF086  }
0x25: {  	[simem:s6], [sflag:s4] =	dma.local [hbm:s3], $0xF7A  }
0x26: {  	[smem:$0x3F98] =	sst s1;
	(tag) =	ssettag s2;
	_ =	strace s9  }
0x27: {  	s1 =	sld [smem:$0x3FA8]  }
0x28: {  	s2 =	sld [smem:$0x3FA9]  }
0x29: {  	s4 =	sld [smem:$0x3FAB]  }
0x2a: {  	p0 =	seq.s32 s5, $0x0;
	s5 =	sld [smem:$0x3FAC]  }
0x2b: {  	s6 =	sld [smem:$0x3FAD]  }
0x2c: {  	s7 =	sld [smem:$0x3FAE]  }
0x2d: {  	s3 =	simm.s32 $0x108;
	s8 =	sld [smem:$0x3FAF]  }
0x2e: {  	s3 =	simm.s32 @!p0 $0x1082;
	s9 =	sld [smem:$0x3FB0]  }
0x2f: {  	lr =	sadd.s32 s0, s3;
	s0 =	sld [smem:$0x3FA7]  }
0x30: {  	s3 =	sld [smem:$0x3FAA]  }
0x31: {  	[smem:$0x3FB3] =	sst s10  }
0x32: {  	s10 =	sld [smem:$0x3FB1];
	_ =	sdelay $0x3  }
0x33: {  	p0 =	seq.s32 s10, $0x1;
	s10 =	sld [smem:$0x3FB3];
	_ =	sdelay $0x3  }
0x34: {  	[smem:$0x3FB3] =	sst s10  }
0x35: {  	s10 =	sld [smem:$0x3FB2];
	_ =	sdelay $0x3  }
0x36: {  	p1 =	seq.s32 s10, $0x1;
	s10 =	sld [smem:$0x3FB3];
	_ =	sdelay $0x3  }
0x37: {  	[smem:$0x3FB3] =	sst s10  }
0x38: {  	s10 =	sld [smem:$0x3FB4]  }
0x39: {  	_ = 	snop;
	(pc) =	sbr.ind lr, $3  }
0x3a: {  	_ = 	snop  }
0x3b: {  	_ = 	snop  }
0x3c: {  	p2 =	seq.s32 s10, $0x1;
	s10 =	sld [smem:$0x3FB3]  }
0x3d: {  	_ =	shalt  }
0x3e: {  	_ =	shalt  }
0x3f: {  	_ =	shalt  }
0x40: {  	_ =	shalt  }
0x41: {  	_ =	shalt  }
0x42: {  	_ =	shalt  }
0x43: {  	_ =	shalt  }
0x44: {  	_ =	shalt  }
0x45: {  	_ =	shalt  }
0x46: {  	_ =	shalt  }
0x47: {  	_ =	shalt  }
0x48: {  	_ =	shalt  }
0x49: {  	_ =	shalt  }
0x4a: {  	_ =	shalt  }
0x4b: {  	_ =	shalt  }
0x4c: {  	_ =	shalt  }
0x4d: {  	_ =	shalt  }
0x4e: {  	_ =	shalt  }
0x4f: {  	_ =	shalt  }
0x50: {  	_ =	shalt  }
0x51: {  	_ =	shalt  }
0x52: {  	_ =	shalt  }
0x53: {  	_ =	shalt  }
0x54: {  	_ =	shalt  }
0x55: {  	_ =	shalt  }
0x56: {  	_ =	shalt  }
0x57: {  	_ =	shalt  }
0x58: {  	_ =	shalt  }
0x59: {  	_ =	shalt  }
0x5a: {  	_ =	shalt  }
0x5b: {  	_ =	shalt  }
0x5c: {  	_ =	shalt  }
0x5d: {  	_ =	shalt  }
0x5e: {  	_ =	shalt  }
0x5f: {  	_ =	shalt  }
0x60: {  	_ =	shalt  }
0x61: {  	_ =	shalt  }
0x62: {  	_ =	shalt  }
0x63: {  	_ =	shalt  }
0x64: {  	_ =	shalt  }
0x65: {  	_ =	shalt  }
0x66: {  	_ =	shalt  }
0x67: {  	_ =	shalt  }
0x68: {  	_ =	shalt  }
0x69: {  	_ =	shalt  }
0x6a: {  	_ =	shalt  }
0x6b: {  	_ =	shalt  }
0x6c: {  	_ =	shalt  }
0x6d: {  	_ =	shalt  }
0x6e: {  	_ =	shalt  }
0x6f: {  	_ =	shalt  }
0x70: {  	_ =	shalt  }
0x71: {  	_ =	shalt  }
0x72: {  	_ =	shalt  }
0x73: {  	_ =	shalt  }
0x74: {  	_ =	shalt  }
0x75: {  	_ =	shalt  }
0x76: {  	_ =	shalt  }
0x77: {  	_ =	shalt  }
0x78: {  	_ =	shalt  }
0x79: {  	_ =	shalt  }
0x7a: {  	_ =	shalt  }
0x7b: {  	_ =	shalt  }
0x7c: {  	_ =	shalt  }
0x7d: {  	_ =	shalt  }
0x7e: {  	_ =	shalt  }
0x7f: {  	_ =	shalt  }
0x80: {  	_ =	shalt  }
0x81: {  	_ =	shalt  }
0x82: {  	_ =	shalt  }
0x83: {  	_ =	shalt  }
0x84: {  	_ =	shalt  }
0x85: {  	_ =	shalt  }
0x86: {  	_ =	shalt  }
0x87: {  	_ =	shalt  }
.Lfunc_end0:
.L_simem_size_0:
called_computation.5_lowered:
.L_overlay_start_0:
0x88: {  	s2 =	sld [smem:$0x3FD9]  }
0x89: {  	s3 =	sld [smem:$0x3FFE];
	_ =	sdelay $0x1  }
0x8a: {  	s1 =	srdreg.scid  }
0x8b: {  	s0 =	sand.u32 $0x1, s1  }
0x8c: {  	s16 =	sshll.u32 s0, $0xA;
	s2 =	sadd.s32 s3, s2  }
0x8d: {  	s2 =	sadd.s32 s2, s16  }
0x8e: {  	[smem:$0x3FBF] =	sst s2  }
0x8f: {  	_ = 	snop  }
0x90: {  	(tm) =	ssettm $0x1  }
0x91: {  	s17 =	sld [smem:$0x3FFB];
	_ =	sdelay $0x3  }
0x92: {  	_ =	strace s17  }
0x93: {  	s2 =	sld [smem:$0x3FFC];
	_ =	sdelay $0x3  }
0x94: {  	_ =	strace s2  }
0x95: {  	s2 =	sld [smem:$0x3FFD];
	_ =	sdelay $0x3  }
0x96: {  	_ =	strace s2  }
0x97: {  	_ =	strace $0x8FFFFFFF  }
0x98: {  	s18 =	sld [smem:$0x3FDB];
	_ =	sdelay $0x1  }
0x99: {  	s19 =	simm.s32 $_scs_section_size  }
0x9a: {  	s4 =	simm.s32 $_size__tile_overlayer_lowered;
	s5 =	simm.s32 $_tile_overlayer_lowered  }
0x9b: {  	s22 =	simm.s32 $0x1BFF;
	s21 =	sshll.u32 s5, $0x1;
	s2 =	sadd.s32 s19, s18  }
0x9c: {  	s6 =	simm.s32 $0x0;
	s20 =	sshll.u32 s4, $0x1;
	s4 =	sadd.s32 s21, s2  }
0x9d: {  	[timem:s6], [sflag:s22] =	dma.local [hbm:s4], s20  }
0x9e: {  	_ =	swait.ge [sflag:s22], s20  }
0x9f: {  	s3 =	ssub.s32 $0x0, s20;
	[sflag:s22] =	ssyncset.done $0x0  }
0xa0: {  	[sflag:s22] =	ssyncadd.s32 s3;
	_ =	sdelay $0x1  }
0xa1: {  	s23 =	simm.s32 $0x1B8B  }
0xa2: {  	_ =	swait.ge [sflag:s23], $0x1  }
0xa3: {  	[sflag:s23] =	ssyncset.done $0x0  }
0xa4: {  	s25 =	simm.s32 $0x1B8E;
	s24 =	sld [smem:$0x3FFE];
	[sflag:s23] =	ssyncadd.s32 $0xFFFFFFFF  }
0xa5: {  	s26 =	simm.s32 $execute0_lowered;
	[smem:$0x3FD2] =	sst s25  }
0xa6: {  	s4 =	sshll.u32 s26, $0x1;
	_ =	strace $0x80000058;
	[dreg:$0x1] =	wrdreg $0xFFFFFFFF  }
0xa7: {  	s28 =	simm.s32 $_size_execute0_lowered;
	s2 =	sadd.s32 s2, s4;
	[dreg:$0x0] =	wrdreg $0x0  }
0xa8: {  	s4 =	sshll.u32 s28, $0x1;
	[dreg:$0x2] =	wrdreg s2  }
0xa9: {  	[dreg:$0x3] =	wrdreg s4  }
0xaa: {  	[dreg:$0x4] =	wrdreg $0xC0  }
0xab: {  	_ =	task [dreg:s6], $0x5FFFF  }
0xac: {  	[dreg:$0x1] =	wrdreg $0xFFFFFFFF  }
0xad: {  	[dreg:$0x0] =	wrdreg $0x60  }
0xae: {  	[dreg:$0x2] =	wrdreg s24  }
0xaf: {  	[dreg:$0x3] =	wrdreg $0x9  }
0xb0: {  	_ =	task.clear_ibuf [dreg:s6], $0x4FFFF;
	_ =	strace $0x90000058  }
0xb1: {  	s29 =	simm.s32 $0x9;
	_ =	strace $0x8000005A  }
0xb2: {  	_ =	swait.ge [sflag:s29], $0x1  }
0xb3: {  	[sflag:s29] =	ssyncadd.s32 $0xFFFFFFFF  }
0xb4: {  	_ =	strace $0x9000005A  }
0xb5: {  	_ =	sfence  }
0xb6: {  	s30 =	sld [smem:$0x0];
	_ =	sdelay $0x2  }
0xb7: {  	s31 =	sshll.u32 s1, $0xD;
	s1 =	sshrl.u32 s1, $0x2  }
0xb8: {  	s3 =	sand.u32 $0x4000, s31;
	s1 =	sadd.s32 s1, s30  }
0xb9: {  	s0 =	sor.u32 s3, s0;
	s1 =	sshll.u32 s1, $0x11  }
0xba: {  	s0 =	sor.u32 s1, s0  }
0xbb: {  	s0 =	sadd.s32 $0x8F2B, s0  }
0xbc: {  	[sflag:s0] =	ssyncadd.remote.s32 $0x1  }
0xbd: {  	_ =	sfence.sel $0xFFFF  }
0xbe: {  	[dreg:$0x0] =	wrdreg $0xFFFFFFFF;
	(pc) =	sbr.abs _section_cstart, $3  }
0xbf: {  	[dreg:$0x1] =	wrdreg $0xFFFFFFFF  }
0xc0: {  	_ =	task.clear_ibuf [dreg:s6], $0x2FFFF;
	_ =	strace $0x9FFFFFFF  }
0xc1: {  	(tm) =	ssettm $0x7FFFFFFF  }
tec
execute0_lowered:
.L_overlay_start_1:
0x0: {  	(tag) =	ssettag $0x1  }
0x1: {  	s1 =	srdreg.scid  }
0x2: {  	s0 =	stileid.u32;
	s4 =	rddreg [dreg:$0x0]  }
0x3: {  	s2 =	simm.s32 $0x0;
	s14 =	simm.s32 $0x1;
	s15 =	simm.s32 $0x3  }
0x4: {  	s16 =	simm.s32 $0x2;
	s17 =	simm.s32 $0x4;
	s11 =	smul.u32 $0x28000, s0  }
0x5: {  	s18 =	simm.s32 $0x0;
	s6 =	sand.u32 $0x1, s1;
	s28 =	smul.u32 $0x140000, s0  }
0x6: {  	s3 =	sshll.u32 s0, $0x1;
	s1 =	rddreg [dreg:$0x1];
	s13 =	smul.u32 $0xA0000, s6  }
0x7: {  	[smem:$0x7FF] =	sst s2;
	s5 =	sor.u32 s6, s3;
	s30 =	smul.u32 $0x14000, s6  }
0x8: {  	s12 =	sadd.s32 $0x95600, s4;
	_ =	strace $0x80000059;
	s7 =	smul.u32 $0x280, s5  }
0x9: {  	s3 =	sadd.s32 $0x6E400, s4;
	s9 =	ssub.s32 $0x2, s6;
	s8 =	smul.u32 $0xA0000, s5  }
0xa: {  	s10 =	smul.u32 $0x14000, s5;
	s26 =	sshrl.u32 s9, $0x1;
	s31 =	sadd.s32 s11, s12  }
0xb: {  	s11 =	simm.s32 $0x80;
	s25 =	sadd.s32 s7, s4;
	s7 =	ssub.s32 s9, s26  }
0xc: {  	s8 =	sshrl.u32 s8, $0x3;
	s9 =	sadd.s32 s13, s28;
	s10 =	sadd.s32 s10, s12  }
0xd: {  	s13 =	simm.s32 $0x5400;
	s4 =	sadd.s32 $0x16200, s25;
	s5 =	smax.u32 s7, $0x1  }
0xe: {  	s29 =	sadd.s32 s12, s8;
	s8 =	sadd.s32 s30, s31;
	s9 =	sshrl.u32 s9, $0x3  }
0xf: {  	s7 =	sadd.s32 $0x13800, s10;
	s10 =	simm.s32 $0x5;
	s6 =	sadd.s32 $0x13000, s29  }
0x10: {  	s8 =	sadd.s32 $0x800, s8;
	s9 =	sadd.s32 s9, s12;
	s12 =	simm.s32 $0x1400  }
.LBB2_1:
0x11: {  	[tilespmem:s2], [sflag:$0x5] =	stream.linear.gather [hbm4b:s4+s2], $0x1400, $0x38;
	[tilespmem:$0x9400] =	vst v63  }
0x12: {  	_ =	swait.ge [sflag:s10], $0x1400  }
0x13: {  	[sflag:s10] =	ssyncset.done $0x0  }
0x14: {  	[sflag:s10] =	ssyncadd.s32 $0xFFFFEC00  }
0x15: {  	[tilespmem:s12], [sflag:$0x1] =	stream.indirect.gather [hbm4b:s3+s11], $0x80, s2, s11, $0xb8;
	[tilespmem:$0x9400] =	vst v63  }
0x16: {  	_ = 	snop  }
0x17: {  	[tilespmem:s13], [sflag:$0x2] =	stream.indirect.gather [hbm4b:s3+s11], $0x80, s11, s11, $0xb8;
	[tilespmem:$0x9400] =	vst v63  }
0x18: {  	_ =	swait.ge [sflag:s14], $0x4000  }
0x19: {  	[sflag:s14] =	ssyncset.done $0x0  }
0x1a: {  	s19 =	sadd.s32 $0x0, s9;
	[sflag:s14] =	ssyncadd.s32 $0xFFFFC000  }
0x1b: {  	[hbm4b:s19+s2] =	stream.linear.scatter [tilespmem:s12], [sflag:$0x3], $0x4000, $0x38;
	[tilespmem:$0x9400] =	vst v63  }
0x1c: {  	_ =	swait.ge [sflag:s15], $0x4000  }
0x1d: {  	[sflag:s15] =	ssyncset.done $0x0  }
0x1e: {  	s30 =	simm.s32 $0x100;
	[sflag:s15] =	ssyncadd.s32 $0xFFFFC000  }
0x1f: {  	[tilespmem:s12], [sflag:$0x1] =	stream.indirect.gather [hbm4b:s3+s11], $0x80, s30, s11, $0xb8;
	[tilespmem:$0x9400] =	vst v63  }
0x20: {  	_ =	swait.ge [sflag:s16], $0x4000  }
0x21: {  	[sflag:s16] =	ssyncset.done $0x0  }
0x22: {  	s31 =	sadd.s32 $0x0, s8;
	[sflag:s16] =	ssyncadd.s32 $0xFFFFC000  }
0x23: {  	[hbm4b:s31+s2] =	stream.linear.scatter [tilespmem:s13], [sflag:$0x4], $0x4000, $0x38;
	[tilespmem:$0x9400] =	vst v63  }
0x24: {  	_ =	swait.ge [sflag:s17], $0x4000  }
0x25: {  	s20 =	simm.s32 $0x1000;
	[sflag:s17] =	ssyncset.done $0x0  }
0x26: {  	s21 =	simm.s32 $0x280;
	s19 =	simm.s32 $0x180;
	[sflag:s17] =	ssyncadd.s32 $0xFFFFC000  }
.LBB2_2:
0x27: {  	[tilespmem:s13], [sflag:$0x2] =	stream.indirect.gather [hbm4b:s3+s11], $0x80, s19, s11, $0xb8;
	[tilespmem:$0x9400] =	vst v63  }
0x28: {  	s22 =	smov.u32 s20;
	s19 =	smov.u32 s21  }
0x29: {  	p0 =	sne.s32 s20, $0x12000;
	s20 =	sadd.s32 $0x1000, s20;
	_ =	swait.ge [sflag:s14], $0x4000  }
0x2a: {  	[sflag:s14] =	ssyncset.done $0x0  }
0x2b: {  	s23 =	sadd.s32 s22, s9;
	[sflag:s14] =	ssyncadd.s32 $0xFFFFC000  }
0x2c: {  	[hbm4b:s23+s2] =	stream.linear.scatter [tilespmem:s12], [sflag:$0x3], $0x4000, $0x38;
	[tilespmem:$0x9400] =	vst v63  }
0x2d: {  	_ =	swait.ge [sflag:s15], $0x4000  }
0x2e: {  	[sflag:s15] =	ssyncset.done $0x0  }
0x2f: {  	s23 =	sadd.s32 $0xFFFFFF80, s21;
	[sflag:s15] =	ssyncadd.s32 $0xFFFFC000  }
0x30: {  	[tilespmem:s12], [sflag:$0x1] =	stream.indirect.gather [hbm4b:s3+s11], $0x80, s23, s11, $0xb8;
	[tilespmem:$0x9400] =	vst v63  }
0x31: {  	_ =	swait.ge [sflag:s16], $0x4000  }
0x32: {  	[sflag:s16] =	ssyncset.done $0x0  }
.Ltmp0:
0x33: {  	s22 =	sadd.s32 s22, s8;
	[sflag:s16] =	ssyncadd.s32 $0xFFFFC000;
	(pc) =	sbr.rel @p0 .LBB2_2-.Ltmp0, $4  }
0x34: {  	[hbm4b:s22+s2] =	stream.linear.scatter [tilespmem:s13], [sflag:$0x4], $0x4000, $0x38;
	[tilespmem:$0x9400] =	vst v63  }
0x35: {  	_ =	swait.ge [sflag:s17], $0x4000  }
0x36: {  	[sflag:s17] =	ssyncset.done $0x0  }
0x37: {  	s21 =	sadd.s32 $0x100, s21;
	[sflag:s17] =	ssyncadd.s32 $0xFFFFC000  }
0x38: {  	[tilespmem:s13], [sflag:$0x2] =	stream.indirect.gather [hbm4b:s3+s11], $0x80, s19, s11, $0xb8;
	[tilespmem:$0x9400] =	vst v63  }
0x39: {  	_ =	swait.ge [sflag:s14], $0x4000  }
0x3a: {  	[sflag:s14] =	ssyncset.done $0x0  }
0x3b: {  	[sflag:s14] =	ssyncadd.s32 $0xFFFFC000  }
0x3c: {  	[hbm4b:s6+s2] =	stream.linear.scatter [tilespmem:s12], [sflag:$0x3], $0x4000, $0x38;
	[tilespmem:$0x9400] =	vst v63  }
0x3d: {  	_ =	swait.ge [sflag:s16], $0x4000  }
0x3e: {  	[sflag:s16] =	ssyncset.done $0x0  }
0x3f: {  	s18 =	sadd.s32 $0x1, s18;
	[sflag:s16] =	ssyncadd.s32 $0xFFFFC000  }
0x40: {  	[hbm4b:s7+s2] =	stream.linear.scatter [tilespmem:s13], [sflag:$0x4], $0x4000, $0x38;
	[tilespmem:$0x9400] =	vst v63  }
0x41: {  	p0 =	sne.s32 s18, s5;
	_ =	swait.ge [sflag:s15], $0x4000  }
.Ltmp1:
0x42: {  	[sflag:s15] =	ssyncset.done $0x0;
	(pc) =	sbr.rel @p0 .LBB2_1-.Ltmp1, $4  }
0x43: {  	[sflag:s15] =	ssyncadd.s32 $0xFFFFC000  }
0x44: {  	_ =	swait.ge [sflag:s17], $0x4000  }
0x45: {  	[sflag:s17] =	ssyncset.done $0x0  }
0x46: {  	[sflag:s17] =	ssyncadd.s32 $0xFFFFC000  }
0x47: {  	_ =	sfence.sel $0x180000  }
0x48: {  	[bflag:$0x0] =	sbarrier.arrive $0xFFFF  }
0x49: {  	p0 =	sne.s32 s0, $0x0;
	_ =	strace $0x90000059  }
0x4a: {  	s0 =	sadd.s32 @!p0 $0x100000, s1;
	[bflag:$0x2] =	sbarrier.arrive $0xFFFF  }
0x4b: {  	[sflag:s0] =	ssyncadd.tile.s32 @!p0 $0x1;
	_ =	shalt  }
.Lfunc_end2:
_tile_overlayer_lowered:
.L_overlay_start_2:
0x4c: {  	(tag) =	ssettag $0x2  }
0x4d: {  	s0 =	rddreg [dreg:$0x0];
	s2 =	stileid.u32  }
0x4e: {  	s1 =	rddreg [dreg:$0x1];
	p0 =	sne.s32 s2, $0x0  }
0x4f: {  	s3 =	rddreg [dreg:$0x2];
	[bflag:$0x3] =	sbarrier.arrive $0xFFFF;
	s2 =	simm.s32 @!p0 $0x1C05  }
0x50: {  	[timem:s3], [sflag:s2] =	dma.local @!p0 [hbm:s0], s1  }
0x51: {  	s0 =	simm.s32 @!p0 $0x5  }
0x52: {  	_ =	swait.ge @!p0 [sflag:s0], s1  }
0x53: {  	s1 =	ssub.s32 @!p0 $0x0, s1;
	[sflag:s0] =	ssyncset.done @!p0 $0x0  }
0x54: {  	[sflag:s0] =	ssyncadd.s32 @!p0 s1  }
0x55: {  	[bflag:$0x3] =	sbarrier.arrive $0xFFFF  }
0x56: {  	_ =	shalt  }

// kernel: scatter_offload_async_start.1
scs
__scs_entry_jumppad:
0x0: {  	(pc) =	sbr.rel $0x88, $3  }
0x1: {  	(tag) =	ssettag $0x0;
	lr =	simm.s32 $0x1  }
0x2: {  	[smem:$0x3F98] =	sst lr;
	_ =	strace $0xD0000000  }
0x3: {  	_ = 	snop  }
0x4: {  	_ = 	snop  }
0x5: {  	_ = 	snop  }
0x6: {  	_ = 	snop  }
0x7: {  	_ = 	snop  }
__scs_overlays_trampoline_lowered:
0x8: {  	[smem:$0x3FA7] =	sst s0  }
0x9: {  	[smem:$0x3FA8] =	sst s1  }
0xa: {  	[smem:$0x3FA9] =	sst s2  }
0xb: {  	[smem:$0x3FAA] =	sst s3  }
0xc: {  	[smem:$0x3FAB] =	sst s4  }
0xd: {  	[smem:$0x3FAC] =	sst s5  }
0xe: {  	[smem:$0x3FAD] =	sst s6  }
0xf: {  	[smem:$0x3FAE] =	sst s7  }
0x10: {  	[smem:$0x3FAF] =	sst s8  }
0x11: {  	[smem:$0x3FB0] =	sst s9;
	s0 =	simm.s32 @!p0 $0x0  }
0x12: {  	s1 =	sld [smem:$0x3F96];
	s0 =	simm.s32 @p0 $0x1  }
0x13: {  	[smem:$0x3FB1] =	sst s0;
	s0 =	simm.s32 @!p1 $0x0  }
0x14: {  	s2 =	sld [smem:$0x3F95];
	s0 =	simm.s32 @p1 $0x1  }
0x15: {  	[smem:$0x3FB2] =	sst s0;
	s0 =	simm.s32 @!p2 $0x0  }
0x16: {  	s3 =	sld [smem:$0x3FDB];
	s0 =	simm.s32 @p2 $0x1  }
0x17: {  	s4 =	simm.s32 $0x1BF5;
	[smem:$0x3FB4] =	sst s0  }
0x18: {  	s0 =	sld [smem:$0x3F97];
	_ =	swait.ge [sflag:s4], $0x0  }
0x19: {  	s7 =	sld [smem:$0x3F98]  }
0x1a: {  	s8 =	sadd.s32 $0xFFFFE003, lr  }
0x1b: {  	s9 =	sadd.s32 $0xFFFFFEF7, lr;
	s5 =	simm.s32 $0xFFFFFFFF;
	p2 =	slt.u32 s8, $0xFFFFF086  }
0x1c: {  	p1 =	slt.u32 s9, $0xF7A;
	s5 =	simm.s32 @!p2 $0x0  }
0x1d: {  	s5 =	simm.s32 @p1 $0x1;
	p0 =	seq.s32 s7, s2  }
0x1e: {  	s7 =	smul.u32 @!p0 $0xF7A, s2;
	p2 =	seq.s32 @!p0 s5, $0x0  }
0x1f: {  	s9 =	smul.u32 $0xF7A, s1;
	s8 =	simm.s32 @!p0 $0x1BF5;
	p2 =	por !p2, p0  }
0x20: {  	[sflag:s8] =	ssyncset.s32 @!p0 $0xFFFFF086;
	s6 =	sadd.s32 @!p0 s3, s7;
	s7 =	simm.s32 @!p0 $0x108  }
0x21: {  	s3 =	sadd.s32 s3, s9;
	s6 =	sadd.s32 @!p0 $0x88, s6;
	s7 =	simm.s32 @p2 $0x1082  }
0x22: {  	[simem:s7], [sflag:s8] =	dma.local @!p0 [hbm:s6], $0xF7A  }
0x23: {  	s9 =	sor.u32 $0xD0000000, s2;
	s6 =	simm.s32 $0x108;
	_ =	swait.ge @!p0 [sflag:s8], $0x0  }
0x24: {  	s3 =	sadd.s32 $0x88, s3;
	s6 =	simm.s32 @!p1 $0x1082;
	[sflag:s4] =	ssyncset.s32 $0xFFFFF086  }
0x25: {  	[simem:s6], [sflag:s4] =	dma.local [hbm:s3], $0xF7A  }
0x26: {  	[smem:$0x3F98] =	sst s1;
	(tag) =	ssettag s2;
	_ =	strace s9  }
0x27: {  	s1 =	sld [smem:$0x3FA8]  }
0x28: {  	s2 =	sld [smem:$0x3FA9]  }
0x29: {  	s4 =	sld [smem:$0x3FAB]  }
0x2a: {  	p0 =	seq.s32 s5, $0x0;
	s5 =	sld [smem:$0x3FAC]  }
0x2b: {  	s6 =	sld [smem:$0x3FAD]  }
0x2c: {  	s7 =	sld [smem:$0x3FAE]  }
0x2d: {  	s3 =	simm.s32 $0x108;
	s8 =	sld [smem:$0x3FAF]  }
0x2e: {  	s3 =	simm.s32 @!p0 $0x1082;
	s9 =	sld [smem:$0x3FB0]  }
0x2f: {  	lr =	sadd.s32 s0, s3;
	s0 =	sld [smem:$0x3FA7]  }
0x30: {  	s3 =	sld [smem:$0x3FAA]  }
0x31: {  	[smem:$0x3FB3] =	sst s10  }
0x32: {  	s10 =	sld [smem:$0x3FB1];
	_ =	sdelay $0x3  }
0x33: {  	p0 =	seq.s32 s10, $0x1;
	s10 =	sld [smem:$0x3FB3];
	_ =	sdelay $0x3  }
0x34: {  	[smem:$0x3FB3] =	sst s10  }
0x35: {  	s10 =	sld [smem:$0x3FB2];
	_ =	sdelay $0x3  }
0x36: {  	p1 =	seq.s32 s10, $0x1;
	s10 =	sld [smem:$0x3FB3];
	_ =	sdelay $0x3  }
0x37: {  	[smem:$0x3FB3] =	sst s10  }
0x38: {  	s10 =	sld [smem:$0x3FB4]  }
0x39: {  	_ = 	snop;
	(pc) =	sbr.ind lr, $3  }
0x3a: {  	_ = 	snop  }
0x3b: {  	_ = 	snop  }
0x3c: {  	p2 =	seq.s32 s10, $0x1;
	s10 =	sld [smem:$0x3FB3]  }
0x3d: {  	_ =	shalt  }
0x3e: {  	_ =	shalt  }
0x3f: {  	_ =	shalt  }
0x40: {  	_ =	shalt  }
0x41: {  	_ =	shalt  }
0x42: {  	_ =	shalt  }
0x43: {  	_ =	shalt  }
0x44: {  	_ =	shalt  }
0x45: {  	_ =	shalt  }
0x46: {  	_ =	shalt  }
0x47: {  	_ =	shalt  }
0x48: {  	_ =	shalt  }
0x49: {  	_ =	shalt  }
0x4a: {  	_ =	shalt  }
0x4b: {  	_ =	shalt  }
0x4c: {  	_ =	shalt  }
0x4d: {  	_ =	shalt  }
0x4e: {  	_ =	shalt  }
0x4f: {  	_ =	shalt  }
0x50: {  	_ =	shalt  }
0x51: {  	_ =	shalt  }
0x52: {  	_ =	shalt  }
0x53: {  	_ =	shalt  }
0x54: {  	_ =	shalt  }
0x55: {  	_ =	shalt  }
0x56: {  	_ =	shalt  }
0x57: {  	_ =	shalt  }
0x58: {  	_ =	shalt  }
0x59: {  	_ =	shalt  }
0x5a: {  	_ =	shalt  }
0x5b: {  	_ =	shalt  }
0x5c: {  	_ =	shalt  }
0x5d: {  	_ =	shalt  }
0x5e: {  	_ =	shalt  }
0x5f: {  	_ =	shalt  }
0x60: {  	_ =	shalt  }
0x61: {  	_ =	shalt  }
0x62: {  	_ =	shalt  }
0x63: {  	_ =	shalt  }
0x64: {  	_ =	shalt  }
0x65: {  	_ =	shalt  }
0x66: {  	_ =	shalt  }
0x67: {  	_ =	shalt  }
0x68: {  	_ =	shalt  }
0x69: {  	_ =	shalt  }
0x6a: {  	_ =	shalt  }
0x6b: {  	_ =	shalt  }
0x6c: {  	_ =	shalt  }
0x6d: {  	_ =	shalt  }
0x6e: {  	_ =	shalt  }
0x6f: {  	_ =	shalt  }
0x70: {  	_ =	shalt  }
0x71: {  	_ =	shalt  }
0x72: {  	_ =	shalt  }
0x73: {  	_ =	shalt  }
0x74: {  	_ =	shalt  }
0x75: {  	_ =	shalt  }
0x76: {  	_ =	shalt  }
0x77: {  	_ =	shalt  }
0x78: {  	_ =	shalt  }
0x79: {  	_ =	shalt  }
0x7a: {  	_ =	shalt  }
0x7b: {  	_ =	shalt  }
0x7c: {  	_ =	shalt  }
0x7d: {  	_ =	shalt  }
0x7e: {  	_ =	shalt  }
0x7f: {  	_ =	shalt  }
0x80: {  	_ =	shalt  }
0x81: {  	_ =	shalt  }
0x82: {  	_ =	shalt  }
0x83: {  	_ =	shalt  }
0x84: {  	_ =	shalt  }
0x85: {  	_ =	shalt  }
0x86: {  	_ =	shalt  }
0x87: {  	_ =	shalt  }
.Lfunc_end0:
.L_simem_size_0:
called_computation.1_lowered:
.L_overlay_start_0:
0x88: {  	s0 =	sld [smem:$0x3FD9]  }
0x89: {  	s1 =	sld [smem:$0x3FFE];
	_ =	sdelay $0x3  }
0x8a: {  	s0 =	sadd.s32 s1, s0  }
0x8b: {  	[smem:$0x3FBF] =	sst s0  }
0x8c: {  	_ = 	snop  }
0x8d: {  	s0 =	sld [smem:$0x3FD0];
	(tm) =	ssettm $0x1  }
0x8e: {  	s16 =	sld [smem:$0x3FFB];
	_ =	sdelay $0x3  }
0x8f: {  	_ =	strace s16  }
0x90: {  	s1 =	sld [smem:$0x3FFC];
	_ =	sdelay $0x3  }
0x91: {  	_ =	strace s1  }
0x92: {  	s1 =	sld [smem:$0x3FFD];
	_ =	sdelay $0x3  }
0x93: {  	_ =	strace s1  }
0x94: {  	_ =	strace $0x8FFFFFFF  }
0x95: {  	s17 =	sld [smem:$0x3FDB];
	_ =	sdelay $0x1  }
0x96: {  	s2 =	simm.s32 $_scs_section_size  }
0x97: {  	s3 =	simm.s32 $_size__tile_overlayer_lowered;
	s4 =	simm.s32 $_tile_overlayer_lowered  }
0x98: {  	s20 =	simm.s32 $0x1BFF;
	s19 =	sshll.u32 s4, $0x1;
	s1 =	sadd.s32 s2, s17  }
0x99: {  	s5 =	simm.s32 $0x0;
	s18 =	sshll.u32 s3, $0x1;
	s3 =	sadd.s32 s19, s1  }
0x9a: {  	[timem:s5], [sflag:s20] =	dma.local [hbm:s3], s18  }
0x9b: {  	_ =	swait.ge [sflag:s20], s18  }
0x9c: {  	s2 =	ssub.s32 $0x0, s18;
	[sflag:s20] =	ssyncset.done $0x0  }
0x9d: {  	[sflag:s20] =	ssyncadd.s32 s2;
	_ =	sdelay $0x1  }
0x9e: {  	s21 =	simm.s32 $0x1B8B  }
0x9f: {  	_ =	swait.ge [sflag:s21], $0x1  }
0xa0: {  	[sflag:s21] =	ssyncset.done $0x0  }
0xa1: {  	s23 =	simm.s32 $0x1B8E;
	s22 =	sld [smem:$0x3FFE];
	[sflag:s21] =	ssyncadd.s32 $0xFFFFFFFF  }
0xa2: {  	s24 =	simm.s32 $execute0_lowered;
	[smem:$0x3FD2] =	sst s23  }
0xa3: {  	s3 =	sshll.u32 s24, $0x1;
	_ =	strace $0x80000055;
	[dreg:$0x1] =	wrdreg $0xFFFFFFFF  }
0xa4: {  	s25 =	simm.s32 $_size_execute0_lowered;
	s1 =	sadd.s32 s1, s3;
	[dreg:$0x0] =	wrdreg $0x0  }
0xa5: {  	s3 =	sshll.u32 s25, $0x1;
	[dreg:$0x2] =	wrdreg s1  }
0xa6: {  	[dreg:$0x3] =	wrdreg s3  }
0xa7: {  	[dreg:$0x4] =	wrdreg $0xC0  }
0xa8: {  	_ =	task [dreg:s5], $0x5FFFF  }
0xa9: {  	[dreg:$0x1] =	wrdreg $0xFFFFFFFF  }
0xaa: {  	[dreg:$0x0] =	wrdreg $0x60  }
0xab: {  	[dreg:$0x2] =	wrdreg s22  }
0xac: {  	[dreg:$0x3] =	wrdreg s0  }
0xad: {  	[dreg:$0x4] =	wrdreg $0x9  }
0xae: {  	_ =	task.clear_ibuf [dreg:s5], $0x5FFFF;
	_ =	strace $0x90000055  }
0xaf: {  	s26 =	simm.s32 $0x9;
	_ =	strace $0x80000057  }
0xb0: {  	_ =	swait.ge [sflag:s26], $0x1  }
0xb1: {  	[sflag:s26] =	ssyncadd.s32 $0xFFFFFFFF  }
0xb2: {  	_ =	strace $0x90000057  }
0xb3: {  	_ =	sfence  }
0xb4: {  	s28 =	sld [smem:$0x0];
	_ =	sdelay $0x1  }
0xb5: {  	s29 =	srdreg.scid  }
0xb6: {  	s30 =	sshll.u32 s29, $0xD;
	s31 =	sshrl.u32 s29, $0x2  }
0xb7: {  	s2 =	sand.u32 $0x4000, s30;
	s1 =	sand.u32 $0x1, s29;
	s0 =	sadd.s32 s31, s28  }
0xb8: {  	s1 =	sor.u32 s2, s1;
	s0 =	sshll.u32 s0, $0x11  }
0xb9: {  	s0 =	sor.u32 s0, s1  }
0xba: {  	s0 =	sadd.s32 $0x8F2B, s0  }
0xbb: {  	[sflag:s0] =	ssyncadd.remote.s32 $0x1  }
0xbc: {  	_ =	sfence.sel $0xFFFF  }
0xbd: {  	[dreg:$0x0] =	wrdreg $0xFFFFFFFF;
	(pc) =	sbr.abs _section_cstart, $3  }
0xbe: {  	[dreg:$0x1] =	wrdreg $0xFFFFFFFF  }
0xbf: {  	_ =	task.clear_ibuf [dreg:s5], $0x2FFFF;
	_ =	strace $0x9FFFFFFF  }
0xc0: {  	(tm) =	ssettm $0x7FFFFFFF  }
0xc1: {  	_ =	shalt  }
tec
execute0_lowered:
.L_overlay_start_1:
0x0: {  	(tag) =	ssettag $0x1  }
0x1: {  	s0 =	rddreg [dreg:$0x0];
	_ =	strace $0x80000056;
	s1 =	simm.s32 $0x1  }
0x2: {  	v1 =	vimm.s32 $0xFFFFFFFF;
	[sflag:s1] =	ssyncpa.u1 $0x0  }
0x3: {  	[tilespmem:$0x10] =	vst v1  }
0x4: {  	v0 =	vimm.f32 $0.0e+00;
	s3 =	stileid.u32;
	s2 =	simm.s32 $0x4000;
	[tilespmem:$0x20] =	vst v1  }
0x5: {  	s30 =	simm.s32 $0x2;
	s7 =	simm.s32 $0x7;
	s8 =	simm.s32 $0x8;
	[tilespmem:$0x30] =	vst v0  }
0x6: {  	s31 =	simm.s32 $0x9;
	s16 =	simm.s32 $0x0;
	s17 =	simm.s32 $0xFFFFE000;
	[tilespmem:$0x40] =	vst v0  }
0x7: {  	s18 =	simm.s32 $0xF0;
	s19 =	simm.s32 $0xFFFFFFFF;
	s20 =	simm.s32 $0xFFFFC100;
	[tilespmem:$0x50] =	vst v0  }
0x8: {  	s21 =	simm.s32 $0xFFFFFFFE;
	s22 =	simm.s32 $0xF;
	s29 =	smin.u32 s3, $0x4;
	[tilespmem:$0x60] =	vst v1  }
0x9: {  	s26 =	simm.s32 $0x0;
	p0 =	slt.u32 s3, $0x4;
	[tilespmem:$0x70] =	vst v1;
	s1 =	sadd.s32 s3, s29  }
0xa: {  	s25 =	simm.s32 $0x0;
	[tilespmem:$0x80] =	vst v1;
	s2 =	simm.s32 @!p0 $0x2000;
	s4 =	sshll.u32 s1, $0xD  }
0xb: {  	s6 =	sadd.s32 $0x1B200, s0;
	s11 =	sshll.u32 s3, $0x1;
	v1 =	vimm.s32 $0x0;
	[tilespmem:$0xB0] =	vst v0;
	s2 =	sadd.s32 s2, s4  }
0xc: {  	s14 =	sshllo.u32 s3, $0x1;
	s13 =	sor.u32 $0x81, s11;
	[tilespmem:$0x90] =	vst v1;
	s5 =	smin.u32 s2, $0x28000  }
.Ltmp0:
0xd: {  	[tilespmem:$0xA0] =	vst v1;
	[sflag:s30] =	ssyncpa.u1 $0x0;
	s2 =	ssub.s32 s5, s4;
	(pc) =	sbr.rel .LBB2_1-.Ltmp0, $4  }
0xe: {  	s15 =	sor.u32 $0x80, s11;
	[sflag:s7] =	ssyncpa.u1 $0x0;
	p0 =	sgt.s32 s2, $0x0  }
0xf: {  	s1 =	sadd.s32 $0x7200, s0;
	[sflag:s8] =	ssyncpa.u1 $0x0;
	s2 =	simm.s32 @!p0 $0x0  }
0x10: {  	vm0 =	vmmov $0xffff;
	v2 =	vlaneseq.u32;
	s24 =	smov.u32 s4;
	[sflag:s31] =	ssyncpa.u1 $0x0;
	s9 =	sshrl.u32 s2, $0xD  }
0x11: {  	vm1 =	vmxor vm1, vm1;
	vm2 =	vmmov $0x1;
	vm3 =	vcmask $0x3F3C;
	p0 =	por $0x0, $0x0;
	s10 =	sadd.s32 $0x1, s9;
	s12 =	sadd.s32 $0x2, s9  }
.LBB2_9:
0x12: {  	p1 =	slt.u32 s25, $0x3  }
0x13: {  	s0 =	simm.s32 @!p1 $0x2  }
0x14: {  	_ =	swait.ge @!p1 [sflag:s0], $0x2000  }
0x15: {  	[sflag:s0] =	ssyncset.done @!p1 $0x0  }
0x16: {  	[sflag:s0] =	ssyncadd.s32 @!p1 $0xFFFFE000;
	s0 =	simm.s32 @!p1 $0x9  }
0x17: {  	_ =	swait.ge @!p1 [sflag:s0], $0x10  }
0x18: {  	s2 =	sadd.s32 $0x2000, s24;
	[sflag:s0] =	ssyncset.done @!p1 $0x0  }
0x19: {  	[sflag:s0] =	ssyncadd.s32 @!p1 $0xFFFFFFF0;
	p1 =	slt.s32 s2, s5;
	s0 =	smov.u32 s4  }
0x1a: {  	s0 =	smov.u32 @p1 s2;
	p1 =	sne.s32 s25, s12  }
.Ltmp1:
0x1b: {  	_ = 	snop;
	(pc) =	sbr.rel @!p1 .LBB2_10-.Ltmp1, $4  }
0x1c: {  	s31 =	sadd.s32 $0x1, s25  }
0x1d: {  	s17 =	sadd.s32 $0x2000, s17;
	s18 =	sadd.s32 $0x2000, s18;
	s19 =	sadd.s32 $0x1, s19  }
0x1e: {  	s26 =	smov.u32 s24;
	p0 =	por !p0, !p0;
	s20 =	sadd.s32 $0x2000, s20  }
0x1f: {  	s21 =	sadd.s32 $0x1, s21;
	s25 =	smov.u32 s31;
	s24 =	smov.u32 s0  }
.LBB2_1:
0x20: {  	p1 =	sge.u32 s25, s9  }
0x21: {  	s0 =	smulhi.u32 @!p1 $0xAAAAAAAB, s25;
	_ =	sdelay $0x1  }
0x22: {  	s0 =	sshrl.u32 @!p1 s0, $0x1  }
0x23: {  	s0 =	smul.u32 @!p1 $0x3, s0;
	_ =	sdelay $0x1  }
0x24: {  	s0 =	ssub.s32 @!p1 s25, s0  }
0x25: {  	s2 =	sshrl.u32 @!p1 s24, $0x3;
	s0 =	sshll.u32 @!p1 s0, $0xD  }
0x26: {  	s3 =	sand.u32 @!p1 $0x7, s24;
	s2 =	sadd.s32 @!p1 s6, s2;
	s0 =	sor.u32 @!p1 $0x100, s0  }
0x27: {  	[tilespmem:s0], [sflag:$0x7] =	stream.linear.gather @!p1 [hbm4b:s2+s3], $0x2000, $0x38;
	[tilespmem:$0x12120] =	vst v63  }
0x28: {  	s2 =	sadd.s32 $0xFFFFFFFF, s25  }
0x29: {  	p1 =	sge.u32 s2, s9  }
.Ltmp2:
0x2a: {  	_ = 	snop;
	(pc) =	sbr.rel @p1 .LBB2_5-.Ltmp2, $1  }
0x2b: {  	_ =	sdelay $0x3  }
0x2c: {  	s0 =	smulhi.u32 $0xAAAAAAAB, s2;
	_ =	sdelay $0x1  }
0x2d: {  	s0 =	sshrl.u32 s0, $0x1  }
0x2e: {  	s0 =	smul.u32 $0x3, s0;
	_ =	sdelay $0x1  }
0x2f: {  	s0 =	ssub.s32 s2, s0  }
0x30: {  	_ =	swait.ge [sflag:s7], $0x2000;
	s0 =	sshll.u32 s0, $0xD  }
0x31: {  	[sflag:s7] =	ssyncset.done $0x0;
	s0 =	sor.u32 $0x100, s0  }
0x32: {  	[sflag:s7] =	ssyncadd.s32 $0xFFFFE000;
	(ifvalue) =	ssetifvalue $0xFFFFFFFF;
	v3 =	vld.msk [tilespmem:s0+$0x0 ss:$0x1], $0xffff;
	_ =	sdelay $0x2  }
0x33: {  	s29 =	smulhi.u32 $0xAAAAAAAB, s19;
	p1 =	sne.s32 s25, $0x1  }
0x34: {  	v4 =	vimm.s32 @!p1 $0x0  }
0x35: {  	s0 =	sshrl.u32 s29, $0x1;
	v4 =	vperm.xlane @!p1 v3, v4  }
0x36: {  	s3 =	sshll.u32 s25, $0x4;
	s0 =	smul.u32 $0xFFFE8000, s0;
	vm4 =	vlt.u32 v3, $0x2800  }
0x37: {  	s3 =	sand.u32 $0x10, s3;
	v3 =	vnsel vm4, $0xFFFFFFFE, v3;
	vm4 =	vlt.u32 @!p1 v4, $0x2800  }
0x38: {  	s0 =	sshra.s32 s0, $0x2;
	[tilespmem:s3+$0x60] =	vst v3;
	v3 =	vnsel @!p1 vm4, $0xFFFFFFFE, v4  }
0x39: {  	s28 =	sadd.s32 s0, s18;
	[tilespmem:$0x80] =	vst @!p1 v3  }
0x3a: {  	v3 =	vld.msk [tilespmem:s28+$0x0 ss:$0x1], $0xffff;
	_ =	sdelay $0x4  }
0x3b: {  	(xrf1) =	vunique.msk.u32 $0xffff, v3;
	_ =	sdelay $0xd  }
0x3c: {  	v4 =	vimm.s32 $0xFFFFFFFF;
	v5, _, _ =	vpop (xrf1)  }
0x3d: {  	vm5 =	vne.s32 v3, v4;
	vm4 =	veq.s32 v5, v2  }
0x3e: {  	vm6 =	vlt.u32 v3, $0x2800;
	vm4 =	vmand vm5, vm4  }
0x3f: {  	vm4 =	vmand vm6, vm4  }
0x40: {  	v4 =	vnsel vm4, $0xFFFFFFFF, v3;
	_ =	sdelay $0x2  }
0x41: {  	s30 =	sand.u32 $0x2000, s17  }
0x42: {  	s31 =	sshll.u32 s2, $0xD;
	s0 =	sor.u32 $0x80F0, s30;
	(ifvalue) =	ssetifvalue $0xFFFFFFFF  }
0x43: {  	v3 =	vperm.xlane v3, v1;
	[tilespmem:s0], [sflag:$0x8] =	stream.indirect_vreg.gather [hbm4b:s1+s16], $0x1, v4, vm0, $0x4038;
	v4 =	vnsel vm6, $0xFFFFFFFE, v4;
	[tilespmem:$0x12120] =	vst v63  }
0x44: {  	s2 =	sand.u32 $0x2000, s31;
	s23 =	sadd.s32 $0xFFFFFFF0, s28;
	s3 =	simm.s32 $0x0;
	[tilespmem:s28+$0x0] =	vst v4  }
.LBB2_3:
0x45: {  	v4 =	vld.msk [tilespmem:s23+$0x0 ss:$0x1], $0xffff;
	s3 =	sadd.s32 $0x10, s3;
	v5 =	vmov v3;
	s28 =	smov.u32 s23  }
0x46: {  	p1 =	slt.u32 s3, $0x1FF0;
	_ =	sdelay $0x4  }
0x47: {  	v3 =	vperm.xlane v4, v1;
	(xrf1) =	vunique.msk.u32 $0xffff, v4;
	_ =	sdelay $0xd  }
0x48: {  	v6, _, _ =	vpop (xrf1)  }
0x49: {  	vm5 =	vne.s32 v4, v5;
	vm4 =	veq.s32 v6, v2  }
0x4a: {  	vm6 =	vlt.u32 v4, $0x2800;
	vm4 =	vmand vm5, vm4  }
0x4b: {  	vm4 =	vmand vm6, vm4  }
0x4c: {  	v4 =	vnsel vm4, $0xFFFFFFFF, v4  }
.Ltmp3:
0x4d: {  	v5 =	vnsel vm6, $0xFFFFFFFE, v4;
	(pc) =	sbr.rel @p1 .LBB2_3-.Ltmp3, $3  }
0x4e: {  	_ =	sdelay $0x1  }
0x4f: {  	s23 =	sadd.s32 $0xFFFFFFF0, s23;
	s0 =	sadd.s32 $0xFFFFFFF0, s0;
	(ifvalue) =	ssetifvalue $0xFFFFFFFF  }
0x50: {  	[tilespmem:s0], [sflag:$0x8] =	stream.indirect_vreg.gather [hbm4b:s1+s16], $0x1, v4, vm0, $0x4038;
	[tilespmem:s28+$0x0] =	vst v5  }
0x51: {  	s0 =	sshrl.u32 s26, $0x3;
	s3 =	rddreg [dreg:$0x1]  }
0x52: {  	s2 =	sadd.s32 $0xA100, s2;
	s0 =	sadd.s32 s3, s0  }
0x53: {  	[tilespmem:s2], [sflag:$0x8] =	stream.linear.gather [hbm:s0], $0x2000, $0x38;
	[tilespmem:$0x12120] =	vst v63  }
.LBB2_5:
0x54: {  	p1 =	slt.u32 s25, $0x2  }
0x55: {  	p2 =	sge.u32 @!p1 s25, s12  }
0x56: {  	p1 =	por p1, p2  }
.Ltmp4:
0x57: {  	_ = 	snop;
	(pc) =	sbr.rel @p1 .LBB2_9-.Ltmp4, $1  }
0x58: {  	_ =	sdelay $0x3  }
0x59: {  	s0 =	sadd.s32 $0xFFFFFFFE, s25  }
0x5a: {  	s2 =	smulhi.u32 $0xAAAAAAAB, s0;
	_ =	sdelay $0x1  }
0x5b: {  	s2 =	sshrl.u32 s2, $0x1  }
0x5c: {  	s2 =	smul.u32 $0x3, s2;
	_ =	sdelay $0x1  }
0x5d: {  	_ =	swait.ge [sflag:s8], $0x4000;
	s0 =	ssub.s32 s0, s2  }
0x5e: {  	p1 =	sne.s32 s25, s10;
	[sflag:s8] =	ssyncset.done $0x0;
	s0 =	sshll.u32 s0, $0xD  }
0x5f: {  	[sflag:s8] =	ssyncadd.s32 $0xFFFFC000;
	s2 =	sadd.s32 @!p1 $0x20FF, s0  }
0x60: {  	[spmem:s13] =	stream.linear.scatter @!p1 [tilespmem:s2], [sflag:$0x1], $0x1, $0x38;
	[tilespmem:$0x12120] =	vst v63  }
0x61: {  	s2 =	simm.s32 @!p1 $0x1  }
0x62: {  	_ =	swait.ge @!p1 [sflag:s2], $0x1  }
0x63: {  	s3 =	sshll.u32 s25, $0x4;
	[sflag:s2] =	ssyncset.done @!p1 $0x0  }
0x64: {  	s26 =	sand.u32 $0x10, s3;
	[sflag:s2] =	ssyncadd.s32 @!p1 $0xFFFFFFFF  }
0x65: {  	s2 =	sxor.u32 $0x10, s26;
	v4 =	vld [tilespmem:s26+$0x10]  }
0x66: {  	v5 =	vld [tilespmem:s2+$0x60]  }
0x67: {  	v3 =	vld [tilespmem:$0x80];
	_ =	sdelay $0x2  }
0x68: {  	(v2sf) =	vpush v4, $0x0  }
0x69: {  	(v2sf) =	vpush v5, $0x0  }
0x6a: {  	(v2sf) =	vpush v3, $0x0;
	_ =	sdelay $0xc  }
0x6b: {  	s3 =	spop (v2sf)  }
0x6c: {  	s23 =	spop (v2sf)  }
0x6d: {  	s29 =	spop (v2sf)  }
0x6e: {  	p2 =	seq.s32 s3, s23;
	p3 =	seq.s32 s29, s3  }
0x6f: {  	p3 =	por p2, p3  }
0x70: {  	v4 =	vpsel p3, $0xFFFFFFFF, v4  }
0x71: {  	s23 =	sand.u32 $0x1, s25;
	[tilespmem:s26+$0x10] =	vst.msk $0x1, v4  }
0x72: {  	s30 =	sshll.u32 s23, $0xD;
	v4 =	vld [tilespmem:$0x30]  }
0x73: {  	v5 =	vld [tilespmem:s30+$0xA100]  }
0x74: {  	v6 =	vld [tilespmem:s26+$0x40];
	_ =	sdelay $0x3  }
0x75: {  	vm4 =	vmmov vm1;
	v5 =	vadd.f32 v5, v4  }
0x76: {  	vm5 =	vmmov vm2;
	vm4 =	vmmov @p2 vm2;
	s3 =	sshll.u32 s23, $0x4;
	v4 =	vadd.f32 v6, v4  }
0x77: {  	s28 =	sor.u32 $0x12100, s3;
	vm5 =	vmmov @p3 vm1;
	[tilespmem:s30+$0xA100] =	vst.msk vm4, v5  }
0x78: {  	[tilespmem:s28+$0x0] =	vst.msk vm5, v4  }
0x79: {  	v4 =	vld [tilespmem:s30+$0x80F0];
	_ =	sdelay $0x3  }
0x7a: {  	v5 =	vimm.f32 $0.0e+00  }
0x7b: {  	v4 =	vshift.insert v4, v5, s22  }
0x7c: {  	s23 =	sor.u32 $0x40, s2  }
0x7d: {  	[tilespmem:s23+$0x0] =	vst.msk $0x1, v4  }
0x7e: {  	[tilespmem:s30+$0x80FF] =	vst.msk $0x1, v5  }
0x7f: {  	v4 =	vld [tilespmem:s0+$0x20F0];
	_ =	sdelay $0x1  }
0x80: {  	s23 =	smulhi.u32 $0xAAAAAAAB, s21;
	_ =	sdelay $0x1  }
0x81: {  	s3 =	simm.s32 $0x1;
	s0 =	sshrl.u32 s23, $0x1  }
0x82: {  	s3 =	simm.s32 @!p0 $0x0;
	s0 =	smul.u32 $0xFFFE8000, s0;
	v4 =	vshift.insert v4, v1, s22  }
0x83: {  	s3 =	sshll.u32 s3, $0xD  }
0x84: {  	s31 =	sadd.s32 $0xA100, s3;
	s0 =	sshra.s32 s0, $0x2;
	[tilespmem:s2+$0x10] =	vst.msk $0x1, v4  }
0x85: {  	s23 =	sadd.s32 s0, s20;
	v6 =	vld [tilespmem:s31+$0x0]  }
0x86: {  	v7 =	vld [tilespmem:s23+$0x0];
	_ =	sdelay $0x3  }
0x87: {  	v5 =	vadd.f32 v6, v5  }
0x88: {  	vm4 =	vne.s32 v7, $0xFFFFFFFF  }
0x89: {  	(xrf2) =	vadd.seg.scan.f32 vm4, v5;
	_ =	sdelay $0x3  }
0x8a: {  	s0 =	sadd.s32 $0x6100, s3;
	v5 =	vperm.xlane v4, v1  }
0x8b: {  	v6 =	vld [tilespmem:s0+$0x0]  }
0x8c: {  	vm5 =	veq.s32 v7, v3;
	vm6 =	veq.s32 v7, v5  }
0x8d: {  	vm7 =	vgt.u32 v7, $0xFFFFFFFD;
	vm6 =	vmor vm6, vm5  }
0x8e: {  	vm6 =	vmor vm6, vm7  }
0x8f: {  	v9 =	vld [tilespmem:$0xA0];
	v7 =	vsel vm6, $0xFFFFFFFF, v7  }
0x90: {  	v10 =	vld [tilespmem:$0x90];
	v6 =	vsel vm5, $0x0, v6;
	v8, _, _ =	vpop (xrf2)  }
0x91: {  	v6 =	vadd.f32 v8, v6  }
0x92: {  	s2 =	sadd.s32 $0xE100, s3  }
0x93: {  	vm4 =	vmand vm4, vm3;
	[tilespmem:s2+$0x0] =	vst v6;
	(ifvalue) =	ssetifvalue $0xFFFFFFFF  }
0x94: {  	vm6 =	veq.s32 v9, $0x1;
	[hbm4b:s1+s16] =	stream.indirect_vreg.scatter [tilespmem:s2], [sflag:$0x2], $0x1, v7, vm0, $0x4038;
	v7 =	vsel vm4, $0x0, v8;
	[tilespmem:$0x12120] =	vst v63  }
0x95: {  	s3 =	simm.s32 $0x0;
	s23 =	sadd.s32 $0x10, s23;
	vm4 =	vmor vm6, vm5;
	v6 =	vsel vm5, v8, v10;
	v7 =	vshift.insert v7, v0, s22  }
.LBB2_7:
0x96: {  	v8 =	vld [tilespmem:s23+$0x0];
	s31 =	sadd.s32 $0x10, s31  }
0x97: {  	s0 =	sadd.s32 $0x10, s0;
	v9 =	vld [tilespmem:s31+$0x0]  }
0x98: {  	s3 =	sadd.s32 $0x10, s3;
	v10 =	vld [tilespmem:s0+$0x0]  }
0x99: {  	p2 =	slt.u32 s3, $0x1FF0;
	_ =	sdelay $0x2  }
0x9a: {  	v7 =	vadd.f32 v9, v7  }
0x9b: {  	vm5 =	vne.s32 v8, $0xFFFFFFFF  }
0x9c: {  	vm6 =	vmand vm5, vm3;
	(xrf2) =	vadd.seg.scan.f32 vm5, v7;
	_ =	sdelay $0x5  }
0x9d: {  	vm7 =	veq.s32 v8, v5;
	vm5 =	veq.s32 v8, v3  }
0x9e: {  	vm8 =	vgt.u32 v8, $0xFFFFFFFD;
	vm4 =	vmor vm4, vm5;
	vm7 =	vmor vm7, vm5  }
0x9f: {  	vm7 =	vmor vm7, vm8  }
0xa0: {  	v8 =	vsel vm7, $0xFFFFFFFF, v8  }
.Ltmp5:
0xa1: {  	v7 =	vsel vm5, $0x0, v10;
	v9, _, _ =	vpop (xrf2);
	(pc) =	sbr.rel @p2 .LBB2_7-.Ltmp5, $4  }
0xa2: {  	v6 =	vsel vm5, v9, v6;
	v10 =	vadd.f32 v9, v7;
	v7 =	vsel vm6, $0x0, v9  }
0xa3: {  	s2 =	sadd.s32 $0x10, s2;
	v7 =	vshift.insert v7, v0, s22  }
0xa4: {  	s23 =	sadd.s32 $0x10, s23;
	[tilespmem:s2+$0x0] =	vst v10;
	(ifvalue) =	ssetifvalue $0xFFFFFFFF  }
0xa5: {  	[hbm4b:s1+s16] =	stream.indirect_vreg.scatter [tilespmem:s2], [sflag:$0x2], $0x1, v8, vm0, $0x4038;
	[tilespmem:$0x12120] =	vst v63  }
0xa6: {  	v3 =	vld [tilespmem:s30+$0x100F0];
	_ =	sdelay $0x4  }
0xa7: {  	v3 =	vshift.insert v3, v0, s22  }
0xa8: {  	s0 =	simm.s32 $0x30  }
0xa9: {  	[tilespmem:s0+$0x0] =	vst.msk $0x1, v3  }
0xaa: {  	v3 =	vsel vm4, $0x1, v1;
	[tilespmem:$0x90] =	vst v6  }
0xab: {  	s0 =	sadd.s32 @!p1 $0x100FF, s30;
	[tilespmem:$0xA0] =	vst v3  }
0xac: {  	[spmem:s14] =	stream.linear.scatter @!p1 [tilespmem:s0], [sflag:$0x1], $0x1, $0x38;
	[tilespmem:$0x12120] =	vst v63  }
0xad: {  	s0 =	simm.s32 @!p1 $0x1  }
0xae: {  	v3 =	vmctz.xlane @!p1 vm4;
	_ =	swait.ge @!p1 [sflag:s0], $0x1  }
0xaf: {  	(v2sf) =	vpush @!p1 v4, $0x0  }
0xb0: {  	(v2sf) =	vpush @!p1 v3, $0x0;
	_ =	sdelay $0xd  }
0xb1: {  	s2 =	spop @!p1 (v2sf)  }
0xb2: {  	s3 =	spop @!p1 (v2sf)  }
0xb3: {  	p2 =	sne.s32 @!p1 s29, s2;
	p3 =	slt.s32 @!p1 s3, $0xF  }
0xb4: {  	[sflag:s0] =	ssyncset.done @!p1 $0x0;
	p2 =	por p2, p1;
	p3 =	por !p3, p1  }
0xb5: {  	[sflag:s0] =	ssyncadd.s32 @!p1 $0xFFFFFFFF;
	v3 =	vimm.s32 @!p2 $0xFFFFFFFF;
	s3 =	simm.s32 @p3 $0xF  }
0xb6: {  	[tilespmem:$0x80] =	vst @!p2 v3;
	s2 =	sadd.s32 @!p1 $0x90, s3  }
0xb7: {  	[spmem:s11] =	stream.linear.scatter @!p1 [tilespmem:s2], [sflag:$0x1], $0x1, $0x38;
	[tilespmem:$0x12120] =	vst v63  }
0xb8: {  	_ =	swait.ge @!p1 [sflag:s0], $0x1  }
0xb9: {  	[sflag:s0] =	ssyncset.done @!p1 $0x0  }
0xba: {  	s2 =	simm.s32 @!p1 $0x80;
	[sflag:s0] =	ssyncadd.s32 @!p1 $0xFFFFFFFF  }
0xbb: {  	[spmem:s15] =	stream.linear.scatter @!p1 [tilespmem:s2], [sflag:$0x1], $0x1, $0x38;
	[tilespmem:$0x12120] =	vst v63  }
0xbc: {  	_ =	swait.ge @!p1 [sflag:s0], $0x1  }
0xbd: {  	[sflag:s0] =	ssyncset.done @!p1 $0x0  }
0xbe: {  	[sflag:s0] =	ssyncadd.s32 @!p1 $0xFFFFFFFF;
	(ifvalue) =	ssetifvalue $0xFFFFFFFF;
	v3 =	vld [tilespmem:s26+$0x10];
	_ =	sdelay $0x3  }
.Ltmp6:
0xbf: {  	_ = 	snop;
	(pc) =	sbr.rel .LBB2_9-.Ltmp6, $3  }
0xc0: {  	_ =	sdelay $0x1  }
0xc1: {  	(ifvalue) =	ssetifvalue $0xFFFFFFFF  }
0xc2: {  	[hbm4b:s1+s16] =	stream.indirect_vreg.scatter [tilespmem:s28], [sflag:$0x9], $0x1, v3, vm0, $0x4038;
	[tilespmem:$0x12120] =	vst v63  }
.LBB2_10:
0xc3: {  	_ =	sfence.sel $0x180000  }
0xc4: {  	s0 =	simm.s32 $0x7;
	[bflag:$0x0] =	sbarrier.arrive $0xFFFF  }
0xc5: {  	s26 =	simm.s32 $0x8;
	[sflag:s0] =	ssyncpa.u1 $0x1  }
0xc6: {  	s28 =	simm.s32 $0x9;
	[sflag:s26] =	ssyncpa.u1 $0x1  }
0xc7: {  	[sflag:s28] =	ssyncpa.u1 $0x1  }
0xc8: {  	_ =	sfence.stream.spmem  }
0xc9: {  	s29 =	simm.s32 $0x3;
	[bflag:$0x0] =	sbarrier.arrive $0xFFFF  }
0xca: {  	s30 =	simm.s32 $0x4;
	[sflag:s29] =	ssyncpa.u1 $0x1  }
0xcb: {  	s31 =	simm.s32 $0x3C;
	s2 =	stileid.u32;
	[sflag:s30] =	ssyncpa.u1 $0x1  }
0xcc: {  	p0 =	sne.s32 s2, $0x0;
	[sflag:s31] =	ssyncpa.u1 $0x1  }
0xcd: {  	s0 =	simm.s32 @p0 $0x1;
	_ =	sfence @p0  }
0xce: {  	[sflag:s0] =	ssyncpa.u1 @p0 $0x1;
	s0 =	simm.s32 @p0 $0x2  }
0xcf: {  	[sflag:s0] =	ssyncpa.u1 @p0 $0x1  }
0xd0: {  	_ =	strace @p0 $0x90000056  }
0xd1: {  	[bflag:$0x2] =	sbarrier.arrive @p0 $0xFFFF  }
0xd2: {  	_ =	shalt @p0  }
.LBB2_11:
0xd3: {  	_ =	sfence.stream.spmem;
	s0 =	simm.s32 $0x5  }
0xd4: {  	s2 =	simm.s32 $0x80;
	s3 =	simm.s32 $0xC0;
	[sflag:s0] =	ssyncpa.u1 $0x0  }
0xd5: {  	[tilespmem:s3], [sflag:$0x5] =	stream.linear.gather [spmem:s2], $0x20, $0x38;
	[tilespmem:$0x12120] =	vst v63  }
0xd6: {  	s2 =	simm.s32 $0x0;
	s3 =	simm.s32 $0xE0  }
0xd7: {  	[tilespmem:s3], [sflag:$0x5] =	stream.linear.gather [spmem:s2], $0x20, $0x38;
	[tilespmem:$0x12120] =	vst v63  }
.Ltmp7:
0xd8: {  	_ = 	snop;
	(pc) =	sbr.rel .LBB2_12-.Ltmp7, $4  }
0xd9: {  	_ =	swait.ge [sflag:s0], $0x40  }
0xda: {  	[sflag:s0] =	ssyncset.done $0x0  }
0xdb: {  	s31 =	simm.s32 $0x6;
	[sflag:s0] =	ssyncadd.s32 $0xFFFFFFC0  }
0xdc: {  	s4 =	simm.s32 $0x0;
	[sflag:s31] =	ssyncpa.u1 $0x0  }
.LBB2_17:
0xdd: {  	p0 =	sgt.u32 s0, $0x27FF  }
0xde: {  	s5 =	sshrl.u32 @!p0 s0, $0x3  }
0xdf: {  	s0 =	sand.u32 @!p0 $0x7, s0;
	s6 =	simm.s32 @!p0 $0xB0;
	s5 =	sadd.s32 @!p0 s1, s5  }
0xe0: {  	[tilespmem:s6], [sflag:$0x6] =	stream.linear.gather @!p0 [hbm4b:s5+s0], $0x1, $0x38;
	[tilespmem:$0x12120] =	vst v63  }
0xe1: {  	s0 =	simm.s32 @!p0 $0x6  }
0xe2: {  	_ =	swait.ge @!p0 [sflag:s0], $0x1  }
0xe3: {  	[sflag:s0] =	ssyncset.done @!p0 $0x0  }
0xe4: {  	[sflag:s0] =	ssyncadd.s32 @!p0 $0xFFFFFFFF  }
0xe5: {  	v2 =	vmov @!p0 s4;
	v1 =	vld.msk @!p0 [tilespmem:$0xB0], $0x1;
	_ =	sdelay $0x3  }
0xe6: {  	s0 =	simm.s32 @!p0 $0xE0  }
0xe7: {  	[tilespmem:v2+s0+$0x0], v1 =	vst.idx.ret.add.f32.msk @!p0 $0x1, v1  }
0xe8: {  	[tilespmem:s2+$0xC0] =	vst.msk $0x1, v0  }
0xe9: {  	v0 =	vld.msk [tilespmem:s4+$0xE0], $0x1;
	_ =	sdelay $0x4  }
0xea: {  	[tilespmem:s2+$0xE0] =	vst.msk $0x1, v0;
	s2 =	sadd.s32 $0x1, s2  }
.LBB2_19:
0xeb: {  	s4 =	sadd.s32 $0x1, s4  }
0xec: {  	p0 =	sne.s32 s4, $0x20  }
.Ltmp8:
0xed: {  	_ = 	snop;
	(pc) =	sbr.rel @!p0 .LBB2_20-.Ltmp8, $1  }
0xee: {  	_ =	sdelay $0x3  }
.LBB2_12:
0xef: {  	v0 =	vld.msk [tilespmem:s4+$0xC0], $0x1;
	_ =	sdelay $0x4  }
0xf0: {  	(v2sf) =	vpush v0, $0x0;
	_ =	sdelay $0xe  }
0xf1: {  	s0 =	spop (v2sf)  }
0xf2: {  	p0 =	seq.s32 s0, $0xFFFFFFFF  }
.Ltmp9:
0xf3: {  	_ = 	snop;
	(pc) =	sbr.rel @p0 .LBB2_19-.Ltmp9, $1  }
0xf4: {  	_ =	sdelay $0x3  }
0xf5: {  	p0 =	slt.s32 s2, $0x1  }
.Ltmp10:
0xf6: {  	_ = 	snop;
	(pc) =	sbr.rel @p0 .LBB2_17-.Ltmp10, $1  }
0xf7: {  	_ =	sdelay $0x3  }
0xf8: {  	s5 =	simm.s32 $0xC0;
	p0 =	por $0x0, $0x0  }
0xf9: {  	v1 =	vld.msk @!p0 [tilespmem:s5+$0x0], $0x1;
	_ =	sdelay $0x4  }
0xfa: {  	(v2sf) =	vpush @!p0 v1, $0x0;
	_ =	sdelay $0xd  }
0xfb: {  	p2 =	sne.s32 s2, $0x1  }
.Ltmp11:
0xfc: {  	s6 =	spop @!p0 (v2sf);
	(pc) =	sbr.rel @!p2 .LBB2_16-.Ltmp11, $4  }
0xfd: {  	p1 =	seq.s32 @!p0 s0, s6  }
0xfe: {  	s6 =	simm.s32 $0x0;
	p1 =	por !p1, p0  }
0xff: {  	s8 =	simm.s32 $0xFFFFFFFF;
	s6 =	simm.s32 @p1 $0xFFFFFFFF  }
0x100: {  	s7 =	simm.s32 $0x1;
	s6 =	smov.u32 @p0 s8  }
.LBB2_15:
0x101: {  	s8 =	smov.u32 s6;
	p0 =	sne.s32 s6, $0xFFFFFFFF  }
0x102: {  	s5 =	sadd.s32 $0x1, s5;
	s6 =	smov.u32 s7;
	s7 =	sadd.s32 $0x1, s7  }
0x103: {  	p1 =	sne.s32 s2, s7;
	v1 =	vld.msk @!p0 [tilespmem:s5+$0x0], $0x1;
	_ =	sdelay $0x4  }
0x104: {  	(v2sf) =	vpush @!p0 v1, $0x0;
	_ =	sdelay $0xe  }
.Ltmp12:
0x105: {  	s9 =	spop @!p0 (v2sf);
	(pc) =	sbr.rel @p1 .LBB2_15-.Ltmp12, $4  }
0x106: {  	p2 =	seq.s32 @!p0 s0, s9  }
0x107: {  	p2 =	por !p2, p0  }
0x108: {  	s6 =	simm.s32 @p2 $0xFFFFFFFF  }
0x109: {  	s6 =	smov.u32 @p0 s8  }
.LBB2_16:
0x10a: {  	p0 =	sne.s32 s6, $0xFFFFFFFF  }
.Ltmp13:
0x10b: {  	_ = 	snop;
	(pc) =	sbr.rel @!p0 .LBB2_17-.Ltmp13, $1  }
0x10c: {  	_ =	sdelay $0x3  }
0x10d: {  	v0 =	vld.msk [tilespmem:s4+$0xE0], $0x1;
	v1 =	vmov s6  }
.Ltmp14:
0x10e: {  	_ = 	snop;
	(pc) =	sbr.rel .LBB2_19-.Ltmp14, $2  }
0x10f: {  	_ =	sdelay $0x2  }
0x110: {  	[tilespmem:v1+s3+$0x0], v0 =	vst.idx.ret.add.f32.msk $0x1, v0  }
.LBB2_20:
0x111: {  	p0 =	slt.s32 s2, $0x1  }
.Ltmp15:
0x112: {  	_ = 	snop;
	(pc) =	sbr.rel @p0 .LBB2_24-.Ltmp15, $3  }
0x113: {  	_ =	sdelay $0x1  }
0x114: {  	s0 =	simm.s32 $0x6  }
0x115: {  	[sflag:s0] =	ssyncpa.u1 $0x1;
	s0 =	simm.s32 $0x0  }
0x116: {  	s3 =	simm.s32 $0xC0  }
0x117: {  	v0 =	vld.msk [tilespmem:s3+$0x0], $0x1;
	_ =	sdelay $0x4  }
0x118: {  	(v2sf) =	vpush v0, $0x0;
	_ =	sdelay $0xe  }
0x119: {  	s2 =	sadd.s32 $0xFFFFFFFF, s2;
	s4 =	spop (v2sf)  }
0x11a: {  	p1 =	sne.s32 s2, $0x0;
	p0 =	sgt.u32 s4, $0x27FF  }
.Ltmp16:
0x11b: {  	s5 =	sshrl.u32 @!p0 s4, $0x3;
	(pc) =	sbr.rel @!p1 .LBB2_23-.Ltmp16, $4  }
0x11c: {  	s3 =	simm.s32 $0xE0;
	s4 =	sand.u32 @!p0 $0x7, s4;
	s5 =	sadd.s32 @!p0 s1, s5  }
0x11d: {  	[hbm4b:s5+s4] =	stream.linear.scatter @!p0 [tilespmem:s3], [sflag:$0x5], $0x1, $0x38;
	[tilespmem:$0x12120] =	vst v63  }
0x11e: {  	s5 =	simm.s32 $0x0  }
0x11f: {  	s4 =	simm.s32 $0xC1;
	s5 =	simm.s32 @!p0 $0x4  }
.LBB2_22:
0x120: {  	v0 =	vld.msk [tilespmem:s4+$0x0], $0x1;
	s2 =	sadd.s32 $0xFFFFFFFF, s2;
	s0 =	sadd.s32 s0, s5  }
0x121: {  	p0 =	sne.s32 s2, $0x0;
	_ =	sdelay $0x3  }
0x122: {  	(v2sf) =	vpush v0, $0x0;
	_ =	sdelay $0xe  }
.Ltmp17:
0x123: {  	s6 =	spop (v2sf);
	(pc) =	sbr.rel @p0 .LBB2_22-.Ltmp17, $4  }
0x124: {  	s5 =	simm.s32 $0x0;
	p1 =	sgt.u32 s6, $0x27FF  }
0x125: {  	s3 =	sadd.s32 $0x1, s3;
	s5 =	simm.s32 @!p1 $0x4;
	s7 =	sshrl.u32 @!p1 s6, $0x3  }
0x126: {  	s4 =	sadd.s32 $0x1, s4;
	s6 =	sand.u32 @!p1 $0x7, s6;
	s7 =	sadd.s32 @!p1 s1, s7  }
0x127: {  	[hbm4b:s7+s6] =	stream.linear.scatter @!p1 [tilespmem:s3], [sflag:$0x5], $0x1, $0x38;
	[tilespmem:$0x12120] =	vst v63  }
.LBB2_23:
0x128: {  	s0 =	sadd.s32 s0, s5  }
0x129: {  	s0 =	sshrl.u32 s0, $0x2  }
.LBB2_24:
0x12a: {  	s1 =	simm.s32 $0x5  }
0x12b: {  	_ =	swait.ge [sflag:s1], s0  }
0x12c: {  	s28 =	ssub.s32 $0x0, s0;
	[sflag:s1] =	ssyncset.done $0x0  }
0x12d: {  	[sflag:s1] =	ssyncadd.s32 s28  }
0x12e: {  	[sflag:s1] =	ssyncpa.u1 $0x1  }
0x12f: {  	s29 =	simm.s32 $0x1;
	_ =	sfence  }
0x130: {  	s30 =	simm.s32 $0x2;
	[sflag:s29] =	ssyncpa.u1 $0x1  }
0x131: {  	[sflag:s30] =	ssyncpa.u1 $0x1  }
0x132: {  	_ =	strace $0x90000056  }
0x133: {  	[bflag:$0x2] =	sbarrier.arrive $0xFFFF  }
0x134: {  	s31 =	rddreg [dreg:$0x2]  }
0x135: {  	s0 =	sadd.s32 $0x100000, s31  }
0x136: {  	[sflag:s0] =	ssyncadd.tile.s32 $0x1;
	_ =	shalt  }
.Lfunc_end2:
_tile_overlayer_lowered:
.L_overlay_start_2:
0x137: {  	(tag) =	ssettag $0x2  }
0x138: {  	s0 =	rddreg [dreg:$0x0];
	s2 =	stileid.u32  }
0x139: {  	s1 =	rddreg [dreg:$0x1];
	p0 =	sne.s32 s2, $0x0  }
0x13a: {  	s3 =	rddreg [dreg:$0x2];
	[bflag:$0x3] =	sbarrier.arrive $0xFFFF;
	s2 =	simm.s32 @!p0 $0x1C01  }
0x13b: {  	[timem:s3], [sflag:s2] =	dma.local @!p0 [hbm:s0], s1  }
0x13c: {  	s0 =	simm.s32 @!p0 $0x1  }
0x13d: {  	_ =	swait.ge @!p0 [sflag:s0], s1  }
0x13e: {  	s1 =	ssub.s32 @!p0 $0x0, s1;
	[sflag:s0] =	ssyncset.done @!p0 $0x0  }
0x13f: {  	[sflag:s0] =	ssyncadd.s32 @!p0 s1  }
0x140: {  	[bflag:$0x3] =	sbarrier.arrive $0xFFFF  }
0x141: {  	_ =	shalt  }

// kernel: scatter_offload_async_start
scs
__scs_entry_jumppad:
0x0: {  	(pc) =	sbr.rel $0x88, $3  }
0x1: {  	(tag) =	ssettag $0x0;
	lr =	simm.s32 $0x1  }
0x2: {  	[smem:$0x3F98] =	sst lr;
	_ =	strace $0xD0000000  }
0x3: {  	_ = 	snop  }
0x4: {  	_ = 	snop  }
0x5: {  	_ = 	snop  }
0x6: {  	_ = 	snop  }
0x7: {  	_ = 	snop  }
__scs_overlays_trampoline_lowered:
0x8: {  	[smem:$0x3FA7] =	sst s0  }
0x9: {  	[smem:$0x3FA8] =	sst s1  }
0xa: {  	[smem:$0x3FA9] =	sst s2  }
0xb: {  	[smem:$0x3FAA] =	sst s3  }
0xc: {  	[smem:$0x3FAB] =	sst s4  }
0xd: {  	[smem:$0x3FAC] =	sst s5  }
0xe: {  	[smem:$0x3FAD] =	sst s6  }
0xf: {  	[smem:$0x3FAE] =	sst s7  }
0x10: {  	[smem:$0x3FAF] =	sst s8  }
0x11: {  	[smem:$0x3FB0] =	sst s9;
	s0 =	simm.s32 @!p0 $0x0  }
0x12: {  	s1 =	sld [smem:$0x3F96];
	s0 =	simm.s32 @p0 $0x1  }
0x13: {  	[smem:$0x3FB1] =	sst s0;
	s0 =	simm.s32 @!p1 $0x0  }
0x14: {  	s2 =	sld [smem:$0x3F95];
	s0 =	simm.s32 @p1 $0x1  }
0x15: {  	[smem:$0x3FB2] =	sst s0;
	s0 =	simm.s32 @!p2 $0x0  }
0x16: {  	s3 =	sld [smem:$0x3FDB];
	s0 =	simm.s32 @p2 $0x1  }
0x17: {  	s4 =	simm.s32 $0x1BF5;
	[smem:$0x3FB4] =	sst s0  }
0x18: {  	s0 =	sld [smem:$0x3F97];
	_ =	swait.ge [sflag:s4], $0x0  }
0x19: {  	s7 =	sld [smem:$0x3F98]  }
0x1a: {  	s8 =	sadd.s32 $0xFFFFE003, lr  }
0x1b: {  	s9 =	sadd.s32 $0xFFFFFEF7, lr;
	s5 =	simm.s32 $0xFFFFFFFF;
	p2 =	slt.u32 s8, $0xFFFFF086  }
0x1c: {  	p1 =	slt.u32 s9, $0xF7A;
	s5 =	simm.s32 @!p2 $0x0  }
0x1d: {  	s5 =	simm.s32 @p1 $0x1;
	p0 =	seq.s32 s7, s2  }
0x1e: {  	s7 =	smul.u32 @!p0 $0xF7A, s2;
	p2 =	seq.s32 @!p0 s5, $0x0  }
0x1f: {  	s9 =	smul.u32 $0xF7A, s1;
	s8 =	simm.s32 @!p0 $0x1BF5;
	p2 =	por !p2, p0  }
0x20: {  	[sflag:s8] =	ssyncset.s32 @!p0 $0xFFFFF086;
	s6 =	sadd.s32 @!p0 s3, s7;
	s7 =	simm.s32 @!p0 $0x108  }
0x21: {  	s3 =	sadd.s32 s3, s9;
	s6 =	sadd.s32 @!p0 $0x88, s6;
	s7 =	simm.s32 @p2 $0x1082  }
0x22: {  	[simem:s7], [sflag:s8] =	dma.local @!p0 [hbm:s6], $0xF7A  }
0x23: {  	s9 =	sor.u32 $0xD0000000, s2;
	s6 =	simm.s32 $0x108;
	_ =	swait.ge @!p0 [sflag:s8], $0x0  }
0x24: {  	s3 =	sadd.s32 $0x88, s3;
	s6 =	simm.s32 @!p1 $0x1082;
	[sflag:s4] =	ssyncset.s32 $0xFFFFF086  }
0x25: {  	[simem:s6], [sflag:s4] =	dma.local [hbm:s3], $0xF7A  }
0x26: {  	[smem:$0x3F98] =	sst s1;
	(tag) =	ssettag s2;
	_ =	strace s9  }
0x27: {  	s1 =	sld [smem:$0x3FA8]  }
0x28: {  	s2 =	sld [smem:$0x3FA9]  }
0x29: {  	s4 =	sld [smem:$0x3FAB]  }
0x2a: {  	p0 =	seq.s32 s5, $0x0;
	s5 =	sld [smem:$0x3FAC]  }
0x2b: {  	s6 =	sld [smem:$0x3FAD]  }
0x2c: {  	s7 =	sld [smem:$0x3FAE]  }
0x2d: {  	s3 =	simm.s32 $0x108;
	s8 =	sld [smem:$0x3FAF]  }
0x2e: {  	s3 =	simm.s32 @!p0 $0x1082;
	s9 =	sld [smem:$0x3FB0]  }
0x2f: {  	lr =	sadd.s32 s0, s3;
	s0 =	sld [smem:$0x3FA7]  }
0x30: {  	s3 =	sld [smem:$0x3FAA]  }
0x31: {  	[smem:$0x3FB3] =	sst s10  }
0x32: {  	s10 =	sld [smem:$0x3FB1];
	_ =	sdelay $0x3  }
0x33: {  	p0 =	seq.s32 s10, $0x1;
	s10 =	sld [smem:$0x3FB3];
	_ =	sdelay $0x3  }
0x34: {  	[smem:$0x3FB3] =	sst s10  }
0x35: {  	s10 =	sld [smem:$0x3FB2];
	_ =	sdelay $0x3  }
0x36: {  	p1 =	seq.s32 s10, $0x1;
	s10 =	sld [smem:$0x3FB3];
	_ =	sdelay $0x3  }
0x37: {  	[smem:$0x3FB3] =	sst s10  }
0x38: {  	s10 =	sld [smem:$0x3FB4]  }
0x39: {  	_ = 	snop;
	(pc) =	sbr.ind lr, $3  }
0x3a: {  	_ = 	snop  }
0x3b: {  	_ = 	snop  }
0x3c: {  	p2 =	seq.s32 s10, $0x1;
	s10 =	sld [smem:$0x3FB3]  }
0x3d: {  	_ =	shalt  }
0x3e: {  	_ =	shalt  }
0x3f: {  	_ =	shalt  }
0x40: {  	_ =	shalt  }
0x41: {  	_ =	shalt  }
0x42: {  	_ =	shalt  }
0x43: {  	_ =	shalt  }
0x44: {  	_ =	shalt  }
0x45: {  	_ =	shalt  }
0x46: {  	_ =	shalt  }
0x47: {  	_ =	shalt  }
0x48: {  	_ =	shalt  }
0x49: {  	_ =	shalt  }
0x4a: {  	_ =	shalt  }
0x4b: {  	_ =	shalt  }
0x4c: {  	_ =	shalt  }
0x4d: {  	_ =	shalt  }
0x4e: {  	_ =	shalt  }
0x4f: {  	_ =	shalt  }
0x50: {  	_ =	shalt  }
0x51: {  	_ =	shalt  }
0x52: {  	_ =	shalt  }
0x53: {  	_ =	shalt  }
0x54: {  	_ =	shalt  }
0x55: {  	_ =	shalt  }
0x56: {  	_ =	shalt  }
0x57: {  	_ =	shalt  }
0x58: {  	_ =	shalt  }
0x59: {  	_ =	shalt  }
0x5a: {  	_ =	shalt  }
0x5b: {  	_ =	shalt  }
0x5c: {  	_ =	shalt  }
0x5d: {  	_ =	shalt  }
0x5e: {  	_ =	shalt  }
0x5f: {  	_ =	shalt  }
0x60: {  	_ =	shalt  }
0x61: {  	_ =	shalt  }
0x62: {  	_ =	shalt  }
0x63: {  	_ =	shalt  }
0x64: {  	_ =	shalt  }
0x65: {  	_ =	shalt  }
0x66: {  	_ =	shalt  }
0x67: {  	_ =	shalt  }
0x68: {  	_ =	shalt  }
0x69: {  	_ =	shalt  }
0x6a: {  	_ =	shalt  }
0x6b: {  	_ =	shalt  }
0x6c: {  	_ =	shalt  }
0x6d: {  	_ =	shalt  }
0x6e: {  	_ =	shalt  }
0x6f: {  	_ =	shalt  }
0x70: {  	_ =	shalt  }
0x71: {  	_ =	shalt  }
0x72: {  	_ =	shalt  }
0x73: {  	_ =	shalt  }
0x74: {  	_ =	shalt  }
0x75: {  	_ =	shalt  }
0x76: {  	_ =	shalt  }
0x77: {  	_ =	shalt  }
0x78: {  	_ =	shalt  }
0x79: {  	_ =	shalt  }
0x7a: {  	_ =	shalt  }
0x7b: {  	_ =	shalt  }
0x7c: {  	_ =	shalt  }
0x7d: {  	_ =	shalt  }
0x7e: {  	_ =	shalt  }
0x7f: {  	_ =	shalt  }
0x80: {  	_ =	shalt  }
0x81: {  	_ =	shalt  }
0x82: {  	_ =	shalt  }
0x83: {  	_ =	shalt  }
0x84: {  	_ =	shalt  }
0x85: {  	_ =	shalt  }
0x86: {  	_ =	shalt  }
0x87: {  	_ =	shalt  }
.Lfunc_end0:
.L_simem_size_0:
called_computation_lowered:
.L_overlay_start_0:
0x88: {  	s0 =	sld [smem:$0x3FD9]  }
0x89: {  	s1 =	sld [smem:$0x3FFE];
	_ =	sdelay $0x3  }
0x8a: {  	s0 =	sadd.s32 s1, s0  }
0x8b: {  	[smem:$0x3FBF] =	sst s0  }
0x8c: {  	_ = 	snop  }
0x8d: {  	s14 =	sld [smem:$0x3FD0];
	(tm) =	ssettm $0x1  }
0x8e: {  	s15 =	sld [smem:$0x3FFB];
	_ =	sdelay $0x3  }
0x8f: {  	_ =	strace s15  }
0x90: {  	s0 =	sld [smem:$0x3FFC];
	_ =	sdelay $0x3  }
0x91: {  	_ =	strace s0  }
0x92: {  	s0 =	sld [smem:$0x3FFD];
	_ =	sdelay $0x3  }
0x93: {  	_ =	strace s0  }
0x94: {  	_ =	strace $0x8FFFFFFF  }
0x95: {  	s16 =	sld [smem:$0x3FDB];
	_ =	sdelay $0x1  }
0x96: {  	s2 =	simm.s32 $_scs_section_size  }
0x97: {  	s3 =	simm.s32 $_size__tile_overlayer_lowered;
	s4 =	simm.s32 $_tile_overlayer_lowered  }
0x98: {  	s5 =	simm.s32 $0x1BFF;
	s17 =	sshll.u32 s4, $0x1;
	s2 =	sadd.s32 s2, s16  }
0x99: {  	s18 =	simm.s32 $0x0;
	s3 =	sshll.u32 s3, $0x1;
	s4 =	sadd.s32 s17, s2  }
0x9a: {  	[timem:s18], [sflag:s5] =	dma.local [hbm:s4], s3  }
0x9b: {  	_ =	swait.ge [sflag:s5], s3  }
0x9c: {  	s3 =	ssub.s32 $0x0, s3;
	[sflag:s5] =	ssyncset.done $0x0  }
0x9d: {  	[sflag:s5] =	ssyncadd.s32 s3;
	_ =	sdelay $0x1  }
0x9e: {  	s19 =	simm.s32 $0x1B8B  }
0x9f: {  	_ =	swait.ge [sflag:s19], $0x1  }
0xa0: {  	[sflag:s19] =	ssyncset.done $0x0  }
0xa1: {  	s21 =	simm.s32 $0x1B8E;
	s20 =	sld [smem:$0x3FFE];
	[sflag:s19] =	ssyncadd.s32 $0xFFFFFFFF  }
0xa2: {  	s22 =	simm.s32 $execute0_lowered;
	[smem:$0x3FD2] =	sst s21  }
0xa3: {  	s4 =	sshll.u32 s22, $0x1;
	_ =	strace $0x80000049;
	[dreg:$0x1] =	wrdreg $0xFFFFFFFF  }
0xa4: {  	s23 =	simm.s32 $_size_execute0_lowered;
	s4 =	sadd.s32 s2, s4;
	[dreg:$0x0] =	wrdreg $0x0  }
0xa5: {  	s5 =	sshll.u32 s23, $0x1;
	[dreg:$0x2] =	wrdreg s4  }
0xa6: {  	[dreg:$0x3] =	wrdreg s5  }
0xa7: {  	[dreg:$0x4] =	wrdreg $0xC0  }
0xa8: {  	s24 =	simm.s32 $execute1_lowered;
	_ =	task [dreg:s18], $0x5FFFF  }
0xa9: {  	s4 =	sshll.u32 s24, $0x1;
	[dreg:$0x1] =	wrdreg $0xFFFFFFFF  }
0xaa: {  	s2 =	sadd.s32 s2, s4;
	[dreg:$0x0] =	wrdreg $0x60  }
0xab: {  	[dreg:$0x2] =	wrdreg s2  }
0xac: {  	[dreg:$0x3] =	wrdreg s20  }
0xad: {  	[dreg:$0x4] =	wrdreg s14  }
0xae: {  	[dreg:$0x5] =	wrdreg $0x9  }
0xaf: {  	_ =	task.clear_ibuf [dreg:s18], $0x6FFFF;
	_ =	strace $0x90000049  }
0xb0: {  	s25 =	simm.s32 $0x9;
	_ =	strace $0x8000004B  }
0xb1: {  	_ =	swait.ge [sflag:s25], $0x1  }
0xb2: {  	[sflag:s25] =	ssyncadd.s32 $0xFFFFFFFF  }
0xb3: {  	_ =	strace $0x9000004B  }
0xb4: {  	_ =	strace $0x8000004C;
	[dreg:$0x1] =	wrdreg $0xFFFFFFFF  }
0xb5: {  	[dreg:$0x0] =	wrdreg $0x2030  }
0xb6: {  	[dreg:$0x2] =	wrdreg s14  }
0xb7: {  	[dreg:$0x3] =	wrdreg s20  }
0xb8: {  	[dreg:$0x4] =	wrdreg $0xA  }
0xb9: {  	_ =	task.clear_ibuf [dreg:s18], $0x5FFFF;
	_ =	strace $0x9000004C  }
0xba: {  	s26 =	simm.s32 $0xA;
	_ =	strace $0x8000004E  }
0xbb: {  	_ =	swait.ge [sflag:s26], $0x1  }
0xbc: {  	[sflag:s26] =	ssyncadd.s32 $0xFFFFFFFF  }
0xbd: {  	_ =	strace $0x9000004E  }
0xbe: {  	_ =	sfence  }
0xbf: {  	s28 =	sld [smem:$0x0];
	_ =	sdelay $0x1  }
0xc0: {  	s29 =	srdreg.scid  }
0xc1: {  	s30 =	sshll.u32 s29, $0xD;
	s31 =	sshrl.u32 s29, $0x2  }
0xc2: {  	s3 =	sand.u32 $0x4000, s30;
	s2 =	sand.u32 $0x1, s29;
	s1 =	sadd.s32 s31, s28  }
0xc3: {  	s2 =	sor.u32 s3, s2;
	s1 =	sshll.u32 s1, $0x11  }
0xc4: {  	s1 =	sor.u32 s1, s2  }
0xc5: {  	s1 =	sadd.s32 $0x8F2B, s1  }
0xc6: {  	[sflag:s1] =	ssyncadd.remote.s32 $0x1  }
0xc7: {  	_ =	sfence.sel $0xFFFF  }
0xc8: {  	[dreg:$0x0] =	wrdreg $0xFFFFFFFF;
	(pc) =	sbr.abs _section_cstart, $3  }
0xc9: {  	[dreg:$0x1] =	wrdreg $0xFFFFFFFF  }
0xca: {  	_ =	task.clear_ibuf [dreg:s18], $0x2FFFF;
	_ =	strace $0x9FFFFFFF  }
0xcb: {  	(tm) =	ssettm $0x7FFFFFFF  }
tec
execute0_lowered:
.L_overlay_start_1:
0x0: {  	(tag) =	ssettag $0x1  }
0x1: {  	s3 =	rddreg [dreg:$0x0]  }
0x2: {  	s5 =	rddreg [dreg:$0x1]  }
0x3: {  	s2 =	rddreg [dreg:$0x2]  }
0x4: {  	s0 =	rddreg [dreg:$0x3];
	s4 =	stileid.u32  }
0x5: {  	[bflag:$0x3] =	sbarrier.arrive $0xFFFF;
	s1 =	simm.s32 $_size_execute1_lowered;
	p0 =	sne.s32 s4, $0x0  }
0x6: {  	s1 =	sshll.u32 s1, $0x1;
	s6 =	simm.s32 @!p0 $0x1C3F;
	s7 =	simm.s32 @!p0 $0x4060  }
0x7: {  	[timem:s7], [sflag:s6] =	dma.local @!p0 [hbm:s3], s1  }
0x8: {  	s3 =	smul.u32 $0x280, s4  }
.Ltmp0:
0x9: {  	s31 =	simm.s32 $0x2;
	(pc) =	sbr.rel .LBB2_1-.Ltmp0, $4  }
0xa: {  	s8 =	simm.s32 $0x780;
	s10 =	simm.s32 $0x0;
	s9 =	simm.s32 $0x0  }
0xb: {  	s4 =	simm.s32 $0x1;
	_ =	strace $0x8000004A;
	s30 =	sshrl.u32 s3, $0x3  }
0xc: {  	s6 =	simm.s32 $0x0;
	[sflag:s4] =	ssyncpa.u1 $0x0;
	s5 =	sadd.s32 s30, s5  }
0xd: {  	s7 =	simm.s32 $0x280;
	[sflag:s31] =	ssyncpa.u1 $0x0;
	s5 =	sadd.s32 $0x7200, s5  }
.LBB2_8:
0xe: {  	p1 =	seq.s32 s9, $0x2  }
.Ltmp1:
0xf: {  	_ = 	snop;
	(pc) =	sbr.rel @p1 .LBB2_10-.Ltmp1, $1  }
0x10: {  	_ =	sdelay $0x3  }
.LBB2_9:
0x11: {  	s9 =	sadd.s32 $0x1, s9;
	s10 =	smov.u32 s3  }
.LBB2_1:
0x12: {  	p1 =	sne.s32 s9, $0x0  }
.Ltmp2:
0x13: {  	_ = 	snop;
	(pc) =	sbr.rel @!p1 .LBB2_2-.Ltmp2, $1  }
0x14: {  	_ =	sdelay $0x3  }
0x15: {  	s11 =	sand.u32 $0x1, s9  }
0x16: {  	p1 =	seq.s32 s11, $0x0  }
.Ltmp3:
0x17: {  	_ = 	snop;
	(pc) =	sbr.rel @p1 .LBB2_8-.Ltmp3, $1  }
0x18: {  	_ =	sdelay $0x3  }
0x19: {  	_ =	swait.ge [sflag:s4], $0x280  }
0x1a: {  	[sflag:s4] =	ssyncset.done $0x0  }
0x1b: {  	s11 =	simm.s32 $0x0;
	p1 =	por $0x1, $0x1;
	[sflag:s4] =	ssyncadd.s32 $0xFFFFFD80  }
.LBB2_5:
0x1c: {  	v0 =	vld [tilespmem:s11+$0x280]  }
0x1d: {  	v1 =	vld [tilespmem:s11+$0x290]  }
0x1e: {  	v2 =	vld [tilespmem:s11+$0x2A0]  }
0x1f: {  	v3 =	vld [tilespmem:s11+$0x2B0]  }
0x20: {  	v4 =	vld [tilespmem:s11+$0x2C0]  }
0x21: {  	v53 =	vld [tilespmem:s11+$0x2D0];
	[tilespmem:s11+$0x780] =	vst v0  }
0x22: {  	v54 =	vld [tilespmem:s11+$0x2E0];
	[tilespmem:s11+$0x790] =	vst v1  }
0x23: {  	v55 =	vld [tilespmem:s11+$0x2F0];
	[tilespmem:s11+$0x7A0] =	vst v2  }
0x24: {  	v56 =	vld [tilespmem:s11+$0x300];
	[tilespmem:s11+$0x7B0] =	vst v3  }
0x25: {  	v57 =	vld [tilespmem:s11+$0x310];
	[tilespmem:s11+$0x7C0] =	vst v4  }
0x26: {  	v58 =	vld [tilespmem:s11+$0x320];
	[tilespmem:s11+$0x7D0] =	vst v53  }
0x27: {  	v59 =	vld [tilespmem:s11+$0x330];
	[tilespmem:s11+$0x7E0] =	vst v54  }
0x28: {  	v60 =	vld [tilespmem:s11+$0x340];
	[tilespmem:s11+$0x7F0] =	vst v55  }
0x29: {  	v61 =	vld [tilespmem:s11+$0x350];
	[tilespmem:s11+$0x800] =	vst v56  }
0x2a: {  	v62 =	vld [tilespmem:s11+$0x360];
	[tilespmem:s11+$0x810] =	vst v57  }
0x2b: {  	v63 =	vld [tilespmem:s11+$0x370];
	p2 =	por p1, p1;
	[tilespmem:s11+$0x820] =	vst v58  }
.Ltmp4:
0x2c: {  	[tilespmem:s11+$0x830] =	vst v59;
	(pc) =	sbr.rel @p2 .LBB2_5-.Ltmp4, $4  }
0x2d: {  	[tilespmem:s11+$0x840] =	vst v60  }
0x2e: {  	[tilespmem:s11+$0x850] =	vst v61  }
0x2f: {  	s12 =	simm.s32 $0x1F0;
	s13 =	simm.s32 $0x980;
	[tilespmem:s11+$0x860] =	vst v62  }
0x30: {  	s14 =	simm.s32 $0x480;
	p1 =	por $0x0, $0x0;
	[tilespmem:s11+$0x870] =	vst v63;
	s11 =	simm.s32 $0x100  }
.LBB2_6:
0x31: {  	s12 =	sadd.s32 $0x10, s12  }
0x32: {  	v0 =	vld [tilespmem:s14+$0x0];
	p1 =	slt.u32 s12, $0x270  }
.Ltmp5:
0x33: {  	_ = 	snop;
	(pc) =	sbr.rel @p1 .LBB2_6-.Ltmp5, $2  }
0x34: {  	_ =	sdelay $0x2  }
0x35: {  	s14 =	sadd.s32 $0x10, s14;
	[tilespmem:s13+$0x0] =	vst v0;
	s13 =	sadd.s32 $0x10, s13  }
.Ltmp6:
0x36: {  	(pc) =	sbr.rel .LBB2_8-.Ltmp6, $4  }
0x37: {  	_ = 	snop  }
0x38: {  	s10 =	sshrl.u32 s10, $0x3  }
0x39: {  	s10 =	sadd.s32 s2, s10  }
0x3a: {  	[hbm4b:s10+s6] =	stream.linear.scatter [tilespmem:s8], [sflag:$0x2], $0x280, $0x38;
	[tilespmem:$0xA00] =	vst v63  }
.LBB2_2:
.Ltmp7:
0x3b: {  	(pc) =	sbr.rel .LBB2_9-.Ltmp7, $2  }
0x3c: {  	_ =	sdelay $0x2  }
0x3d: {  	[tilespmem:s7], [sflag:$0x1] =	stream.linear.gather [hbm4b:s5+s6], $0x280, $0x38;
	[tilespmem:$0xA00] =	vst v63  }
.LBB2_10:
0x3e: {  	s2 =	simm.s32 $0x2  }
0x3f: {  	_ =	swait.ge [sflag:s2], $0x280  }
0x40: {  	[sflag:s2] =	ssyncset.done $0x0  }
0x41: {  	[sflag:s2] =	ssyncadd.s32 $0xFFFFFD80  }
0x42: {  	_ =	sfence.sel $0x180000  }
0x43: {  	s3 =	simm.s32 $0x1;
	[bflag:$0x0] =	sbarrier.arrive $0xFFFF  }
0x44: {  	[sflag:s3] =	ssyncpa.u1 $0x1  }
0x45: {  	[sflag:s2] =	ssyncpa.u1 $0x1  }
0x46: {  	_ =	strace $0x9000004A  }
0x47: {  	s0 =	sadd.s32 @!p0 $0x100000, s0;
	[bflag:$0x2] =	sbarrier.arrive $0xFFFF  }
0x48: {  	[sflag:s0] =	ssyncadd.tile.s32 @!p0 $0x1;
	s0 =	simm.s32 @!p0 $0x3F  }
0x49: {  	_ =	swait.ge @!p0 [sflag:s0], s1  }
0x4a: {  	s1 =	ssub.s32 @!p0 $0x0, s1;
	[sflag:s0] =	ssyncset.done @!p0 $0x0  }
0x4b: {  	[sflag:s0] =	ssyncadd.s32 @!p0 s1  }
0x4c: {  	[bflag:$0x3] =	sbarrier.arrive $0xFFFF  }
0x4d: {  	_ =	shalt  }
.Lfunc_end2:
execute1_lowered:
.L_overlay_start_2:
0x4e: {  	(tag) =	ssettag $0x2  }
0x4f: {  	s1 =	rddreg [dreg:$0x0]  }
0x50: {  	s0 =	rddreg [dreg:$0x1];
	_ =	strace $0x8000004D;
	s2 =	simm.s32 $0x1  }
0x51: {  	v1 =	vimm.s32 $0xFFFFFFFF;
	[sflag:s2] =	ssyncpa.u1 $0x0  }
0x52: {  	[tilespmem:$0x10] =	vst v1  }
0x53: {  	v0 =	vimm.f32 $0.0e+00;
	s6 =	stileid.u32;
	[tilespmem:$0x20] =	vst v1  }
0x54: {  	s4 =	simm.s32 $0x4000;
	s29 =	simm.s32 $0x2;
	s7 =	simm.s32 $0x7;
	[tilespmem:$0x30] =	vst v0  }
0x55: {  	s8 =	simm.s32 $0x8;
	s30 =	simm.s32 $0x9;
	s16 =	simm.s32 $0x0;
	[tilespmem:$0x40] =	vst v0  }
0x56: {  	s17 =	simm.s32 $0xFFFFE000;
	s18 =	simm.s32 $0xF0;
	s19 =	simm.s32 $0xFFFFFFFF;
	[tilespmem:$0x50] =	vst v0  }
0x57: {  	s20 =	simm.s32 $0xFFFFC100;
	s21 =	simm.s32 $0xFFFFFFFE;
	s28 =	smin.u32 s6, $0x4;
	[tilespmem:$0x60] =	vst v1  }
0x58: {  	s22 =	simm.s32 $0xF;
	p0 =	slt.u32 s6, $0x4;
	[tilespmem:$0x70] =	vst v1;
	s2 =	sadd.s32 s6, s28  }
0x59: {  	s26 =	simm.s32 $0x0;
	[tilespmem:$0x80] =	vst v1;
	s4 =	simm.s32 @!p0 $0x2000;
	s3 =	sshll.u32 s2, $0xD  }
0x5a: {  	s25 =	simm.s32 $0x0;
	s11 =	sshll.u32 s6, $0x1;
	v1 =	vimm.s32 $0x0;
	[tilespmem:$0xB0] =	vst v0;
	s2 =	sadd.s32 s4, s3  }
0x5b: {  	s14 =	sshllo.u32 s6, $0x1;
	s13 =	sor.u32 $0x81, s11;
	[tilespmem:$0x90] =	vst v1;
	s5 =	smin.u32 s2, $0x28000  }
0x5c: {  	s15 =	sor.u32 $0x80, s11;
	[tilespmem:$0xA0] =	vst v1;
	[sflag:s29] =	ssyncpa.u1 $0x0;
	s2 =	ssub.s32 s5, s3  }
.Ltmp8:
0x5d: {  	s4 =	sadd.s32 $0x1B200, s0;
	p0 =	sgt.s32 s2, $0x0;
	(pc) =	sbr.rel .LBB3_1-.Ltmp8, $4  }
0x5e: {  	s0 =	sadd.s32 $0x11200, s0;
	[sflag:s7] =	ssyncpa.u1 $0x0;
	s2 =	simm.s32 @!p0 $0x0  }
0x5f: {  	s24 =	smov.u32 s3;
	[sflag:s8] =	ssyncpa.u1 $0x0;
	s9 =	sshrl.u32 s2, $0xD  }
0x60: {  	vm0 =	vmmov $0xffff;
	v2 =	vlaneseq.u32;
	[dreg:$0x3] =	wrdreg s0;
	[sflag:s30] =	ssyncpa.u1 $0x0;
	s31 =	sadd.s32 $0x1, s9  }
0x61: {  	vm1 =	vmxor vm1, vm1;
	vm2 =	vmmov $0x1;
	vm3 =	vcmask $0x3F3C;
	p0 =	por $0x0, $0x0;
	s12 =	sadd.s32 $0x2, s9;
	[dreg:$0x4] =	wrdreg s31  }
.LBB3_9:
0x62: {  	p1 =	slt.u32 s25, $0x3  }
0x63: {  	s0 =	simm.s32 @!p1 $0x2  }
0x64: {  	_ =	swait.ge @!p1 [sflag:s0], $0x2000  }
0x65: {  	[sflag:s0] =	ssyncset.done @!p1 $0x0  }
0x66: {  	[sflag:s0] =	ssyncadd.s32 @!p1 $0xFFFFE000;
	s0 =	simm.s32 @!p1 $0x9  }
0x67: {  	_ =	swait.ge @!p1 [sflag:s0], $0x10  }
0x68: {  	s2 =	sadd.s32 $0x2000, s24;
	[sflag:s0] =	ssyncset.done @!p1 $0x0  }
0x69: {  	[sflag:s0] =	ssyncadd.s32 @!p1 $0xFFFFFFF0;
	p1 =	slt.s32 s2, s5;
	s0 =	smov.u32 s3  }
0x6a: {  	s0 =	smov.u32 @p1 s2;
	p1 =	sne.s32 s25, s12  }
.Ltmp9:
0x6b: {  	_ = 	snop;
	(pc) =	sbr.rel @!p1 .LBB3_10-.Ltmp9, $4  }
0x6c: {  	s31 =	sadd.s32 $0x1, s25  }
0x6d: {  	s17 =	sadd.s32 $0x2000, s17;
	s18 =	sadd.s32 $0x2000, s18;
	s19 =	sadd.s32 $0x1, s19  }
0x6e: {  	s26 =	smov.u32 s24;
	p0 =	por !p0, !p0;
	s20 =	sadd.s32 $0x2000, s20  }
0x6f: {  	s21 =	sadd.s32 $0x1, s21;
	s25 =	smov.u32 s31;
	s24 =	smov.u32 s0  }
.LBB3_1:
0x70: {  	p1 =	sge.u32 s25, s9  }
0x71: {  	s0 =	smulhi.u32 @!p1 $0xAAAAAAAB, s25;
	_ =	sdelay $0x1  }
0x72: {  	s0 =	sshrl.u32 @!p1 s0, $0x1  }
0x73: {  	s0 =	smul.u32 @!p1 $0x3, s0;
	_ =	sdelay $0x1  }
0x74: {  	s0 =	ssub.s32 @!p1 s25, s0  }
0x75: {  	s2 =	sshrl.u32 @!p1 s24, $0x3;
	s0 =	sshll.u32 @!p1 s0, $0xD  }
0x76: {  	s6 =	sand.u32 @!p1 $0x7, s24;
	s2 =	sadd.s32 @!p1 s4, s2;
	s0 =	sor.u32 @!p1 $0x100, s0  }
0x77: {  	[tilespmem:s0], [sflag:$0x7] =	stream.linear.gather @!p1 [hbm4b:s2+s6], $0x2000, $0x38;
	[tilespmem:$0x12120] =	vst v63  }
0x78: {  	s2 =	sadd.s32 $0xFFFFFFFF, s25  }
0x79: {  	p1 =	sge.u32 s2, s9  }
.Ltmp10:
0x7a: {  	_ = 	snop;
	(pc) =	sbr.rel @p1 .LBB3_5-.Ltmp10, $1  }
0x7b: {  	_ =	sdelay $0x3  }
0x7c: {  	s0 =	smulhi.u32 $0xAAAAAAAB, s2;
	_ =	sdelay $0x1  }
0x7d: {  	s0 =	sshrl.u32 s0, $0x1  }
0x7e: {  	s0 =	smul.u32 $0x3, s0;
	_ =	sdelay $0x1  }
0x7f: {  	s0 =	ssub.s32 s2, s0  }
0x80: {  	_ =	swait.ge [sflag:s7], $0x2000;
	s0 =	sshll.u32 s0, $0xD  }
0x81: {  	[sflag:s7] =	ssyncset.done $0x0;
	s0 =	sor.u32 $0x100, s0  }
0x82: {  	[sflag:s7] =	ssyncadd.s32 $0xFFFFE000;
	(ifvalue) =	ssetifvalue $0xFFFFFFFF;
	v3 =	vld.msk [tilespmem:s0+$0x0 ss:$0x1], $0xffff;
	_ =	sdelay $0x2  }
0x83: {  	s29 =	smulhi.u32 $0xAAAAAAAB, s19;
	p1 =	sne.s32 s25, $0x1  }
0x84: {  	v4 =	vimm.s32 @!p1 $0x0  }
0x85: {  	s0 =	sshrl.u32 s29, $0x1;
	v4 =	vperm.xlane @!p1 v3, v4  }
0x86: {  	s6 =	sshll.u32 s25, $0x4;
	s0 =	smul.u32 $0xFFFE8000, s0;
	vm4 =	vlt.u32 v3, $0x2800  }
0x87: {  	s6 =	sand.u32 $0x10, s6;
	v3 =	vnsel vm4, $0xFFFFFFFE, v3;
	vm4 =	vlt.u32 @!p1 v4, $0x2800  }
0x88: {  	s0 =	sshra.s32 s0, $0x2;
	[tilespmem:s6+$0x60] =	vst v3;
	v3 =	vnsel @!p1 vm4, $0xFFFFFFFE, v4  }
0x89: {  	s28 =	sadd.s32 s0, s18;
	[tilespmem:$0x80] =	vst @!p1 v3  }
0x8a: {  	v3 =	vld.msk [tilespmem:s28+$0x0 ss:$0x1], $0xffff;
	_ =	sdelay $0x4  }
0x8b: {  	(xrf1) =	vunique.msk.u32 $0xffff, v3;
	_ =	sdelay $0xd  }
0x8c: {  	v4 =	vimm.s32 $0xFFFFFFFF;
	v5, _, _ =	vpop (xrf1)  }
0x8d: {  	vm5 =	vne.s32 v3, v4;
	vm4 =	veq.s32 v5, v2  }
0x8e: {  	vm6 =	vlt.u32 v3, $0x2800;
	vm4 =	vmand vm5, vm4  }
0x8f: {  	vm4 =	vmand vm6, vm4  }
0x90: {  	v4 =	vnsel vm4, $0xFFFFFFFF, v3;
	_ =	sdelay $0x2  }
0x91: {  	s30 =	sand.u32 $0x2000, s17  }
0x92: {  	s31 =	sshll.u32 s2, $0xD;
	s0 =	sor.u32 $0x80F0, s30;
	(ifvalue) =	ssetifvalue $0xFFFFFFFF  }
0x93: {  	v3 =	vperm.xlane v3, v1;
	[tilespmem:s0], [sflag:$0x8] =	stream.indirect_vreg.gather [hbm4b:s1+s16], $0x1, v4, vm0, $0x4038;
	v4 =	vnsel vm6, $0xFFFFFFFE, v4;
	[tilespmem:$0x12120] =	vst v63  }
0x94: {  	s23 =	simm.s32 $0x0;
	s2 =	sand.u32 $0x2000, s31;
	s6 =	sadd.s32 $0xFFFFFFF0, s28;
	[tilespmem:s28+$0x0] =	vst v4  }
.LBB3_3:
0x95: {  	v4 =	vld.msk [tilespmem:s6+$0x0 ss:$0x1], $0xffff;
	s23 =	sadd.s32 $0x10, s23;
	v5 =	vmov v3;
	s28 =	smov.u32 s6  }
0x96: {  	p1 =	slt.u32 s23, $0x1FF0;
	_ =	sdelay $0x4  }
0x97: {  	v3 =	vperm.xlane v4, v1;
	(xrf1) =	vunique.msk.u32 $0xffff, v4;
	_ =	sdelay $0xd  }
0x98: {  	v6, _, _ =	vpop (xrf1)  }
0x99: {  	vm5 =	vne.s32 v4, v5;
	vm4 =	veq.s32 v6, v2  }
0x9a: {  	vm6 =	vlt.u32 v4, $0x2800;
	vm4 =	vmand vm5, vm4  }
0x9b: {  	vm4 =	vmand vm6, vm4  }
0x9c: {  	v4 =	vnsel vm4, $0xFFFFFFFF, v4  }
.Ltmp11:
0x9d: {  	v5 =	vnsel vm6, $0xFFFFFFFE, v4;
	(pc) =	sbr.rel @p1 .LBB3_3-.Ltmp11, $3  }
0x9e: {  	_ =	sdelay $0x1  }
0x9f: {  	s6 =	sadd.s32 $0xFFFFFFF0, s6;
	s0 =	sadd.s32 $0xFFFFFFF0, s0;
	(ifvalue) =	ssetifvalue $0xFFFFFFFF  }
0xa0: {  	[tilespmem:s0], [sflag:$0x8] =	stream.indirect_vreg.gather [hbm4b:s1+s16], $0x1, v4, vm0, $0x4038;
	[tilespmem:s28+$0x0] =	vst v5  }
0xa1: {  	s0 =	sshrl.u32 s26, $0x3;
	s6 =	rddreg [dreg:$0x3]  }
0xa2: {  	s2 =	sadd.s32 $0xA100, s2;
	s0 =	sadd.s32 s6, s0  }
0xa3: {  	[tilespmem:s2], [sflag:$0x8] =	stream.linear.gather [hbm:s0], $0x2000, $0x38;
	[tilespmem:$0x12120] =	vst v63  }
.LBB3_5:
0xa4: {  	p1 =	slt.u32 s25, $0x2  }
0xa5: {  	p2 =	sge.u32 @!p1 s25, s12  }
0xa6: {  	p1 =	por p1, p2  }
.Ltmp12:
0xa7: {  	_ = 	snop;
	(pc) =	sbr.rel @p1 .LBB3_9-.Ltmp12, $1  }
0xa8: {  	_ =	sdelay $0x3  }
0xa9: {  	s0 =	sadd.s32 $0xFFFFFFFE, s25  }
0xaa: {  	s2 =	smulhi.u32 $0xAAAAAAAB, s0;
	_ =	sdelay $0x1  }
0xab: {  	s2 =	sshrl.u32 s2, $0x1  }
0xac: {  	s2 =	smul.u32 $0x3, s2  }
0xad: {  	_ =	swait.ge [sflag:s8], $0x4000  }
0xae: {  	s6 =	rddreg [dreg:$0x4];
	s0 =	ssub.s32 s0, s2  }
0xaf: {  	[sflag:s8] =	ssyncset.done $0x0;
	p1 =	sne.s32 s25, s6;
	s0 =	sshll.u32 s0, $0xD  }
0xb0: {  	[sflag:s8] =	ssyncadd.s32 $0xFFFFC000;
	s2 =	sadd.s32 @!p1 $0x20FF, s0  }
0xb1: {  	[spmem:s13] =	stream.linear.scatter @!p1 [tilespmem:s2], [sflag:$0x1], $0x1, $0x38;
	[tilespmem:$0x12120] =	vst v63  }
0xb2: {  	s2 =	simm.s32 @!p1 $0x1  }
0xb3: {  	_ =	swait.ge @!p1 [sflag:s2], $0x1  }
0xb4: {  	s6 =	sshll.u32 s25, $0x4;
	[sflag:s2] =	ssyncset.done @!p1 $0x0  }
0xb5: {  	s26 =	sand.u32 $0x10, s6;
	[sflag:s2] =	ssyncadd.s32 @!p1 $0xFFFFFFFF  }
0xb6: {  	s2 =	sxor.u32 $0x10, s26;
	v4 =	vld [tilespmem:s26+$0x10]  }
0xb7: {  	v5 =	vld [tilespmem:s2+$0x60]  }
0xb8: {  	v3 =	vld [tilespmem:$0x80];
	_ =	sdelay $0x2  }
0xb9: {  	(v2sf) =	vpush v4, $0x0  }
0xba: {  	(v2sf) =	vpush v5, $0x0  }
0xbb: {  	(v2sf) =	vpush v3, $0x0;
	_ =	sdelay $0xc  }
0xbc: {  	s10 =	spop (v2sf)  }
0xbd: {  	s23 =	spop (v2sf)  }
0xbe: {  	s29 =	spop (v2sf)  }
0xbf: {  	p2 =	seq.s32 s10, s23;
	p3 =	seq.s32 s29, s10  }
0xc0: {  	p3 =	por p2, p3  }
0xc1: {  	v4 =	vpsel p3, $0xFFFFFFFF, v4  }
0xc2: {  	s23 =	sand.u32 $0x1, s25;
	[tilespmem:s26+$0x10] =	vst.msk $0x1, v4  }
0xc3: {  	s30 =	sshll.u32 s23, $0xD;
	v4 =	vld [tilespmem:$0x30]  }
0xc4: {  	v5 =	vld [tilespmem:s30+$0xA100]  }
0xc5: {  	v6 =	vld [tilespmem:s26+$0x40];
	_ =	sdelay $0x3  }
0xc6: {  	vm4 =	vmmov vm1;
	v5 =	vadd.f32 v5, v4  }
0xc7: {  	vm5 =	vmmov vm2;
	vm4 =	vmmov @p2 vm2;
	s6 =	sshll.u32 s23, $0x4;
	v4 =	vadd.f32 v6, v4  }
0xc8: {  	s28 =	sor.u32 $0x12100, s6;
	vm5 =	vmmov @p3 vm1;
	[tilespmem:s30+$0xA100] =	vst.msk vm4, v5  }
0xc9: {  	[tilespmem:s28+$0x0] =	vst.msk vm5, v4  }
0xca: {  	v4 =	vld [tilespmem:s30+$0x80F0];
	_ =	sdelay $0x3  }
0xcb: {  	v5 =	vimm.f32 $0.0e+00  }
0xcc: {  	v4 =	vshift.insert v4, v5, s22  }
0xcd: {  	s10 =	sor.u32 $0x40, s2  }
0xce: {  	[tilespmem:s10+$0x0] =	vst.msk $0x1, v4  }
0xcf: {  	[tilespmem:s30+$0x80FF] =	vst.msk $0x1, v5  }
0xd0: {  	v4 =	vld [tilespmem:s0+$0x20F0];
	_ =	sdelay $0x1  }
0xd1: {  	s23 =	smulhi.u32 $0xAAAAAAAB, s21;
	_ =	sdelay $0x1  }
0xd2: {  	s6 =	simm.s32 $0x1;
	s0 =	sshrl.u32 s23, $0x1  }
0xd3: {  	s6 =	simm.s32 @!p0 $0x0;
	s0 =	smul.u32 $0xFFFE8000, s0;
	v4 =	vshift.insert v4, v1, s22  }
0xd4: {  	s6 =	sshll.u32 s6, $0xD  }
0xd5: {  	s31 =	sadd.s32 $0xA100, s6;
	s0 =	sshra.s32 s0, $0x2;
	[tilespmem:s2+$0x10] =	vst.msk $0x1, v4  }
0xd6: {  	s10 =	sadd.s32 s0, s20;
	v6 =	vld [tilespmem:s31+$0x0]  }
0xd7: {  	v7 =	vld [tilespmem:s10+$0x0];
	_ =	sdelay $0x3  }
0xd8: {  	v5 =	vadd.f32 v6, v5  }
0xd9: {  	vm4 =	vne.s32 v7, $0xFFFFFFFF  }
0xda: {  	(xrf2) =	vadd.seg.scan.f32 vm4, v5;
	_ =	sdelay $0x3  }
0xdb: {  	s0 =	sadd.s32 $0x6100, s6;
	v5 =	vperm.xlane v4, v1  }
0xdc: {  	v6 =	vld [tilespmem:s0+$0x0]  }
0xdd: {  	vm5 =	veq.s32 v7, v3;
	vm6 =	veq.s32 v7, v5  }
0xde: {  	vm7 =	vgt.u32 v7, $0xFFFFFFFD;
	vm6 =	vmor vm6, vm5  }
0xdf: {  	vm6 =	vmor vm6, vm7  }
0xe0: {  	v9 =	vld [tilespmem:$0xA0];
	v7 =	vsel vm6, $0xFFFFFFFF, v7  }
0xe1: {  	v10 =	vld [tilespmem:$0x90];
	v6 =	vsel vm5, $0x0, v6;
	v8, _, _ =	vpop (xrf2)  }
0xe2: {  	v6 =	vadd.f32 v8, v6  }
0xe3: {  	s2 =	sadd.s32 $0xE100, s6  }
0xe4: {  	vm4 =	vmand vm4, vm3;
	[tilespmem:s2+$0x0] =	vst v6;
	(ifvalue) =	ssetifvalue $0xFFFFFFFF  }
0xe5: {  	vm6 =	veq.s32 v9, $0x1;
	[hbm4b:s1+s16] =	stream.indirect_vreg.scatter [tilespmem:s2], [sflag:$0x2], $0x1, v7, vm0, $0x4038;
	v7 =	vsel vm4, $0x0, v8;
	[tilespmem:$0x12120] =	vst v63  }
0xe6: {  	s23 =	simm.s32 $0x0;
	s6 =	sadd.s32 $0x10, s10;
	vm4 =	vmor vm6, vm5;
	v6 =	vsel vm5, v8, v10;
	v7 =	vshift.insert v7, v0, s22  }
.LBB3_7:
0xe7: {  	v8 =	vld [tilespmem:s6+$0x0];
	s31 =	sadd.s32 $0x10, s31  }
0xe8: {  	s0 =	sadd.s32 $0x10, s0;
	v9 =	vld [tilespmem:s31+$0x0]  }
0xe9: {  	s23 =	sadd.s32 $0x10, s23;
	v10 =	vld [tilespmem:s0+$0x0]  }
0xea: {  	p2 =	slt.u32 s23, $0x1FF0;
	_ =	sdelay $0x2  }
0xeb: {  	v7 =	vadd.f32 v9, v7  }
0xec: {  	vm5 =	vne.s32 v8, $0xFFFFFFFF  }
0xed: {  	vm6 =	vmand vm5, vm3;
	(xrf2) =	vadd.seg.scan.f32 vm5, v7;
	_ =	sdelay $0x5  }
0xee: {  	vm7 =	veq.s32 v8, v5;
	vm5 =	veq.s32 v8, v3  }
0xef: {  	vm8 =	vgt.u32 v8, $0xFFFFFFFD;
	vm4 =	vmor vm4, vm5;
	vm7 =	vmor vm7, vm5  }
0xf0: {  	vm7 =	vmor vm7, vm8  }
0xf1: {  	v8 =	vsel vm7, $0xFFFFFFFF, v8  }
.Ltmp13:
0xf2: {  	v7 =	vsel vm5, $0x0, v10;
	v9, _, _ =	vpop (xrf2);
	(pc) =	sbr.rel @p2 .LBB3_7-.Ltmp13, $4  }
0xf3: {  	v6 =	vsel vm5, v9, v6;
	v10 =	vadd.f32 v9, v7;
	v7 =	vsel vm6, $0x0, v9  }
0xf4: {  	s2 =	sadd.s32 $0x10, s2;
	v7 =	vshift.insert v7, v0, s22  }
0xf5: {  	s6 =	sadd.s32 $0x10, s6;
	[tilespmem:s2+$0x0] =	vst v10;
	(ifvalue) =	ssetifvalue $0xFFFFFFFF  }
0xf6: {  	[hbm4b:s1+s16] =	stream.indirect_vreg.scatter [tilespmem:s2], [sflag:$0x2], $0x1, v8, vm0, $0x4038;
	[tilespmem:$0x12120] =	vst v63  }
0xf7: {  	v3 =	vld [tilespmem:s30+$0x100F0];
	_ =	sdelay $0x4  }
0xf8: {  	v3 =	vshift.insert v3, v0, s22  }
0xf9: {  	s0 =	simm.s32 $0x30  }
0xfa: {  	[tilespmem:s0+$0x0] =	vst.msk $0x1, v3  }
0xfb: {  	v3 =	vsel vm4, $0x1, v1;
	[tilespmem:$0x90] =	vst v6  }
0xfc: {  	s0 =	sadd.s32 @!p1 $0x100FF, s30;
	[tilespmem:$0xA0] =	vst v3  }
0xfd: {  	[spmem:s14] =	stream.linear.scatter @!p1 [tilespmem:s0], [sflag:$0x1], $0x1, $0x38;
	[tilespmem:$0x12120] =	vst v63  }
0xfe: {  	s0 =	simm.s32 @!p1 $0x1  }
0xff: {  	v3 =	vmctz.xlane @!p1 vm4;
	_ =	swait.ge @!p1 [sflag:s0], $0x1  }
0x100: {  	(v2sf) =	vpush @!p1 v4, $0x0  }
0x101: {  	(v2sf) =	vpush @!p1 v3, $0x0;
	_ =	sdelay $0xd  }
0x102: {  	s2 =	spop @!p1 (v2sf)  }
0x103: {  	s6 =	spop @!p1 (v2sf)  }
0x104: {  	p2 =	sne.s32 @!p1 s29, s2;
	p3 =	slt.s32 @!p1 s6, $0xF  }
0x105: {  	[sflag:s0] =	ssyncset.done @!p1 $0x0;
	p2 =	por p2, p1;
	p3 =	por !p3, p1  }
0x106: {  	[sflag:s0] =	ssyncadd.s32 @!p1 $0xFFFFFFFF;
	v3 =	vimm.s32 @!p2 $0xFFFFFFFF;
	s6 =	simm.s32 @p3 $0xF  }
0x107: {  	[tilespmem:$0x80] =	vst @!p2 v3;
	s2 =	sadd.s32 @!p1 $0x90, s6  }
0x108: {  	[spmem:s11] =	stream.linear.scatter @!p1 [tilespmem:s2], [sflag:$0x1], $0x1, $0x38;
	[tilespmem:$0x12120] =	vst v63  }
0x109: {  	_ =	swait.ge @!p1 [sflag:s0], $0x1  }
0x10a: {  	[sflag:s0] =	ssyncset.done @!p1 $0x0  }
0x10b: {  	s2 =	simm.s32 @!p1 $0x80;
	[sflag:s0] =	ssyncadd.s32 @!p1 $0xFFFFFFFF  }
0x10c: {  	[spmem:s15] =	stream.linear.scatter @!p1 [tilespmem:s2], [sflag:$0x1], $0x1, $0x38;
	[tilespmem:$0x12120] =	vst v63  }
0x10d: {  	_ =	swait.ge @!p1 [sflag:s0], $0x1  }
0x10e: {  	[sflag:s0] =	ssyncset.done @!p1 $0x0  }
0x10f: {  	[sflag:s0] =	ssyncadd.s32 @!p1 $0xFFFFFFFF;
	(ifvalue) =	ssetifvalue $0xFFFFFFFF;
	v3 =	vld [tilespmem:s26+$0x10];
	_ =	sdelay $0x3  }
.Ltmp14:
0x110: {  	_ = 	snop;
	(pc) =	sbr.rel .LBB3_9-.Ltmp14, $3  }
0x111: {  	_ =	sdelay $0x1  }
0x112: {  	(ifvalue) =	ssetifvalue $0xFFFFFFFF  }
0x113: {  	[hbm4b:s1+s16] =	stream.indirect_vreg.scatter [tilespmem:s28], [sflag:$0x9], $0x1, v3, vm0, $0x4038;
	[tilespmem:$0x12120] =	vst v63  }
.LBB3_10:
0x114: {  	_ =	sfence.sel $0x180000  }
0x115: {  	s0 =	simm.s32 $0x7;
	[bflag:$0x0] =	sbarrier.arrive $0xFFFF  }
0x116: {  	s26 =	simm.s32 $0x8;
	[sflag:s0] =	ssyncpa.u1 $0x1  }
0x117: {  	s28 =	simm.s32 $0x9;
	[sflag:s26] =	ssyncpa.u1 $0x1  }
0x118: {  	[sflag:s28] =	ssyncpa.u1 $0x1  }
0x119: {  	_ =	sfence.stream.spmem  }
0x11a: {  	s29 =	simm.s32 $0x3;
	[bflag:$0x0] =	sbarrier.arrive $0xFFFF  }
0x11b: {  	s30 =	simm.s32 $0x4;
	[sflag:s29] =	ssyncpa.u1 $0x1  }
0x11c: {  	s31 =	simm.s32 $0x3C;
	s2 =	stileid.u32;
	[sflag:s30] =	ssyncpa.u1 $0x1  }
0x11d: {  	p0 =	sne.s32 s2, $0x0;
	[sflag:s31] =	ssyncpa.u1 $0x1  }
0x11e: {  	s0 =	simm.s32 @p0 $0x1;
	_ =	sfence @p0  }
0x11f: {  	[sflag:s0] =	ssyncpa.u1 @p0 $0x1;
	s0 =	simm.s32 @p0 $0x2  }
0x120: {  	[sflag:s0] =	ssyncpa.u1 @p0 $0x1  }
0x121: {  	_ =	strace @p0 $0x9000004D  }
0x122: {  	[bflag:$0x2] =	sbarrier.arrive @p0 $0xFFFF  }
0x123: {  	_ =	shalt @p0  }
.LBB3_11:
0x124: {  	_ =	sfence.stream.spmem;
	s0 =	simm.s32 $0x5  }
0x125: {  	s2 =	simm.s32 $0x80;
	s3 =	simm.s32 $0xC0;
	[sflag:s0] =	ssyncpa.u1 $0x0  }
0x126: {  	[tilespmem:s3], [sflag:$0x5] =	stream.linear.gather [spmem:s2], $0x20, $0x38;
	[tilespmem:$0x12120] =	vst v63  }
0x127: {  	s2 =	simm.s32 $0x0;
	s3 =	simm.s32 $0xE0  }
0x128: {  	[tilespmem:s3], [sflag:$0x5] =	stream.linear.gather [spmem:s2], $0x20, $0x38;
	[tilespmem:$0x12120] =	vst v63  }
.Ltmp15:
0x129: {  	_ = 	snop;
	(pc) =	sbr.rel .LBB3_12-.Ltmp15, $4  }
0x12a: {  	_ =	swait.ge [sflag:s0], $0x40  }
0x12b: {  	[sflag:s0] =	ssyncset.done $0x0  }
0x12c: {  	s31 =	simm.s32 $0x6;
	[sflag:s0] =	ssyncadd.s32 $0xFFFFFFC0  }
0x12d: {  	s4 =	simm.s32 $0x0;
	[sflag:s31] =	ssyncpa.u1 $0x0  }
.LBB3_17:
0x12e: {  	p0 =	sgt.u32 s0, $0x27FF  }
0x12f: {  	s5 =	sshrl.u32 @!p0 s0, $0x3  }
0x130: {  	s0 =	sand.u32 @!p0 $0x7, s0;
	s6 =	simm.s32 @!p0 $0xB0;
	s5 =	sadd.s32 @!p0 s1, s5  }
0x131: {  	[tilespmem:s6], [sflag:$0x6] =	stream.linear.gather @!p0 [hbm4b:s5+s0], $0x1, $0x38;
	[tilespmem:$0x12120] =	vst v63  }
0x132: {  	s0 =	simm.s32 @!p0 $0x6  }
0x133: {  	_ =	swait.ge @!p0 [sflag:s0], $0x1  }
0x134: {  	[sflag:s0] =	ssyncset.done @!p0 $0x0  }
0x135: {  	[sflag:s0] =	ssyncadd.s32 @!p0 $0xFFFFFFFF  }
0x136: {  	v2 =	vmov @!p0 s4;
	v1 =	vld.msk @!p0 [tilespmem:$0xB0], $0x1;
	_ =	sdelay $0x3  }
0x137: {  	s0 =	simm.s32 @!p0 $0xE0  }
0x138: {  	[tilespmem:v2+s0+$0x0], v1 =	vst.idx.ret.add.f32.msk @!p0 $0x1, v1  }
0x139: {  	[tilespmem:s2+$0xC0] =	vst.msk $0x1, v0  }
0x13a: {  	v0 =	vld.msk [tilespmem:s4+$0xE0], $0x1;
	_ =	sdelay $0x4  }
0x13b: {  	[tilespmem:s2+$0xE0] =	vst.msk $0x1, v0;
	s2 =	sadd.s32 $0x1, s2  }
.LBB3_19:
0x13c: {  	s4 =	sadd.s32 $0x1, s4  }
0x13d: {  	p0 =	sne.s32 s4, $0x20  }
.Ltmp16:
0x13e: {  	_ = 	snop;
	(pc) =	sbr.rel @!p0 .LBB3_20-.Ltmp16, $1  }
0x13f: {  	_ =	sdelay $0x3  }
.LBB3_12:
0x140: {  	v0 =	vld.msk [tilespmem:s4+$0xC0], $0x1;
	_ =	sdelay $0x4  }
0x141: {  	(v2sf) =	vpush v0, $0x0;
	_ =	sdelay $0xe  }
0x142: {  	s0 =	spop (v2sf)  }
0x143: {  	p0 =	seq.s32 s0, $0xFFFFFFFF  }
.Ltmp17:
0x144: {  	_ = 	snop;
	(pc) =	sbr.rel @p0 .LBB3_19-.Ltmp17, $1  }
0x145: {  	_ =	sdelay $0x3  }
0x146: {  	p0 =	slt.s32 s2, $0x1  }
.Ltmp18:
0x147: {  	_ = 	snop;
	(pc) =	sbr.rel @p0 .LBB3_17-.Ltmp18, $1  }
0x148: {  	_ =	sdelay $0x3  }
0x149: {  	s5 =	simm.s32 $0xC0;
	p0 =	por $0x0, $0x0  }
0x14a: {  	v1 =	vld.msk @!p0 [tilespmem:s5+$0x0], $0x1;
	_ =	sdelay $0x4  }
0x14b: {  	(v2sf) =	vpush @!p0 v1, $0x0;
	_ =	sdelay $0xd  }
0x14c: {  	p2 =	sne.s32 s2, $0x1  }
.Ltmp19:
0x14d: {  	s6 =	spop @!p0 (v2sf);
	(pc) =	sbr.rel @!p2 .LBB3_16-.Ltmp19, $4  }
0x14e: {  	p1 =	seq.s32 @!p0 s0, s6  }
0x14f: {  	s6 =	simm.s32 $0x0;
	p1 =	por !p1, p0  }
0x150: {  	s8 =	simm.s32 $0xFFFFFFFF;
	s6 =	simm.s32 @p1 $0xFFFFFFFF  }
0x151: {  	s7 =	simm.s32 $0x1;
	s6 =	smov.u32 @p0 s8  }
.LBB3_15:
0x152: {  	s8 =	smov.u32 s6;
	p0 =	sne.s32 s6, $0xFFFFFFFF  }
0x153: {  	s5 =	sadd.s32 $0x1, s5;
	s6 =	smov.u32 s7;
	s7 =	sadd.s32 $0x1, s7  }
0x154: {  	p1 =	sne.s32 s2, s7;
	v1 =	vld.msk @!p0 [tilespmem:s5+$0x0], $0x1;
	_ =	sdelay $0x4  }
0x155: {  	(v2sf) =	vpush @!p0 v1, $0x0;
	_ =	sdelay $0xe  }
.Ltmp20:
0x156: {  	s9 =	spop @!p0 (v2sf);
	(pc) =	sbr.rel @p1 .LBB3_15-.Ltmp20, $4  }
0x157: {  	p2 =	seq.s32 @!p0 s0, s9  }
0x158: {  	p2 =	por !p2, p0  }
0x159: {  	s6 =	simm.s32 @p2 $0xFFFFFFFF  }
0x15a: {  	s6 =	smov.u32 @p0 s8  }
.LBB3_16:
0x15b: {  	p0 =	sne.s32 s6, $0xFFFFFFFF  }
.Ltmp21:
0x15c: {  	_ = 	snop;
	(pc) =	sbr.rel @!p0 .LBB3_17-.Ltmp21, $1  }
0x15d: {  	_ =	sdelay $0x3  }
0x15e: {  	v0 =	vld.msk [tilespmem:s4+$0xE0], $0x1;
	v1 =	vmov s6  }
.Ltmp22:
0x15f: {  	_ = 	snop;
	(pc) =	sbr.rel .LBB3_19-.Ltmp22, $2  }
0x160: {  	_ =	sdelay $0x2  }
0x161: {  	[tilespmem:v1+s3+$0x0], v0 =	vst.idx.ret.add.f32.msk $0x1, v0  }
.LBB3_20:
0x162: {  	p0 =	slt.s32 s2, $0x1  }
.Ltmp23:
0x163: {  	_ = 	snop;
	(pc) =	sbr.rel @p0 .LBB3_24-.Ltmp23, $3  }
0x164: {  	_ =	sdelay $0x1  }
0x165: {  	s0 =	simm.s32 $0x6  }
0x166: {  	[sflag:s0] =	ssyncpa.u1 $0x1;
	s0 =	simm.s32 $0x0  }
0x167: {  	s3 =	simm.s32 $0xC0  }
0x168: {  	v0 =	vld.msk [tilespmem:s3+$0x0], $0x1;
	_ =	sdelay $0x4  }
0x169: {  	(v2sf) =	vpush v0, $0x0;
	_ =	sdelay $0xe  }
0x16a: {  	s2 =	sadd.s32 $0xFFFFFFFF, s2;
	s4 =	spop (v2sf)  }
0x16b: {  	p1 =	sne.s32 s2, $0x0;
	p0 =	sgt.u32 s4, $0x27FF  }
.Ltmp24:
0x16c: {  	s5 =	sshrl.u32 @!p0 s4, $0x3;
	(pc) =	sbr.rel @!p1 .LBB3_23-.Ltmp24, $4  }
0x16d: {  	s3 =	simm.s32 $0xE0;
	s4 =	sand.u32 @!p0 $0x7, s4;
	s5 =	sadd.s32 @!p0 s1, s5  }
0x16e: {  	[hbm4b:s5+s4] =	stream.linear.scatter @!p0 [tilespmem:s3], [sflag:$0x5], $0x1, $0x38;
	[tilespmem:$0x12120] =	vst v63  }
0x16f: {  	s5 =	simm.s32 $0x0  }
0x170: {  	s4 =	simm.s32 $0xC1;
	s5 =	simm.s32 @!p0 $0x4  }
.LBB3_22:
0x171: {  	v0 =	vld.msk [tilespmem:s4+$0x0], $0x1;
	s2 =	sadd.s32 $0xFFFFFFFF, s2;
	s0 =	sadd.s32 s0, s5  }
0x172: {  	p0 =	sne.s32 s2, $0x0;
	_ =	sdelay $0x3  }
0x173: {  	(v2sf) =	vpush v0, $0x0;
	_ =	sdelay $0xe  }
.Ltmp25:
0x174: {  	s6 =	spop (v2sf);
	(pc) =	sbr.rel @p0 .LBB3_22-.Ltmp25, $4  }
0x175: {  	s5 =	simm.s32 $0x0;
	p1 =	sgt.u32 s6, $0x27FF  }
0x176: {  	s3 =	sadd.s32 $0x1, s3;
	s5 =	simm.s32 @!p1 $0x4;
	s7 =	sshrl.u32 @!p1 s6, $0x3  }
0x177: {  	s4 =	sadd.s32 $0x1, s4;
	s6 =	sand.u32 @!p1 $0x7, s6;
	s7 =	sadd.s32 @!p1 s1, s7  }
0x178: {  	[hbm4b:s7+s6] =	stream.linear.scatter @!p1 [tilespmem:s3], [sflag:$0x5], $0x1, $0x38;
	[tilespmem:$0x12120] =	vst v63  }
.LBB3_23:
0x179: {  	s0 =	sadd.s32 s0, s5  }
0x17a: {  	s0 =	sshrl.u32 s0, $0x2  }
.LBB3_24:
0x17b: {  	s1 =	simm.s32 $0x5  }
0x17c: {  	_ =	swait.ge [sflag:s1], s0  }
0x17d: {  	s28 =	ssub.s32 $0x0, s0;
	[sflag:s1] =	ssyncset.done $0x0  }
0x17e: {  	[sflag:s1] =	ssyncadd.s32 s28  }
0x17f: {  	[sflag:s1] =	ssyncpa.u1 $0x1  }
0x180: {  	s29 =	simm.s32 $0x1;
	_ =	sfence  }
0x181: {  	s30 =	simm.s32 $0x2;
	[sflag:s29] =	ssyncpa.u1 $0x1  }
0x182: {  	[sflag:s30] =	ssyncpa.u1 $0x1  }
0x183: {  	_ =	strace $0x9000004D  }
0x184: {  	[bflag:$0x2] =	sbarrier.arrive $0xFFFF  }
0x185: {  	s31 =	rddreg [dreg:$0x2]  }
0x186: {  	s0 =	sadd.s32 $0x100000, s31  }
0x187: {  	[sflag:s0] =	ssyncadd.tile.s32 $0x1;
	_ =	shalt  }
.Lfunc_end3:
_tile_overlayer_lowered:
.L_overlay_start_3:
0x188: {  	(tag) =	ssettag $0x3  }
0x189: {  	s0 =	rddreg [dreg:$0x0];
	s2 =	stileid.u32  }
0x18a: {  	s1 =	rddreg [dreg:$0x1];
	p0 =	sne.s32 s2, $0x0  }
0x18b: {  	s3 =	rddreg [dreg:$0x2];
	[bflag:$0x3] =	sbarrier.arrive $0xFFFF;
	s2 =	simm.s32 @!p0 $0x1C01  }
0x18c: {  	[timem:s3], [sflag:s2] =	dma.local @!p0 [hbm:s0], s1  }
0x18d: {  	s0 =	simm.s32 @!p0 $0x1  }
0x18e: {  	_ =	swait.ge @!p0 [sflag:s0], s1  }
0x18f: {  	s1 =	ssub.s32 @!p0 $0x0, s1;
	[sflag:s0] =	ssyncset.done @!p0 $0x0  }
0x190: {  	[sflag:s0] =	ssyncadd.s32 @!p0 s1  }
0x191: {  	[bflag:$0x3] =	sbarrier.arrive $0xFFFF  }
0x192: {  	_ =	shalt  }

</sc_bundles>
